<compile_context>
chip_gen: v7x
topology: tpu7x:2x2x1
jax: 0.10.2.dev20260603
libtpu: 0.0.44.dev20260713+nightly
codegen_flags: <defaults>
</compile_context>

<pallas_src>
import functools

import jax
import jax.numpy as jnp
from jax import lax
from jax.experimental import pallas as pl
from jax.experimental.pallas import tpu as pltpu
from jax.experimental.pallas import tpu_sc as plsc

B, K_IN, K_OUT = 2048, 256, 256
IN_DIM, OUT_DIM = 2048, 8192

NC, NS, L = 2, 16, 16
NW = NC * NS
TOK_PER_W = B // NW
CHUNK = 16

_MESH = plsc.VectorSubcoreMesh(core_axis_name="c", subcore_axis_name="s")
_SC_PARAMS = pltpu.CompilerParams(needs_layout_passes=False)

@functools.partial(
    pl.kernel,
    mesh=_MESH,
    out_type=jax.ShapeDtypeStruct((B, IN_DIM), jnp.float32),
    scratch_types=[
        pltpu.VMEM((TOK_PER_W, K_IN), jnp.int32),
        pltpu.VMEM((TOK_PER_W, K_IN), jnp.float32),
        pltpu.VMEM((CHUNK, IN_DIM), jnp.float32),
        pltpu.VMEM((CHUNK, IN_DIM), jnp.float32),
        pltpu.SemaphoreType.DMA,
        pltpu.SemaphoreType.DMA,
        pltpu.SemaphoreType.DMA,
    ],
    compiler_params=_SC_PARAMS,
)
def _scatter_kernel(vals_hbm, idx_hbm, x_hbm, idx_v, vals_v, rowsA, rowsB, semI, semA, semB):
    wid = lax.axis_index("s") * NC + lax.axis_index("c")
    tok0 = wid * TOK_PER_W
    pltpu.async_copy(idx_hbm.at[pl.ds(tok0, TOK_PER_W)], idx_v, semI)
    pltpu.async_copy(vals_hbm.at[pl.ds(tok0, TOK_PER_W)], vals_v, semI)

    zeros = jnp.zeros((L,), jnp.float32)
    bufs = (rowsA, rowsB)
    sems = (semA, semB)

    for rows_v in bufs:
        def zero_row(r, c, rows_v=rows_v):
            def zero_col(i, c2):
                rows_v[r, pl.ds(i * L, L)] = zeros
                return c2

            lax.fori_loop(0, IN_DIM // L, zero_col, 0)
            return c

        lax.fori_loop(0, CHUNK, zero_row, 0)

    pltpu.make_async_copy(idx_hbm.at[pl.ds(tok0, TOK_PER_W)], idx_v, semI).wait()
    pltpu.make_async_copy(vals_hbm.at[pl.ds(tok0, TOK_PER_W)], vals_v, semI).wait()

    def scatter_chunk(ci, rows_v):
        def tok_scatter(tl, c2, rows_v=rows_v):
            t = ci * CHUNK + tl
            tvec = jnp.full((L,), tl, jnp.int32)
            for g in range(K_IN // L):
                iv = idx_v[t, pl.ds(g * L, L)]
                vv = vals_v[t, pl.ds(g * L, L)]
                plsc.addupdate_scatter(rows_v, [tvec, iv], vv)
            return c2

        lax.fori_loop(0, CHUNK, tok_scatter, 0)

    def rezero_chunk(ci, rows_v):
        def tok_rezero(tl, c2, rows_v=rows_v):
            t = ci * CHUNK + tl
            tvec = jnp.full((L,), tl, jnp.int32)
            for g in range(K_IN // L):
                iv = idx_v[t, pl.ds(g * L, L)]
                plsc.store_scatter(rows_v, [tvec, iv], zeros)
            return c2

        lax.fori_loop(0, CHUNK, tok_rezero, 0)

    def write_desc(ci, rows_v, sem):
        return pltpu.make_async_copy(
            rows_v, x_hbm.at[pl.ds(tok0 + ci * CHUNK, CHUNK)], sem
        )

    n_chunks = TOK_PER_W // CHUNK
    for ci in range(n_chunks):
        buf, sem = bufs[ci % 2], sems[ci % 2]
        if ci >= 2:
            write_desc(ci - 2, buf, sem).wait()
            rezero_chunk(ci - 2, buf)
        scatter_chunk(ci, buf)
        pltpu.async_copy(buf, x_hbm.at[pl.ds(tok0 + ci * CHUNK, CHUNK)], sem)
    for ci in (n_chunks - 2, n_chunks - 1):
        write_desc(ci, bufs[ci % 2], sems[ci % 2]).wait()


_BM = B
_BN = 512
_HALF = OUT_DIM // 2


def _dot(x, w):
    return lax.dot_general(
        x,
        w,
        dimension_numbers=(((1,), (1,)), ((), ())),
        preferred_element_type=jnp.float32,
    )


def _mm_body(x_ref, wlo_ref, whi_ref, blo_ref, bhi_ref, y_ref):
    ylo = _dot(x_ref[...], wlo_ref[...]) + blo_ref[...]
    yhi = _dot(x_ref[...], whi_ref[...]) + bhi_ref[...]
    ulo = lax.bitcast_convert_type(ylo, jnp.int32)
    uhi = lax.bitcast_convert_type(yhi, jnp.int32)
    y_ref[...] = lax.shift_right_logical(ulo, 16) | (uhi & jnp.int32(-65536))


def _matmul(x, w, bias2d):
    nj = _HALF // _BN
    return pl.pallas_call(
        _mm_body,
        grid=(nj,),
        in_specs=[
            pl.BlockSpec((_BM, IN_DIM), lambda j: (0, 0)),
            pl.BlockSpec((_BN, IN_DIM), lambda j: (j, 0)),
            pl.BlockSpec((_BN, IN_DIM), lambda j, nj=nj: (j + nj, 0)),
            pl.BlockSpec((1, _BN), lambda j: (0, j)),
            pl.BlockSpec((1, _BN), lambda j, nj=nj: (0, j + nj)),
        ],
        out_specs=pl.BlockSpec((_BM, _BN), lambda j: (0, j)),
        out_shape=jax.ShapeDtypeStruct((B, _HALF), jnp.int32),
    )(x, w, w, bias2d, bias2d)


@functools.partial(
    pl.kernel,
    mesh=_MESH,
    out_type=jax.ShapeDtypeStruct((B, K_OUT), jnp.float32),
    scratch_types=[
        pltpu.VMEM((TOK_PER_W, K_OUT), jnp.int32),
        pltpu.VMEM((TOK_PER_W, K_OUT), jnp.float32),
        pltpu.VMEM((_HALF,), jnp.int32),
        pltpu.VMEM((_HALF,), jnp.int32),
        pltpu.SemaphoreType.DMA,
        pltpu.SemaphoreType.DMA,
    ],
    compiler_params=_SC_PARAMS,
)
def _gather_kernel(y_hbm, idx_hbm, out_hbm, idx_v, out_v, row0, row1, sem0, sem1):
    wid = lax.axis_index("s") * NC + lax.axis_index("c")
    tok0 = wid * TOK_PER_W
    pltpu.sync_copy(idx_hbm.at[pl.ds(tok0, TOK_PER_W)], idx_v)

    rows = (row0, row1)
    sems = (sem0, sem1)
    pltpu.async_copy(y_hbm.at[tok0], row0, sem0)
    pltpu.async_copy(y_hbm.at[tok0 + 1], row1, sem1)

    def pair_body(p, c):
        for bsel in range(2):
            t = p * 2 + bsel
            row, sem = rows[bsel], sems[bsel]
            pltpu.make_async_copy(y_hbm.at[tok0 + t], row, sem).wait()
            for g in range(K_OUT // L):
                o = idx_v[t, pl.ds(g * L, L)]
                w = plsc.load_gather(row, [o & jnp.int32(_HALF - 1)])
                bits = jnp.where(
                    o < _HALF,
                    lax.shift_left(w, 16),
                    w & jnp.int32(-65536),
                )
                out_v[t, pl.ds(g * L, L)] = plsc.bitcast(bits, jnp.float32)

            @pl.when(t + 2 < TOK_PER_W)
            def _():
                pltpu.async_copy(y_hbm.at[tok0 + t + 2], row, sem)

        return c

    lax.fori_loop(0, TOK_PER_W // 2, pair_body, 0)
    pltpu.sync_copy(out_v, out_hbm.at[pl.ds(tok0, TOK_PER_W)])


def kernel(in_values, active_in_indices, active_out_indices, W, bias):
    in_values = in_values.astype(jnp.float32)
    idx_in = active_in_indices.astype(jnp.int32)
    idx_out = active_out_indices.astype(jnp.int32)
    W = W.astype(jnp.float32)
    bias2d = bias.astype(jnp.float32).reshape(1, OUT_DIM)

    x = _scatter_kernel(in_values, idx_in)
    y = _matmul(x, W, bias2d)
    out = _gather_kernel(y, idx_out)
    return out

# --- scband reference (transcript-rebuilt; emitter-appended) ---
"""Pipeline reference for scband-cpp-slide-layer-352187319095 (READ-ONLY COPY).

The authoritative reference and input builder live on the scoring server;
editing this copy changes nothing except your own understanding.
"""

import jax, jax.numpy as jnp
import numpy as np

B, K_IN, K_OUT = 2048, 256, 256
IN_DIM, OUT_DIM = 2048, 8192

def setup_inputs(seed: int = 0) -> dict:
    key = jax.random.key(seed)
    k1, k2, k3, k4, k5 = jax.random.split(key, 5)
    in_values = jax.random.normal(k1, (B, K_IN), dtype=jnp.float32)
    active_in_indices = jax.random.randint(k2, (B, K_IN), 0, IN_DIM)
    active_out_indices = jax.random.randint(k3, (B, K_OUT), 0, OUT_DIM)
    W = jax.random.normal(k4, (OUT_DIM, IN_DIM), dtype=jnp.float32) * (1.0 / np.sqrt(IN_DIM))
    bias = jax.random.normal(k5, (OUT_DIM,), dtype=jnp.float32) * 0.01
    return {
        "in_values": in_values,
        "active_in_indices": active_in_indices,
        "active_out_indices": active_out_indices,
        "W": W,
        "bias": bias,
    }

def reference(in_values, active_in_indices, active_out_indices, W, bias):
    # SISO mode of cppSlideMultiply: sparse-in, sparse-out linear layer.
    # in_values[b, k] are the values of the active input neurons active_in_indices[b, k].
    # Output j (per token b) is computed only for active_out_indices[b, j]:
    #   out[b, j] = bias[o_{b,j}] + sum_k in_values[b, k] * W[o_{b,j}, i_{b,k}]
    # Gather the per-token weight sub-block W[o, i] -> [B, K_OUT, K_IN]
    Wsub = W[active_out_indices[:, :, None], active_in_indices[:, None, :]]
    out = jnp.einsum('bk,bjk->bj', in_values, Wsub) + bias[active_out_indices]
    return out

if __name__ == "__main__":
    import jax
    _d = setup_inputs()
    print(jax.jit(kernel)(*tuple(_d.values())))

</pallas_src>

<mosaic_0001>
#map = affine_map<(d0, d1) -> (0, 0)>
module attributes {stable_mosaic.version = 14 : i64} {
  func.func @_gather_kernel(%arg0: i32, %arg1: i32, %arg2: memref<2048x4096xi32, #tpu.memory_space<hbm>>, %arg3: memref<2048x256xi32, #tpu.memory_space<hbm>>, %arg4: memref<2048x256xf32, #tpu.memory_space<hbm>>, %arg5: memref<64x256xi32, #tpu.memory_space<vmem>>, %arg6: memref<64x256xf32, #tpu.memory_space<vmem>>, %arg7: memref<4096xi32, #tpu.memory_space<vmem>>, %arg8: memref<4096xi32, #tpu.memory_space<vmem>>, %arg9: memref<!tpu.dma_semaphore, #tpu.memory_space<semaphore_mem>>, %arg10: memref<!tpu.dma_semaphore, #tpu.memory_space<semaphore_mem>>) attributes {dimension_semantics = [#tpu.dimension_semantics<core_parallel>, #tpu.dimension_semantics<subcore_parallel>], iteration_bounds = array<i64: 2, 16>, scalar_prefetch = 0 : i64, scratch_operands = 6 : i64, tpu.core_type = #tpu.core_type<sc_vector_subcore>, window_params = [{transform_indices = #map}, {transform_indices = #map}, {transform_indices = #map}]} {
    %mul3A = arith.constant 2 : i32
    %mul3A_0 = arith.muli %arg1, %mul3A : i32
    %add3A = arith.addi %mul3A_0, %arg0 : i32
    %mul3A_1 = arith.constant 64 : i32
    %mul3A_2 = arith.muli %add3A, %mul3A_1 : i32
    "tpu.region"() ({
      %run_scoped3A = tpu.sem_alloc : memref<!tpu.dma_semaphore, #tpu.memory_space<semaphore_mem>>
      %dma_start3A_21 = arith.constant 0 : i32
      %dma_start3A_22 = tpu.memref_slice %arg3[%mul3A_2, %dma_start3A_21] : memref<2048x256xi32, #tpu.memory_space<hbm>> -> memref<64x256xi32, #tpu.memory_space<hbm>>
      %dma_start3A_23 = arith.constant 0 : i32
      %dma_start3A_24 = tpu.memref_slice %arg3[%mul3A_2, %dma_start3A_23] : memref<2048x256xi32, #tpu.memory_space<hbm>> -> memref<64x256xi32, #tpu.memory_space<hbm>>
      tpu.enqueue_dma source(%dma_start3A_24 : memref<64x256xi32, #tpu.memory_space<hbm>>) target(%arg5 : memref<64x256xi32, #tpu.memory_space<vmem>>) target_semaphore(%run_scoped3A : memref<!tpu.dma_semaphore, #tpu.memory_space<semaphore_mem>>)
      %dma_wait3A = arith.constant 0 : i32
      %dma_wait3A_25 = tpu.memref_slice %arg3[%mul3A_2, %dma_wait3A] : memref<2048x256xi32, #tpu.memory_space<hbm>> -> memref<64x256xi32, #tpu.memory_space<hbm>>
      %dma_wait3A_26 = arith.constant 0 : i32
      %dma_wait3A_27 = tpu.memref_slice %arg3[%mul3A_2, %dma_wait3A_26] : memref<2048x256xi32, #tpu.memory_space<hbm>> -> memref<64x256xi32, #tpu.memory_space<hbm>>
      tpu.wait_dma2 semaphore(%run_scoped3A : memref<!tpu.dma_semaphore, #tpu.memory_space<semaphore_mem>>) src(%dma_wait3A_27 : memref<64x256xi32, #tpu.memory_space<hbm>>) dst(%arg5 : memref<64x256xi32, #tpu.memory_space<vmem>>)
      tpu.yield
    }) : () -> ()
    %dma_start3A = arith.constant 0 : i32
    %dma_start3A_3 = tpu.memref_slice %arg2[%mul3A_2, %dma_start3A] : memref<2048x4096xi32, #tpu.memory_space<hbm>> -> memref<1x4096xi32, #tpu.memory_space<hbm>>
    %dma_start3A_4 = tpu.memref_squeeze %dma_start3A_3 : memref<1x4096xi32, #tpu.memory_space<hbm>> -> memref<4096xi32, #tpu.memory_space<hbm>>
    %dma_start3A_5 = arith.constant 0 : i32
    %dma_start3A_6 = tpu.memref_slice %arg2[%mul3A_2, %dma_start3A_5] : memref<2048x4096xi32, #tpu.memory_space<hbm>> -> memref<1x4096xi32, #tpu.memory_space<hbm>>
    %dma_start3A_7 = tpu.memref_squeeze %dma_start3A_6 : memref<1x4096xi32, #tpu.memory_space<hbm>> -> memref<4096xi32, #tpu.memory_space<hbm>>
    tpu.enqueue_dma source(%dma_start3A_7 : memref<4096xi32, #tpu.memory_space<hbm>>) target(%arg7 : memref<4096xi32, #tpu.memory_space<vmem>>) target_semaphore(%arg9 : memref<!tpu.dma_semaphore, #tpu.memory_space<semaphore_mem>>)
    %add3A_8 = arith.constant 1 : i32
    %add3A_9 = arith.addi %mul3A_2, %add3A_8 : i32
    %dma_start3A_10 = arith.constant 0 : i32
    %dma_start3A_11 = tpu.memref_slice %arg2[%add3A_9, %dma_start3A_10] : memref<2048x4096xi32, #tpu.memory_space<hbm>> -> memref<1x4096xi32, #tpu.memory_space<hbm>>
    %dma_start3A_12 = tpu.memref_squeeze %dma_start3A_11 : memref<1x4096xi32, #tpu.memory_space<hbm>> -> memref<4096xi32, #tpu.memory_space<hbm>>
    %dma_start3A_13 = arith.constant 0 : i32
    %dma_start3A_14 = tpu.memref_slice %arg2[%add3A_9, %dma_start3A_13] : memref<2048x4096xi32, #tpu.memory_space<hbm>> -> memref<1x4096xi32, #tpu.memory_space<hbm>>
    %dma_start3A_15 = tpu.memref_squeeze %dma_start3A_14 : memref<1x4096xi32, #tpu.memory_space<hbm>> -> memref<4096xi32, #tpu.memory_space<hbm>>
    tpu.enqueue_dma source(%dma_start3A_15 : memref<4096xi32, #tpu.memory_space<hbm>>) target(%arg8 : memref<4096xi32, #tpu.memory_space<vmem>>) target_semaphore(%arg10 : memref<!tpu.dma_semaphore, #tpu.memory_space<semaphore_mem>>)
    %scan3A = arith.constant 0 : i32
    %scan3A_16 = arith.constant 0 : i32
    %scan3A_17 = arith.constant 32 : i32
    %scan3A_18 = arith.addi %scan3A_16, %scan3A_17 : i32
    %scan3A_19 = arith.constant 1 : i32
    scf.for %scan3A_21 = %scan3A_16 to %scan3A_18 step %scan3A_19  : i32 {
      %mul3A_22 = arith.constant 2 : i32
      %mul3A_23 = arith.muli %scan3A_21, %mul3A_22 : i32
      %add3A_24 = arith.constant 0 : i32
      %add3A_25 = arith.addi %mul3A_23, %add3A_24 : i32
      %add3A_26 = arith.addi %mul3A_2, %add3A_25 : i32
      %dma_wait3A = arith.constant 0 : i32
      %dma_wait3A_27 = tpu.memref_slice %arg2[%add3A_26, %dma_wait3A] : memref<2048x4096xi32, #tpu.memory_space<hbm>> -> memref<1x4096xi32, #tpu.memory_space<hbm>>
      %dma_wait3A_28 = tpu.memref_squeeze %dma_wait3A_27 : memref<1x4096xi32, #tpu.memory_space<hbm>> -> memref<4096xi32, #tpu.memory_space<hbm>>
      %dma_wait3A_29 = arith.constant 0 : i32
      %dma_wait3A_30 = tpu.memref_slice %arg2[%add3A_26, %dma_wait3A_29] : memref<2048x4096xi32, #tpu.memory_space<hbm>> -> memref<1x4096xi32, #tpu.memory_space<hbm>>
      %dma_wait3A_31 = tpu.memref_squeeze %dma_wait3A_30 : memref<1x4096xi32, #tpu.memory_space<hbm>> -> memref<4096xi32, #tpu.memory_space<hbm>>
      tpu.wait_dma2 semaphore(%arg9 : memref<!tpu.dma_semaphore, #tpu.memory_space<semaphore_mem>>) src(%dma_wait3A_31 : memref<4096xi32, #tpu.memory_space<hbm>>) dst(%arg7 : memref<4096xi32, #tpu.memory_space<vmem>>)
      %get3A = arith.index_cast %add3A_25 : i32 to index
      %get3A_32 = arith.constant 0 : index
      %get3A_33 = tpu.vector_load %arg5[%get3A, %get3A_32] {strides = array<i32>} : memref<64x256xi32, #tpu.memory_space<vmem>>, vector<16xi32>,
      %and3A = arith.constant 4095 : i32
      %and3A_34 = vector.broadcast %and3A : i32 to vector<16xi32>
      %and3A_35 = arith.andi %get3A_33, %and3A_34 : vector<16xi32>
      %gather3A = tpu.vector_load_idx %arg7[%and3A_35] : memref<4096xi32, #tpu.memory_space<vmem>>[vector<16xi32>], vector<16xi32>,
      %lt3A = arith.constant 4096 : i32
      %lt3A_36 = vector.broadcast %lt3A : i32 to vector<16xi32>
      %lt3A_37 = arith.cmpi slt, %get3A_33, %lt3A_36 : vector<16xi32>
      %shift_left3A = arith.constant 16 : i32
      %shift_left3A_38 = vector.broadcast %shift_left3A : i32 to vector<16xi32>
      %shift_left3A_39 = arith.shli %gather3A, %shift_left3A_38 : vector<16xi32>
      %and3A_40 = arith.constant -65536 : i32
      %and3A_41 = vector.broadcast %and3A_40 : i32 to vector<16xi32>
      %and3A_42 = arith.andi %gather3A, %and3A_41 : vector<16xi32>
      %select_n3A = arith.select %lt3A_37, %shift_left3A_39, %and3A_42 : vector<16xi1>, vector<16xi32>
      %bitcast3A = vector.bitcast %select_n3A : vector<16xi32> to vector<16xf32>
      %swap3A = arith.index_cast %add3A_25 : i32 to index
      %swap3A_43 = arith.constant 0 : index
      %swap3A_44 = tpu.vector_load %arg6[%swap3A, %swap3A_43] {strides = array<i32>} : memref<64x256xf32, #tpu.memory_space<vmem>>, vector<16xf32>,
      tpu.vector_store %arg6[%swap3A, %swap3A_43], %bitcast3A {strides = array<i32>} : memref<64x256xf32, #tpu.memory_space<vmem>>, vector<16xf32>,
      %get3A_45 = arith.index_cast %add3A_25 : i32 to index
      %get3A_46 = arith.constant 16 : index
      %get3A_47 = tpu.vector_load %arg5[%get3A_45, %get3A_46] {strides = array<i32>} : memref<64x256xi32, #tpu.memory_space<vmem>>, vector<16xi32>,
      %and3A_48 = arith.constant 4095 : i32
      %and3A_49 = vector.broadcast %and3A_48 : i32 to vector<16xi32>
      %and3A_50 = arith.andi %get3A_47, %and3A_49 : vector<16xi32>
      %gather3A_51 = tpu.vector_load_idx %arg7[%and3A_50] : memref<4096xi32, #tpu.memory_space<vmem>>[vector<16xi32>], vector<16xi32>,
      %lt3A_52 = arith.constant 4096 : i32
      %lt3A_53 = vector.broadcast %lt3A_52 : i32 to vector<16xi32>
      %lt3A_54 = arith.cmpi slt, %get3A_47, %lt3A_53 : vector<16xi32>
      %shift_left3A_55 = arith.constant 16 : i32
      %shift_left3A_56 = vector.broadcast %shift_left3A_55 : i32 to vector<16xi32>
      %shift_left3A_57 = arith.shli %gather3A_51, %shift_left3A_56 : vector<16xi32>
      %and3A_58 = arith.constant -65536 : i32
      %and3A_59 = vector.broadcast %and3A_58 : i32 to vector<16xi32>
      %and3A_60 = arith.andi %gather3A_51, %and3A_59 : vector<16xi32>
      %select_n3A_61 = arith.select %lt3A_54, %shift_left3A_57, %and3A_60 : vector<16xi1>, vector<16xi32>
      %bitcast3A_62 = vector.bitcast %select_n3A_61 : vector<16xi32> to vector<16xf32>
      %swap3A_63 = arith.index_cast %add3A_25 : i32 to index
      %swap3A_64 = arith.constant 16 : index
      %swap3A_65 = tpu.vector_load %arg6[%swap3A_63, %swap3A_64] {strides = array<i32>} : memref<64x256xf32, #tpu.memory_space<vmem>>, vector<16xf32>,
      tpu.vector_store %arg6[%swap3A_63, %swap3A_64], %bitcast3A_62 {strides = array<i32>} : memref<64x256xf32, #tpu.memory_space<vmem>>, vector<16xf32>,
      %get3A_66 = arith.index_cast %add3A_25 : i32 to index
      %get3A_67 = arith.constant 32 : index
      %get3A_68 = tpu.vector_load %arg5[%get3A_66, %get3A_67] {strides = array<i32>} : memref<64x256xi32, #tpu.memory_space<vmem>>, vector<16xi32>,
      %and3A_69 = arith.constant 4095 : i32
      %and3A_70 = vector.broadcast %and3A_69 : i32 to vector<16xi32>
      %and3A_71 = arith.andi %get3A_68, %and3A_70 : vector<16xi32>
      %gather3A_72 = tpu.vector_load_idx %arg7[%and3A_71] : memref<4096xi32, #tpu.memory_space<vmem>>[vector<16xi32>], vector<16xi32>,
      %lt3A_73 = arith.constant 4096 : i32
      %lt3A_74 = vector.broadcast %lt3A_73 : i32 to vector<16xi32>
      %lt3A_75 = arith.cmpi slt, %get3A_68, %lt3A_74 : vector<16xi32>
      %shift_left3A_76 = arith.constant 16 : i32
      %shift_left3A_77 = vector.broadcast %shift_left3A_76 : i32 to vector<16xi32>
      %shift_left3A_78 = arith.shli %gather3A_72, %shift_left3A_77 : vector<16xi32>
      %and3A_79 = arith.constant -65536 : i32
      %and3A_80 = vector.broadcast %and3A_79 : i32 to vector<16xi32>
      %and3A_81 = arith.andi %gather3A_72, %and3A_80 : vector<16xi32>
      %select_n3A_82 = arith.select %lt3A_75, %shift_left3A_78, %and3A_81 : vector<16xi1>, vector<16xi32>
      %bitcast3A_83 = vector.bitcast %select_n3A_82 : vector<16xi32> to vector<16xf32>
      %swap3A_84 = arith.index_cast %add3A_25 : i32 to index
      %swap3A_85 = arith.constant 32 : index
      %swap3A_86 = tpu.vector_load %arg6[%swap3A_84, %swap3A_85] {strides = array<i32>} : memref<64x256xf32, #tpu.memory_space<vmem>>, vector<16xf32>,
      tpu.vector_store %arg6[%swap3A_84, %swap3A_85], %bitcast3A_83 {strides = array<i32>} : memref<64x256xf32, #tpu.memory_space<vmem>>, vector<16xf32>,
      %get3A_87 = arith.index_cast %add3A_25 : i32 to index
      %get3A_88 = arith.constant 48 : index
      %get3A_89 = tpu.vector_load %arg5[%get3A_87, %get3A_88] {strides = array<i32>} : memref<64x256xi32, #tpu.memory_space<vmem>>, vector<16xi32>,
      %and3A_90 = arith.constant 4095 : i32
      %and3A_91 = vector.broadcast %and3A_90 : i32 to vector<16xi32>
      %and3A_92 = arith.andi %get3A_89, %and3A_91 : vector<16xi32>
      %gather3A_93 = tpu.vector_load_idx %arg7[%and3A_92] : memref<4096xi32, #tpu.memory_space<vmem>>[vector<16xi32>], vector<16xi32>,
      %lt3A_94 = arith.constant 4096 : i32
      %lt3A_95 = vector.broadcast %lt3A_94 : i32 to vector<16xi32>
      %lt3A_96 = arith.cmpi slt, %get3A_89, %lt3A_95 : vector<16xi32>
      %shift_left3A_97 = arith.constant 16 : i32
      %shift_left3A_98 = vector.broadcast %shift_left3A_97 : i32 to vector<16xi32>
      %shift_left3A_99 = arith.shli %gather3A_93, %shift_left3A_98 : vector<16xi32>
      %and3A_100 = arith.constant -65536 : i32
      %and3A_101 = vector.broadcast %and3A_100 : i32 to vector<16xi32>
      %and3A_102 = arith.andi %gather3A_93, %and3A_101 : vector<16xi32>
      %select_n3A_103 = arith.select %lt3A_96, %shift_left3A_99, %and3A_102 : vector<16xi1>, vector<16xi32>
      %bitcast3A_104 = vector.bitcast %select_n3A_103 : vector<16xi32> to vector<16xf32>
      %swap3A_105 = arith.index_cast %add3A_25 : i32 to index
      %swap3A_106 = arith.constant 48 : index
      %swap3A_107 = tpu.vector_load %arg6[%swap3A_105, %swap3A_106] {strides = array<i32>} : memref<64x256xf32, #tpu.memory_space<vmem>>, vector<16xf32>,
      tpu.vector_store %arg6[%swap3A_105, %swap3A_106], %bitcast3A_104 {strides = array<i32>} : memref<64x256xf32, #tpu.memory_space<vmem>>, vector<16xf32>,
      %get3A_108 = arith.index_cast %add3A_25 : i32 to index
      %get3A_109 = arith.constant 64 : index
      %get3A_110 = tpu.vector_load %arg5[%get3A_108, %get3A_109] {strides = array<i32>} : memref<64x256xi32, #tpu.memory_space<vmem>>, vector<16xi32>,
      %and3A_111 = arith.constant 4095 : i32
      %and3A_112 = vector.broadcast %and3A_111 : i32 to vector<16xi32>
      %and3A_113 = arith.andi %get3A_110, %and3A_112 : vector<16xi32>
      %gather3A_114 = tpu.vector_load_idx %arg7[%and3A_113] : memref<4096xi32, #tpu.memory_space<vmem>>[vector<16xi32>], vector<16xi32>,
      %lt3A_115 = arith.constant 4096 : i32
      %lt3A_116 = vector.broadcast %lt3A_115 : i32 to vector<16xi32>
      %lt3A_117 = arith.cmpi slt, %get3A_110, %lt3A_116 : vector<16xi32>
      %shift_left3A_118 = arith.constant 16 : i32
      %shift_left3A_119 = vector.broadcast %shift_left3A_118 : i32 to vector<16xi32>
      %shift_left3A_120 = arith.shli %gather3A_114, %shift_left3A_119 : vector<16xi32>
      %and3A_121 = arith.constant -65536 : i32
      %and3A_122 = vector.broadcast %and3A_121 : i32 to vector<16xi32>
      %and3A_123 = arith.andi %gather3A_114, %and3A_122 : vector<16xi32>
      %select_n3A_124 = arith.select %lt3A_117, %shift_left3A_120, %and3A_123 : vector<16xi1>, vector<16xi32>
      %bitcast3A_125 = vector.bitcast %select_n3A_124 : vector<16xi32> to vector<16xf32>
      %swap3A_126 = arith.index_cast %add3A_25 : i32 to index
      %swap3A_127 = arith.constant 64 : index
      %swap3A_128 = tpu.vector_load %arg6[%swap3A_126, %swap3A_127] {strides = array<i32>} : memref<64x256xf32, #tpu.memory_space<vmem>>, vector<16xf32>,
      tpu.vector_store %arg6[%swap3A_126, %swap3A_127], %bitcast3A_125 {strides = array<i32>} : memref<64x256xf32, #tpu.memory_space<vmem>>, vector<16xf32>,
      %get3A_129 = arith.index_cast %add3A_25 : i32 to index
      %get3A_130 = arith.constant 80 : index
      %get3A_131 = tpu.vector_load %arg5[%get3A_129, %get3A_130] {strides = array<i32>} : memref<64x256xi32, #tpu.memory_space<vmem>>, vector<16xi32>,
      %and3A_132 = arith.constant 4095 : i32
      %and3A_133 = vector.broadcast %and3A_132 : i32 to vector<16xi32>
      %and3A_134 = arith.andi %get3A_131, %and3A_133 : vector<16xi32>
      %gather3A_135 = tpu.vector_load_idx %arg7[%and3A_134] : memref<4096xi32, #tpu.memory_space<vmem>>[vector<16xi32>], vector<16xi32>,
      %lt3A_136 = arith.constant 4096 : i32
      %lt3A_137 = vector.broadcast %lt3A_136 : i32 to vector<16xi32>
      %lt3A_138 = arith.cmpi slt, %get3A_131, %lt3A_137 : vector<16xi32>
      %shift_left3A_139 = arith.constant 16 : i32
      %shift_left3A_140 = vector.broadcast %shift_left3A_139 : i32 to vector<16xi32>
      %shift_left3A_141 = arith.shli %gather3A_135, %shift_left3A_140 : vector<16xi32>
      %and3A_142 = arith.constant -65536 : i32
      %and3A_143 = vector.broadcast %and3A_142 : i32 to vector<16xi32>
      %and3A_144 = arith.andi %gather3A_135, %and3A_143 : vector<16xi32>
      %select_n3A_145 = arith.select %lt3A_138, %shift_left3A_141, %and3A_144 : vector<16xi1>, vector<16xi32>
      %bitcast3A_146 = vector.bitcast %select_n3A_145 : vector<16xi32> to vector<16xf32>
      %swap3A_147 = arith.index_cast %add3A_25 : i32 to index
      %swap3A_148 = arith.constant 80 : index
      %swap3A_149 = tpu.vector_load %arg6[%swap3A_147, %swap3A_148] {strides = array<i32>} : memref<64x256xf32, #tpu.memory_space<vmem>>, vector<16xf32>,
      tpu.vector_store %arg6[%swap3A_147, %swap3A_148], %bitcast3A_146 {strides = array<i32>} : memref<64x256xf32, #tpu.memory_space<vmem>>, vector<16xf32>,
      %get3A_150 = arith.index_cast %add3A_25 : i32 to index
      %get3A_151 = arith.constant 96 : index
      %get3A_152 = tpu.vector_load %arg5[%get3A_150, %get3A_151] {strides = array<i32>} : memref<64x256xi32, #tpu.memory_space<vmem>>, vector<16xi32>,
      %and3A_153 = arith.constant 4095 : i32
      %and3A_154 = vector.broadcast %and3A_153 : i32 to vector<16xi32>
      %and3A_155 = arith.andi %get3A_152, %and3A_154 : vector<16xi32>
      %gather3A_156 = tpu.vector_load_idx %arg7[%and3A_155] : memref<4096xi32, #tpu.memory_space<vmem>>[vector<16xi32>], vector<16xi32>,
      %lt3A_157 = arith.constant 4096 : i32
      %lt3A_158 = vector.broadcast %lt3A_157 : i32 to vector<16xi32>
      %lt3A_159 = arith.cmpi slt, %get3A_152, %lt3A_158 : vector<16xi32>
      %shift_left3A_160 = arith.constant 16 : i32
      %shift_left3A_161 = vector.broadcast %shift_left3A_160 : i32 to vector<16xi32>
      %shift_left3A_162 = arith.shli %gather3A_156, %shift_left3A_161 : vector<16xi32>
      %and3A_163 = arith.constant -65536 : i32
      %and3A_164 = vector.broadcast %and3A_163 : i32 to vector<16xi32>
      %and3A_165 = arith.andi %gather3A_156, %and3A_164 : vector<16xi32>
      %select_n3A_166 = arith.select %lt3A_159, %shift_left3A_162, %and3A_165 : vector<16xi1>, vector<16xi32>
      %bitcast3A_167 = vector.bitcast %select_n3A_166 : vector<16xi32> to vector<16xf32>
      %swap3A_168 = arith.index_cast %add3A_25 : i32 to index
      %swap3A_169 = arith.constant 96 : index
      %swap3A_170 = tpu.vector_load %arg6[%swap3A_168, %swap3A_169] {strides = array<i32>} : memref<64x256xf32, #tpu.memory_space<vmem>>, vector<16xf32>,
      tpu.vector_store %arg6[%swap3A_168, %swap3A_169], %bitcast3A_167 {strides = array<i32>} : memref<64x256xf32, #tpu.memory_space<vmem>>, vector<16xf32>,
      %get3A_171 = arith.index_cast %add3A_25 : i32 to index
      %get3A_172 = arith.constant 112 : index
      %get3A_173 = tpu.vector_load %arg5[%get3A_171, %get3A_172] {strides = array<i32>} : memref<64x256xi32, #tpu.memory_space<vmem>>, vector<16xi32>,
      %and3A_174 = arith.constant 4095 : i32
      %and3A_175 = vector.broadcast %and3A_174 : i32 to vector<16xi32>
      %and3A_176 = arith.andi %get3A_173, %and3A_175 : vector<16xi32>
      %gather3A_177 = tpu.vector_load_idx %arg7[%and3A_176] : memref<4096xi32, #tpu.memory_space<vmem>>[vector<16xi32>], vector<16xi32>,
      %lt3A_178 = arith.constant 4096 : i32
      %lt3A_179 = vector.broadcast %lt3A_178 : i32 to vector<16xi32>
      %lt3A_180 = arith.cmpi slt, %get3A_173, %lt3A_179 : vector<16xi32>
      %shift_left3A_181 = arith.constant 16 : i32
      %shift_left3A_182 = vector.broadcast %shift_left3A_181 : i32 to vector<16xi32>
      %shift_left3A_183 = arith.shli %gather3A_177, %shift_left3A_182 : vector<16xi32>
      %and3A_184 = arith.constant -65536 : i32
      %and3A_185 = vector.broadcast %and3A_184 : i32 to vector<16xi32>
      %and3A_186 = arith.andi %gather3A_177, %and3A_185 : vector<16xi32>
      %select_n3A_187 = arith.select %lt3A_180, %shift_left3A_183, %and3A_186 : vector<16xi1>, vector<16xi32>
      %bitcast3A_188 = vector.bitcast %select_n3A_187 : vector<16xi32> to vector<16xf32>
      %swap3A_189 = arith.index_cast %add3A_25 : i32 to index
      %swap3A_190 = arith.constant 112 : index
      %swap3A_191 = tpu.vector_load %arg6[%swap3A_189, %swap3A_190] {strides = array<i32>} : memref<64x256xf32, #tpu.memory_space<vmem>>, vector<16xf32>,
      tpu.vector_store %arg6[%swap3A_189, %swap3A_190], %bitcast3A_188 {strides = array<i32>} : memref<64x256xf32, #tpu.memory_space<vmem>>, vector<16xf32>,
      %get3A_192 = arith.index_cast %add3A_25 : i32 to index
      %get3A_193 = arith.constant 128 : index
      %get3A_194 = tpu.vector_load %arg5[%get3A_192, %get3A_193] {strides = array<i32>} : memref<64x256xi32, #tpu.memory_space<vmem>>, vector<16xi32>,
      %and3A_195 = arith.constant 4095 : i32
      %and3A_196 = vector.broadcast %and3A_195 : i32 to vector<16xi32>
      %and3A_197 = arith.andi %get3A_194, %and3A_196 : vector<16xi32>
      %gather3A_198 = tpu.vector_load_idx %arg7[%and3A_197] : memref<4096xi32, #tpu.memory_space<vmem>>[vector<16xi32>], vector<16xi32>,
      %lt3A_199 = arith.constant 4096 : i32
      %lt3A_200 = vector.broadcast %lt3A_199 : i32 to vector<16xi32>
      %lt3A_201 = arith.cmpi slt, %get3A_194, %lt3A_200 : vector<16xi32>
      %shift_left3A_202 = arith.constant 16 : i32
      %shift_left3A_203 = vector.broadcast %shift_left3A_202 : i32 to vector<16xi32>
      %shift_left3A_204 = arith.shli %gather3A_198, %shift_left3A_203 : vector<16xi32>
      %and3A_205 = arith.constant -65536 : i32
      %and3A_206 = vector.broadcast %and3A_205 : i32 to vector<16xi32>
      %and3A_207 = arith.andi %gather3A_198, %and3A_206 : vector<16xi32>
      %select_n3A_208 = arith.select %lt3A_201, %shift_left3A_204, %and3A_207 : vector<16xi1>, vector<16xi32>
      %bitcast3A_209 = vector.bitcast %select_n3A_208 : vector<16xi32> to vector<16xf32>
      %swap3A_210 = arith.index_cast %add3A_25 : i32 to index
      %swap3A_211 = arith.constant 128 : index
      %swap3A_212 = tpu.vector_load %arg6[%swap3A_210, %swap3A_211] {strides = array<i32>} : memref<64x256xf32, #tpu.memory_space<vmem>>, vector<16xf32>,
      tpu.vector_store %arg6[%swap3A_210, %swap3A_211], %bitcast3A_209 {strides = array<i32>} : memref<64x256xf32, #tpu.memory_space<vmem>>, vector<16xf32>,
      %get3A_213 = arith.index_cast %add3A_25 : i32 to index
      %get3A_214 = arith.constant 144 : index
      %get3A_215 = tpu.vector_load %arg5[%get3A_213, %get3A_214] {strides = array<i32>} : memref<64x256xi32, #tpu.memory_space<vmem>>, vector<16xi32>,
      %and3A_216 = arith.constant 4095 : i32
      %and3A_217 = vector.broadcast %and3A_216 : i32 to vector<16xi32>
      %and3A_218 = arith.andi %get3A_215, %and3A_217 : vector<16xi32>
      %gather3A_219 = tpu.vector_load_idx %arg7[%and3A_218] : memref<4096xi32, #tpu.memory_space<vmem>>[vector<16xi32>], vector<16xi32>,
      %lt3A_220 = arith.constant 4096 : i32
      %lt3A_221 = vector.broadcast %lt3A_220 : i32 to vector<16xi32>
      %lt3A_222 = arith.cmpi slt, %get3A_215, %lt3A_221 : vector<16xi32>
      %shift_left3A_223 = arith.constant 16 : i32
      %shift_left3A_224 = vector.broadcast %shift_left3A_223 : i32 to vector<16xi32>
      %shift_left3A_225 = arith.shli %gather3A_219, %shift_left3A_224 : vector<16xi32>
      %and3A_226 = arith.constant -65536 : i32
      %and3A_227 = vector.broadcast %and3A_226 : i32 to vector<16xi32>
      %and3A_228 = arith.andi %gather3A_219, %and3A_227 : vector<16xi32>
      %select_n3A_229 = arith.select %lt3A_222, %shift_left3A_225, %and3A_228 : vector<16xi1>, vector<16xi32>
      %bitcast3A_230 = vector.bitcast %select_n3A_229 : vector<16xi32> to vector<16xf32>
      %swap3A_231 = arith.index_cast %add3A_25 : i32 to index
      %swap3A_232 = arith.constant 144 : index
      %swap3A_233 = tpu.vector_load %arg6[%swap3A_231, %swap3A_232] {strides = array<i32>} : memref<64x256xf32, #tpu.memory_space<vmem>>, vector<16xf32>,
      tpu.vector_store %arg6[%swap3A_231, %swap3A_232], %bitcast3A_230 {strides = array<i32>} : memref<64x256xf32, #tpu.memory_space<vmem>>, vector<16xf32>,
      %get3A_234 = arith.index_cast %add3A_25 : i32 to index
      %get3A_235 = arith.constant 160 : index
      %get3A_236 = tpu.vector_load %arg5[%get3A_234, %get3A_235] {strides = array<i32>} : memref<64x256xi32, #tpu.memory_space<vmem>>, vector<16xi32>,
      %and3A_237 = arith.constant 4095 : i32
      %and3A_238 = vector.broadcast %and3A_237 : i32 to vector<16xi32>
      %and3A_239 = arith.andi %get3A_236, %and3A_238 : vector<16xi32>
      %gather3A_240 = tpu.vector_load_idx %arg7[%and3A_239] : memref<4096xi32, #tpu.memory_space<vmem>>[vector<16xi32>], vector<16xi32>,
      %lt3A_241 = arith.constant 4096 : i32
      %lt3A_242 = vector.broadcast %lt3A_241 : i32 to vector<16xi32>
      %lt3A_243 = arith.cmpi slt, %get3A_236, %lt3A_242 : vector<16xi32>
      %shift_left3A_244 = arith.constant 16 : i32
      %shift_left3A_245 = vector.broadcast %shift_left3A_244 : i32 to vector<16xi32>
      %shift_left3A_246 = arith.shli %gather3A_240, %shift_left3A_245 : vector<16xi32>
      %and3A_247 = arith.constant -65536 : i32
      %and3A_248 = vector.broadcast %and3A_247 : i32 to vector<16xi32>
      %and3A_249 = arith.andi %gather3A_240, %and3A_248 : vector<16xi32>
      %select_n3A_250 = arith.select %lt3A_243, %shift_left3A_246, %and3A_249 : vector<16xi1>, vector<16xi32>
      %bitcast3A_251 = vector.bitcast %select_n3A_250 : vector<16xi32> to vector<16xf32>
      %swap3A_252 = arith.index_cast %add3A_25 : i32 to index
      %swap3A_253 = arith.constant 160 : index
      %swap3A_254 = tpu.vector_load %arg6[%swap3A_252, %swap3A_253] {strides = array<i32>} : memref<64x256xf32, #tpu.memory_space<vmem>>, vector<16xf32>,
      tpu.vector_store %arg6[%swap3A_252, %swap3A_253], %bitcast3A_251 {strides = array<i32>} : memref<64x256xf32, #tpu.memory_space<vmem>>, vector<16xf32>,
      %get3A_255 = arith.index_cast %add3A_25 : i32 to index
      %get3A_256 = arith.constant 176 : index
      %get3A_257 = tpu.vector_load %arg5[%get3A_255, %get3A_256] {strides = array<i32>} : memref<64x256xi32, #tpu.memory_space<vmem>>, vector<16xi32>,
      %and3A_258 = arith.constant 4095 : i32
      %and3A_259 = vector.broadcast %and3A_258 : i32 to vector<16xi32>
      %and3A_260 = arith.andi %get3A_257, %and3A_259 : vector<16xi32>
      %gather3A_261 = tpu.vector_load_idx %arg7[%and3A_260] : memref<4096xi32, #tpu.memory_space<vmem>>[vector<16xi32>], vector<16xi32>,
      %lt3A_262 = arith.constant 4096 : i32
      %lt3A_263 = vector.broadcast %lt3A_262 : i32 to vector<16xi32>
      %lt3A_264 = arith.cmpi slt, %get3A_257, %lt3A_263 : vector<16xi32>
      %shift_left3A_265 = arith.constant 16 : i32
      %shift_left3A_266 = vector.broadcast %shift_left3A_265 : i32 to vector<16xi32>
      %shift_left3A_267 = arith.shli %gather3A_261, %shift_left3A_266 : vector<16xi32>
      %and3A_268 = arith.constant -65536 : i32
      %and3A_269 = vector.broadcast %and3A_268 : i32 to vector<16xi32>
      %and3A_270 = arith.andi %gather3A_261, %and3A_269 : vector<16xi32>
      %select_n3A_271 = arith.select %lt3A_264, %shift_left3A_267, %and3A_270 : vector<16xi1>, vector<16xi32>
      %bitcast3A_272 = vector.bitcast %select_n3A_271 : vector<16xi32> to vector<16xf32>
      %swap3A_273 = arith.index_cast %add3A_25 : i32 to index
      %swap3A_274 = arith.constant 176 : index
      %swap3A_275 = tpu.vector_load %arg6[%swap3A_273, %swap3A_274] {strides = array<i32>} : memref<64x256xf32, #tpu.memory_space<vmem>>, vector<16xf32>,
      tpu.vector_store %arg6[%swap3A_273, %swap3A_274], %bitcast3A_272 {strides = array<i32>} : memref<64x256xf32, #tpu.memory_space<vmem>>, vector<16xf32>,
      %get3A_276 = arith.index_cast %add3A_25 : i32 to index
      %get3A_277 = arith.constant 192 : index
      %get3A_278 = tpu.vector_load %arg5[%get3A_276, %get3A_277] {strides = array<i32>} : memref<64x256xi32, #tpu.memory_space<vmem>>, vector<16xi32>,
      %and3A_279 = arith.constant 4095 : i32
      %and3A_280 = vector.broadcast %and3A_279 : i32 to vector<16xi32>
      %and3A_281 = arith.andi %get3A_278, %and3A_280 : vector<16xi32>
      %gather3A_282 = tpu.vector_load_idx %arg7[%and3A_281] : memref<4096xi32, #tpu.memory_space<vmem>>[vector<16xi32>], vector<16xi32>,
      %lt3A_283 = arith.constant 4096 : i32
      %lt3A_284 = vector.broadcast %lt3A_283 : i32 to vector<16xi32>
      %lt3A_285 = arith.cmpi slt, %get3A_278, %lt3A_284 : vector<16xi32>
      %shift_left3A_286 = arith.constant 16 : i32
      %shift_left3A_287 = vector.broadcast %shift_left3A_286 : i32 to vector<16xi32>
      %shift_left3A_288 = arith.shli %gather3A_282, %shift_left3A_287 : vector<16xi32>
      %and3A_289 = arith.constant -65536 : i32
      %and3A_290 = vector.broadcast %and3A_289 : i32 to vector<16xi32>
      %and3A_291 = arith.andi %gather3A_282, %and3A_290 : vector<16xi32>
      %select_n3A_292 = arith.select %lt3A_285, %shift_left3A_288, %and3A_291 : vector<16xi1>, vector<16xi32>
      %bitcast3A_293 = vector.bitcast %select_n3A_292 : vector<16xi32> to vector<16xf32>
      %swap3A_294 = arith.index_cast %add3A_25 : i32 to index
      %swap3A_295 = arith.constant 192 : index
      %swap3A_296 = tpu.vector_load %arg6[%swap3A_294, %swap3A_295] {strides = array<i32>} : memref<64x256xf32, #tpu.memory_space<vmem>>, vector<16xf32>,
      tpu.vector_store %arg6[%swap3A_294, %swap3A_295], %bitcast3A_293 {strides = array<i32>} : memref<64x256xf32, #tpu.memory_space<vmem>>, vector<16xf32>,
      %get3A_297 = arith.index_cast %add3A_25 : i32 to index
      %get3A_298 = arith.constant 208 : index
      %get3A_299 = tpu.vector_load %arg5[%get3A_297, %get3A_298] {strides = array<i32>} : memref<64x256xi32, #tpu.memory_space<vmem>>, vector<16xi32>,
      %and3A_300 = arith.constant 4095 : i32
      %and3A_301 = vector.broadcast %and3A_300 : i32 to vector<16xi32>
      %and3A_302 = arith.andi %get3A_299, %and3A_301 : vector<16xi32>
      %gather3A_303 = tpu.vector_load_idx %arg7[%and3A_302] : memref<4096xi32, #tpu.memory_space<vmem>>[vector<16xi32>], vector<16xi32>,
      %lt3A_304 = arith.constant 4096 : i32
      %lt3A_305 = vector.broadcast %lt3A_304 : i32 to vector<16xi32>
      %lt3A_306 = arith.cmpi slt, %get3A_299, %lt3A_305 : vector<16xi32>
      %shift_left3A_307 = arith.constant 16 : i32
      %shift_left3A_308 = vector.broadcast %shift_left3A_307 : i32 to vector<16xi32>
      %shift_left3A_309 = arith.shli %gather3A_303, %shift_left3A_308 : vector<16xi32>
      %and3A_310 = arith.constant -65536 : i32
      %and3A_311 = vector.broadcast %and3A_310 : i32 to vector<16xi32>
      %and3A_312 = arith.andi %gather3A_303, %and3A_311 : vector<16xi32>
      %select_n3A_313 = arith.select %lt3A_306, %shift_left3A_309, %and3A_312 : vector<16xi1>, vector<16xi32>
      %bitcast3A_314 = vector.bitcast %select_n3A_313 : vector<16xi32> to vector<16xf32>
      %swap3A_315 = arith.index_cast %add3A_25 : i32 to index
      %swap3A_316 = arith.constant 208 : index
      %swap3A_317 = tpu.vector_load %arg6[%swap3A_315, %swap3A_316] {strides = array<i32>} : memref<64x256xf32, #tpu.memory_space<vmem>>, vector<16xf32>,
      tpu.vector_store %arg6[%swap3A_315, %swap3A_316], %bitcast3A_314 {strides = array<i32>} : memref<64x256xf32, #tpu.memory_space<vmem>>, vector<16xf32>,
      %get3A_318 = arith.index_cast %add3A_25 : i32 to index
      %get3A_319 = arith.constant 224 : index
      %get3A_320 = tpu.vector_load %arg5[%get3A_318, %get3A_319] {strides = array<i32>} : memref<64x256xi32, #tpu.memory_space<vmem>>, vector<16xi32>,
      %and3A_321 = arith.constant 4095 : i32
      %and3A_322 = vector.broadcast %and3A_321 : i32 to vector<16xi32>
      %and3A_323 = arith.andi %get3A_320, %and3A_322 : vector<16xi32>
      %gather3A_324 = tpu.vector_load_idx %arg7[%and3A_323] : memref<4096xi32, #tpu.memory_space<vmem>>[vector<16xi32>], vector<16xi32>,
      %lt3A_325 = arith.constant 4096 : i32
      %lt3A_326 = vector.broadcast %lt3A_325 : i32 to vector<16xi32>
      %lt3A_327 = arith.cmpi slt, %get3A_320, %lt3A_326 : vector<16xi32>
      %shift_left3A_328 = arith.constant 16 : i32
      %shift_left3A_329 = vector.broadcast %shift_left3A_328 : i32 to vector<16xi32>
      %shift_left3A_330 = arith.shli %gather3A_324, %shift_left3A_329 : vector<16xi32>
      %and3A_331 = arith.constant -65536 : i32
      %and3A_332 = vector.broadcast %and3A_331 : i32 to vector<16xi32>
      %and3A_333 = arith.andi %gather3A_324, %and3A_332 : vector<16xi32>
      %select_n3A_334 = arith.select %lt3A_327, %shift_left3A_330, %and3A_333 : vector<16xi1>, vector<16xi32>
      %bitcast3A_335 = vector.bitcast %select_n3A_334 : vector<16xi32> to vector<16xf32>
      %swap3A_336 = arith.index_cast %add3A_25 : i32 to index
      %swap3A_337 = arith.constant 224 : index
      %swap3A_338 = tpu.vector_load %arg6[%swap3A_336, %swap3A_337] {strides = array<i32>} : memref<64x256xf32, #tpu.memory_space<vmem>>, vector<16xf32>,
      tpu.vector_store %arg6[%swap3A_336, %swap3A_337], %bitcast3A_335 {strides = array<i32>} : memref<64x256xf32, #tpu.memory_space<vmem>>, vector<16xf32>,
      %get3A_339 = arith.index_cast %add3A_25 : i32 to index
      %get3A_340 = arith.constant 240 : index
      %get3A_341 = tpu.vector_load %arg5[%get3A_339, %get3A_340] {strides = array<i32>} : memref<64x256xi32, #tpu.memory_space<vmem>>, vector<16xi32>,
      %and3A_342 = arith.constant 4095 : i32
      %and3A_343 = vector.broadcast %and3A_342 : i32 to vector<16xi32>
      %and3A_344 = arith.andi %get3A_341, %and3A_343 : vector<16xi32>
      %gather3A_345 = tpu.vector_load_idx %arg7[%and3A_344] : memref<4096xi32, #tpu.memory_space<vmem>>[vector<16xi32>], vector<16xi32>,
      %lt3A_346 = arith.constant 4096 : i32
      %lt3A_347 = vector.broadcast %lt3A_346 : i32 to vector<16xi32>
      %lt3A_348 = arith.cmpi slt, %get3A_341, %lt3A_347 : vector<16xi32>
      %shift_left3A_349 = arith.constant 16 : i32
      %shift_left3A_350 = vector.broadcast %shift_left3A_349 : i32 to vector<16xi32>
      %shift_left3A_351 = arith.shli %gather3A_345, %shift_left3A_350 : vector<16xi32>
      %and3A_352 = arith.constant -65536 : i32
      %and3A_353 = vector.broadcast %and3A_352 : i32 to vector<16xi32>
      %and3A_354 = arith.andi %gather3A_345, %and3A_353 : vector<16xi32>
      %select_n3A_355 = arith.select %lt3A_348, %shift_left3A_351, %and3A_354 : vector<16xi1>, vector<16xi32>
      %bitcast3A_356 = vector.bitcast %select_n3A_355 : vector<16xi32> to vector<16xf32>
      %swap3A_357 = arith.index_cast %add3A_25 : i32 to index
      %swap3A_358 = arith.constant 240 : index
      %swap3A_359 = tpu.vector_load %arg6[%swap3A_357, %swap3A_358] {strides = array<i32>} : memref<64x256xf32, #tpu.memory_space<vmem>>, vector<16xf32>,
      tpu.vector_store %arg6[%swap3A_357, %swap3A_358], %bitcast3A_356 {strides = array<i32>} : memref<64x256xf32, #tpu.memory_space<vmem>>, vector<16xf32>,
      %add3A_360 = arith.constant 2 : i32
      %add3A_361 = arith.addi %add3A_25, %add3A_360 : i32
      %lt3A_362 = arith.constant 64 : i32
      %lt3A_363 = arith.cmpi slt, %add3A_361, %lt3A_362 : i32
      %convert_element_type3A = arith.extui %lt3A_363 : i1 to i32
      %cond3A = arith.constant 0 : i32
      %cond3A_364 = arith.cmpi ne, %convert_element_type3A, %cond3A : i32
      scf.if %cond3A_364 {
        %add3A_719 = arith.addi %mul3A_2, %add3A_25 : i32
        %add3A_720 = arith.constant 2 : i32
        %add3A_721 = arith.addi %add3A_719, %add3A_720 : i32
        %dma_start3A_722 = arith.constant 0 : i32
        %dma_start3A_723 = tpu.memref_slice %arg2[%add3A_721, %dma_start3A_722] : memref<2048x4096xi32, #tpu.memory_space<hbm>> -> memref<1x4096xi32, #tpu.memory_space<hbm>>
        %dma_start3A_724 = tpu.memref_squeeze %dma_start3A_723 : memref<1x4096xi32, #tpu.memory_space<hbm>> -> memref<4096xi32, #tpu.memory_space<hbm>>
        %dma_start3A_725 = arith.constant 0 : i32
        %dma_start3A_726 = tpu.memref_slice %arg2[%add3A_721, %dma_start3A_725] : memref<2048x4096xi32, #tpu.memory_space<hbm>> -> memref<1x4096xi32, #tpu.memory_space<hbm>>
        %dma_start3A_727 = tpu.memref_squeeze %dma_start3A_726 : memref<1x4096xi32, #tpu.memory_space<hbm>> -> memref<4096xi32, #tpu.memory_space<hbm>>
        tpu.enqueue_dma source(%dma_start3A_727 : memref<4096xi32, #tpu.memory_space<hbm>>) target(%arg7 : memref<4096xi32, #tpu.memory_space<vmem>>) target_semaphore(%arg9 : memref<!tpu.dma_semaphore, #tpu.memory_space<semaphore_mem>>)
      } else {
      }
      %mul3A_365 = arith.constant 2 : i32
      %mul3A_366 = arith.muli %scan3A_21, %mul3A_365 : i32
      %add3A_367 = arith.constant 1 : i32
      %add3A_368 = arith.addi %mul3A_366, %add3A_367 : i32
      %add3A_369 = arith.addi %mul3A_2, %add3A_368 : i32
      %dma_wait3A_370 = arith.constant 0 : i32
      %dma_wait3A_371 = tpu.memref_slice %arg2[%add3A_369, %dma_wait3A_370] : memref<2048x4096xi32, #tpu.memory_space<hbm>> -> memref<1x4096xi32, #tpu.memory_space<hbm>>
      %dma_wait3A_372 = tpu.memref_squeeze %dma_wait3A_371 : memref<1x4096xi32, #tpu.memory_space<hbm>> -> memref<4096xi32, #tpu.memory_space<hbm>>
      %dma_wait3A_373 = arith.constant 0 : i32
      %dma_wait3A_374 = tpu.memref_slice %arg2[%add3A_369, %dma_wait3A_373] : memref<2048x4096xi32, #tpu.memory_space<hbm>> -> memref<1x4096xi32, #tpu.memory_space<hbm>>
      %dma_wait3A_375 = tpu.memref_squeeze %dma_wait3A_374 : memref<1x4096xi32, #tpu.memory_space<hbm>> -> memref<4096xi32, #tpu.memory_space<hbm>>
      tpu.wait_dma2 semaphore(%arg10 : memref<!tpu.dma_semaphore, #tpu.memory_space<semaphore_mem>>) src(%dma_wait3A_375 : memref<4096xi32, #tpu.memory_space<hbm>>) dst(%arg8 : memref<4096xi32, #tpu.memory_space<vmem>>)
      %get3A_376 = arith.index_cast %add3A_368 : i32 to index
      %get3A_377 = arith.constant 0 : index
      %get3A_378 = tpu.vector_load %arg5[%get3A_376, %get3A_377] {strides = array<i32>} : memref<64x256xi32, #tpu.memory_space<vmem>>, vector<16xi32>,
      %and3A_379 = arith.constant 4095 : i32
      %and3A_380 = vector.broadcast %and3A_379 : i32 to vector<16xi32>
      %and3A_381 = arith.andi %get3A_378, %and3A_380 : vector<16xi32>
      %gather3A_382 = tpu.vector_load_idx %arg8[%and3A_381] : memref<4096xi32, #tpu.memory_space<vmem>>[vector<16xi32>], vector<16xi32>,
      %lt3A_383 = arith.constant 4096 : i32
      %lt3A_384 = vector.broadcast %lt3A_383 : i32 to vector<16xi32>
      %lt3A_385 = arith.cmpi slt, %get3A_378, %lt3A_384 : vector<16xi32>
      %shift_left3A_386 = arith.constant 16 : i32
      %shift_left3A_387 = vector.broadcast %shift_left3A_386 : i32 to vector<16xi32>
      %shift_left3A_388 = arith.shli %gather3A_382, %shift_left3A_387 : vector<16xi32>
      %and3A_389 = arith.constant -65536 : i32
      %and3A_390 = vector.broadcast %and3A_389 : i32 to vector<16xi32>
      %and3A_391 = arith.andi %gather3A_382, %and3A_390 : vector<16xi32>
      %select_n3A_392 = arith.select %lt3A_385, %shift_left3A_388, %and3A_391 : vector<16xi1>, vector<16xi32>
      %bitcast3A_393 = vector.bitcast %select_n3A_392 : vector<16xi32> to vector<16xf32>
      %swap3A_394 = arith.index_cast %add3A_368 : i32 to index
      %swap3A_395 = arith.constant 0 : index
      %swap3A_396 = tpu.vector_load %arg6[%swap3A_394, %swap3A_395] {strides = array<i32>} : memref<64x256xf32, #tpu.memory_space<vmem>>, vector<16xf32>,
      tpu.vector_store %arg6[%swap3A_394, %swap3A_395], %bitcast3A_393 {strides = array<i32>} : memref<64x256xf32, #tpu.memory_space<vmem>>, vector<16xf32>,
      %get3A_397 = arith.index_cast %add3A_368 : i32 to index
      %get3A_398 = arith.constant 16 : index
      %get3A_399 = tpu.vector_load %arg5[%get3A_397, %get3A_398] {strides = array<i32>} : memref<64x256xi32, #tpu.memory_space<vmem>>, vector<16xi32>,
      %and3A_400 = arith.constant 4095 : i32
      %and3A_401 = vector.broadcast %and3A_400 : i32 to vector<16xi32>
      %and3A_402 = arith.andi %get3A_399, %and3A_401 : vector<16xi32>
      %gather3A_403 = tpu.vector_load_idx %arg8[%and3A_402] : memref<4096xi32, #tpu.memory_space<vmem>>[vector<16xi32>], vector<16xi32>,
      %lt3A_404 = arith.constant 4096 : i32
      %lt3A_405 = vector.broadcast %lt3A_404 : i32 to vector<16xi32>
      %lt3A_406 = arith.cmpi slt, %get3A_399, %lt3A_405 : vector<16xi32>
      %shift_left3A_407 = arith.constant 16 : i32
      %shift_left3A_408 = vector.broadcast %shift_left3A_407 : i32 to vector<16xi32>
      %shift_left3A_409 = arith.shli %gather3A_403, %shift_left3A_408 : vector<16xi32>
      %and3A_410 = arith.constant -65536 : i32
      %and3A_411 = vector.broadcast %and3A_410 : i32 to vector<16xi32>
      %and3A_412 = arith.andi %gather3A_403, %and3A_411 : vector<16xi32>
      %select_n3A_413 = arith.select %lt3A_406, %shift_left3A_409, %and3A_412 : vector<16xi1>, vector<16xi32>
      %bitcast3A_414 = vector.bitcast %select_n3A_413 : vector<16xi32> to vector<16xf32>
      %swap3A_415 = arith.index_cast %add3A_368 : i32 to index
      %swap3A_416 = arith.constant 16 : index
      %swap3A_417 = tpu.vector_load %arg6[%swap3A_415, %swap3A_416] {strides = array<i32>} : memref<64x256xf32, #tpu.memory_space<vmem>>, vector<16xf32>,
      tpu.vector_store %arg6[%swap3A_415, %swap3A_416], %bitcast3A_414 {strides = array<i32>} : memref<64x256xf32, #tpu.memory_space<vmem>>, vector<16xf32>,
      %get3A_418 = arith.index_cast %add3A_368 : i32 to index
      %get3A_419 = arith.constant 32 : index
      %get3A_420 = tpu.vector_load %arg5[%get3A_418, %get3A_419] {strides = array<i32>} : memref<64x256xi32, #tpu.memory_space<vmem>>, vector<16xi32>,
      %and3A_421 = arith.constant 4095 : i32
      %and3A_422 = vector.broadcast %and3A_421 : i32 to vector<16xi32>
      %and3A_423 = arith.andi %get3A_420, %and3A_422 : vector<16xi32>
      %gather3A_424 = tpu.vector_load_idx %arg8[%and3A_423] : memref<4096xi32, #tpu.memory_space<vmem>>[vector<16xi32>], vector<16xi32>,
      %lt3A_425 = arith.constant 4096 : i32
      %lt3A_426 = vector.broadcast %lt3A_425 : i32 to vector<16xi32>
      %lt3A_427 = arith.cmpi slt, %get3A_420, %lt3A_426 : vector<16xi32>
      %shift_left3A_428 = arith.constant 16 : i32
      %shift_left3A_429 = vector.broadcast %shift_left3A_428 : i32 to vector<16xi32>
      %shift_left3A_430 = arith.shli %gather3A_424, %shift_left3A_429 : vector<16xi32>
      %and3A_431 = arith.constant -65536 : i32
      %and3A_432 = vector.broadcast %and3A_431 : i32 to vector<16xi32>
      %and3A_433 = arith.andi %gather3A_424, %and3A_432 : vector<16xi32>
      %select_n3A_434 = arith.select %lt3A_427, %shift_left3A_430, %and3A_433 : vector<16xi1>, vector<16xi32>
      %bitcast3A_435 = vector.bitcast %select_n3A_434 : vector<16xi32> to vector<16xf32>
      %swap3A_436 = arith.index_cast %add3A_368 : i32 to index
      %swap3A_437 = arith.constant 32 : index
      %swap3A_438 = tpu.vector_load %arg6[%swap3A_436, %swap3A_437] {strides = array<i32>} : memref<64x256xf32, #tpu.memory_space<vmem>>, vector<16xf32>,
      tpu.vector_store %arg6[%swap3A_436, %swap3A_437], %bitcast3A_435 {strides = array<i32>} : memref<64x256xf32, #tpu.memory_space<vmem>>, vector<16xf32>,
      %get3A_439 = arith.index_cast %add3A_368 : i32 to index
      %get3A_440 = arith.constant 48 : index
      %get3A_441 = tpu.vector_load %arg5[%get3A_439, %get3A_440] {strides = array<i32>} : memref<64x256xi32, #tpu.memory_space<vmem>>, vector<16xi32>,
      %and3A_442 = arith.constant 4095 : i32
      %and3A_443 = vector.broadcast %and3A_442 : i32 to vector<16xi32>
      %and3A_444 = arith.andi %get3A_441, %and3A_443 : vector<16xi32>
      %gather3A_445 = tpu.vector_load_idx %arg8[%and3A_444] : memref<4096xi32, #tpu.memory_space<vmem>>[vector<16xi32>], vector<16xi32>,
      %lt3A_446 = arith.constant 4096 : i32
      %lt3A_447 = vector.broadcast %lt3A_446 : i32 to vector<16xi32>
      %lt3A_448 = arith.cmpi slt, %get3A_441, %lt3A_447 : vector<16xi32>
      %shift_left3A_449 = arith.constant 16 : i32
      %shift_left3A_450 = vector.broadcast %shift_left3A_449 : i32 to vector<16xi32>
      %shift_left3A_451 = arith.shli %gather3A_445, %shift_left3A_450 : vector<16xi32>
      %and3A_452 = arith.constant -65536 : i32
      %and3A_453 = vector.broadcast %and3A_452 : i32 to vector<16xi32>
      %and3A_454 = arith.andi %gather3A_445, %and3A_453 : vector<16xi32>
      %select_n3A_455 = arith.select %lt3A_448, %shift_left3A_451, %and3A_454 : vector<16xi1>, vector<16xi32>
      %bitcast3A_456 = vector.bitcast %select_n3A_455 : vector<16xi32> to vector<16xf32>
      %swap3A_457 = arith.index_cast %add3A_368 : i32 to index
      %swap3A_458 = arith.constant 48 : index
      %swap3A_459 = tpu.vector_load %arg6[%swap3A_457, %swap3A_458] {strides = array<i32>} : memref<64x256xf32, #tpu.memory_space<vmem>>, vector<16xf32>,
      tpu.vector_store %arg6[%swap3A_457, %swap3A_458], %bitcast3A_456 {strides = array<i32>} : memref<64x256xf32, #tpu.memory_space<vmem>>, vector<16xf32>,
      %get3A_460 = arith.index_cast %add3A_368 : i32 to index
      %get3A_461 = arith.constant 64 : index
      %get3A_462 = tpu.vector_load %arg5[%get3A_460, %get3A_461] {strides = array<i32>} : memref<64x256xi32, #tpu.memory_space<vmem>>, vector<16xi32>,
      %and3A_463 = arith.constant 4095 : i32
      %and3A_464 = vector.broadcast %and3A_463 : i32 to vector<16xi32>
      %and3A_465 = arith.andi %get3A_462, %and3A_464 : vector<16xi32>
      %gather3A_466 = tpu.vector_load_idx %arg8[%and3A_465] : memref<4096xi32, #tpu.memory_space<vmem>>[vector<16xi32>], vector<16xi32>,
      %lt3A_467 = arith.constant 4096 : i32
      %lt3A_468 = vector.broadcast %lt3A_467 : i32 to vector<16xi32>
      %lt3A_469 = arith.cmpi slt, %get3A_462, %lt3A_468 : vector<16xi32>
      %shift_left3A_470 = arith.constant 16 : i32
      %shift_left3A_471 = vector.broadcast %shift_left3A_470 : i32 to vector<16xi32>
      %shift_left3A_472 = arith.shli %gather3A_466, %shift_left3A_471 : vector<16xi32>
      %and3A_473 = arith.constant -65536 : i32
      %and3A_474 = vector.broadcast %and3A_473 : i32 to vector<16xi32>
      %and3A_475 = arith.andi %gather3A_466, %and3A_474 : vector<16xi32>
      %select_n3A_476 = arith.select %lt3A_469, %shift_left3A_472, %and3A_475 : vector<16xi1>, vector<16xi32>
      %bitcast3A_477 = vector.bitcast %select_n3A_476 : vector<16xi32> to vector<16xf32>
      %swap3A_478 = arith.index_cast %add3A_368 : i32 to index
      %swap3A_479 = arith.constant 64 : index
      %swap3A_480 = tpu.vector_load %arg6[%swap3A_478, %swap3A_479] {strides = array<i32>} : memref<64x256xf32, #tpu.memory_space<vmem>>, vector<16xf32>,
      tpu.vector_store %arg6[%swap3A_478, %swap3A_479], %bitcast3A_477 {strides = array<i32>} : memref<64x256xf32, #tpu.memory_space<vmem>>, vector<16xf32>,
      %get3A_481 = arith.index_cast %add3A_368 : i32 to index
      %get3A_482 = arith.constant 80 : index
      %get3A_483 = tpu.vector_load %arg5[%get3A_481, %get3A_482] {strides = array<i32>} : memref<64x256xi32, #tpu.memory_space<vmem>>, vector<16xi32>,
      %and3A_484 = arith.constant 4095 : i32
      %and3A_485 = vector.broadcast %and3A_484 : i32 to vector<16xi32>
      %and3A_486 = arith.andi %get3A_483, %and3A_485 : vector<16xi32>
      %gather3A_487 = tpu.vector_load_idx %arg8[%and3A_486] : memref<4096xi32, #tpu.memory_space<vmem>>[vector<16xi32>], vector<16xi32>,
      %lt3A_488 = arith.constant 4096 : i32
      %lt3A_489 = vector.broadcast %lt3A_488 : i32 to vector<16xi32>
      %lt3A_490 = arith.cmpi slt, %get3A_483, %lt3A_489 : vector<16xi32>
      %shift_left3A_491 = arith.constant 16 : i32
      %shift_left3A_492 = vector.broadcast %shift_left3A_491 : i32 to vector<16xi32>
      %shift_left3A_493 = arith.shli %gather3A_487, %shift_left3A_492 : vector<16xi32>
      %and3A_494 = arith.constant -65536 : i32
      %and3A_495 = vector.broadcast %and3A_494 : i32 to vector<16xi32>
      %and3A_496 = arith.andi %gather3A_487, %and3A_495 : vector<16xi32>
      %select_n3A_497 = arith.select %lt3A_490, %shift_left3A_493, %and3A_496 : vector<16xi1>, vector<16xi32>
      %bitcast3A_498 = vector.bitcast %select_n3A_497 : vector<16xi32> to vector<16xf32>
      %swap3A_499 = arith.index_cast %add3A_368 : i32 to index
      %swap3A_500 = arith.constant 80 : index
      %swap3A_501 = tpu.vector_load %arg6[%swap3A_499, %swap3A_500] {strides = array<i32>} : memref<64x256xf32, #tpu.memory_space<vmem>>, vector<16xf32>,
      tpu.vector_store %arg6[%swap3A_499, %swap3A_500], %bitcast3A_498 {strides = array<i32>} : memref<64x256xf32, #tpu.memory_space<vmem>>, vector<16xf32>,
      %get3A_502 = arith.index_cast %add3A_368 : i32 to index
      %get3A_503 = arith.constant 96 : index
      %get3A_504 = tpu.vector_load %arg5[%get3A_502, %get3A_503] {strides = array<i32>} : memref<64x256xi32, #tpu.memory_space<vmem>>, vector<16xi32>,
      %and3A_505 = arith.constant 4095 : i32
      %and3A_506 = vector.broadcast %and3A_505 : i32 to vector<16xi32>
      %and3A_507 = arith.andi %get3A_504, %and3A_506 : vector<16xi32>
      %gather3A_508 = tpu.vector_load_idx %arg8[%and3A_507] : memref<4096xi32, #tpu.memory_space<vmem>>[vector<16xi32>], vector<16xi32>,
      %lt3A_509 = arith.constant 4096 : i32
      %lt3A_510 = vector.broadcast %lt3A_509 : i32 to vector<16xi32>
      %lt3A_511 = arith.cmpi slt, %get3A_504, %lt3A_510 : vector<16xi32>
      %shift_left3A_512 = arith.constant 16 : i32
      %shift_left3A_513 = vector.broadcast %shift_left3A_512 : i32 to vector<16xi32>
      %shift_left3A_514 = arith.shli %gather3A_508, %shift_left3A_513 : vector<16xi32>
      %and3A_515 = arith.constant -65536 : i32
      %and3A_516 = vector.broadcast %and3A_515 : i32 to vector<16xi32>
      %and3A_517 = arith.andi %gather3A_508, %and3A_516 : vector<16xi32>
      %select_n3A_518 = arith.select %lt3A_511, %shift_left3A_514, %and3A_517 : vector<16xi1>, vector<16xi32>
      %bitcast3A_519 = vector.bitcast %select_n3A_518 : vector<16xi32> to vector<16xf32>
      %swap3A_520 = arith.index_cast %add3A_368 : i32 to index
      %swap3A_521 = arith.constant 96 : index
      %swap3A_522 = tpu.vector_load %arg6[%swap3A_520, %swap3A_521] {strides = array<i32>} : memref<64x256xf32, #tpu.memory_space<vmem>>, vector<16xf32>,
      tpu.vector_store %arg6[%swap3A_520, %swap3A_521], %bitcast3A_519 {strides = array<i32>} : memref<64x256xf32, #tpu.memory_space<vmem>>, vector<16xf32>,
      %get3A_523 = arith.index_cast %add3A_368 : i32 to index
      %get3A_524 = arith.constant 112 : index
      %get3A_525 = tpu.vector_load %arg5[%get3A_523, %get3A_524] {strides = array<i32>} : memref<64x256xi32, #tpu.memory_space<vmem>>, vector<16xi32>,
      %and3A_526 = arith.constant 4095 : i32
      %and3A_527 = vector.broadcast %and3A_526 : i32 to vector<16xi32>
      %and3A_528 = arith.andi %get3A_525, %and3A_527 : vector<16xi32>
      %gather3A_529 = tpu.vector_load_idx %arg8[%and3A_528] : memref<4096xi32, #tpu.memory_space<vmem>>[vector<16xi32>], vector<16xi32>,
      %lt3A_530 = arith.constant 4096 : i32
      %lt3A_531 = vector.broadcast %lt3A_530 : i32 to vector<16xi32>
      %lt3A_532 = arith.cmpi slt, %get3A_525, %lt3A_531 : vector<16xi32>
      %shift_left3A_533 = arith.constant 16 : i32
      %shift_left3A_534 = vector.broadcast %shift_left3A_533 : i32 to vector<16xi32>
      %shift_left3A_535 = arith.shli %gather3A_529, %shift_left3A_534 : vector<16xi32>
      %and3A_536 = arith.constant -65536 : i32
      %and3A_537 = vector.broadcast %and3A_536 : i32 to vector<16xi32>
      %and3A_538 = arith.andi %gather3A_529, %and3A_537 : vector<16xi32>
      %select_n3A_539 = arith.select %lt3A_532, %shift_left3A_535, %and3A_538 : vector<16xi1>, vector<16xi32>
      %bitcast3A_540 = vector.bitcast %select_n3A_539 : vector<16xi32> to vector<16xf32>
      %swap3A_541 = arith.index_cast %add3A_368 : i32 to index
      %swap3A_542 = arith.constant 112 : index
      %swap3A_543 = tpu.vector_load %arg6[%swap3A_541, %swap3A_542] {strides = array<i32>} : memref<64x256xf32, #tpu.memory_space<vmem>>, vector<16xf32>,
      tpu.vector_store %arg6[%swap3A_541, %swap3A_542], %bitcast3A_540 {strides = array<i32>} : memref<64x256xf32, #tpu.memory_space<vmem>>, vector<16xf32>,
      %get3A_544 = arith.index_cast %add3A_368 : i32 to index
      %get3A_545 = arith.constant 128 : index
      %get3A_546 = tpu.vector_load %arg5[%get3A_544, %get3A_545] {strides = array<i32>} : memref<64x256xi32, #tpu.memory_space<vmem>>, vector<16xi32>,
      %and3A_547 = arith.constant 4095 : i32
      %and3A_548 = vector.broadcast %and3A_547 : i32 to vector<16xi32>
      %and3A_549 = arith.andi %get3A_546, %and3A_548 : vector<16xi32>
      %gather3A_550 = tpu.vector_load_idx %arg8[%and3A_549] : memref<4096xi32, #tpu.memory_space<vmem>>[vector<16xi32>], vector<16xi32>,
      %lt3A_551 = arith.constant 4096 : i32
      %lt3A_552 = vector.broadcast %lt3A_551 : i32 to vector<16xi32>
      %lt3A_553 = arith.cmpi slt, %get3A_546, %lt3A_552 : vector<16xi32>
      %shift_left3A_554 = arith.constant 16 : i32
      %shift_left3A_555 = vector.broadcast %shift_left3A_554 : i32 to vector<16xi32>
      %shift_left3A_556 = arith.shli %gather3A_550, %shift_left3A_555 : vector<16xi32>
      %and3A_557 = arith.constant -65536 : i32
      %and3A_558 = vector.broadcast %and3A_557 : i32 to vector<16xi32>
      %and3A_559 = arith.andi %gather3A_550, %and3A_558 : vector<16xi32>
      %select_n3A_560 = arith.select %lt3A_553, %shift_left3A_556, %and3A_559 : vector<16xi1>, vector<16xi32>
      %bitcast3A_561 = vector.bitcast %select_n3A_560 : vector<16xi32> to vector<16xf32>
      %swap3A_562 = arith.index_cast %add3A_368 : i32 to index
      %swap3A_563 = arith.constant 128 : index
      %swap3A_564 = tpu.vector_load %arg6[%swap3A_562, %swap3A_563] {strides = array<i32>} : memref<64x256xf32, #tpu.memory_space<vmem>>, vector<16xf32>,
      tpu.vector_store %arg6[%swap3A_562, %swap3A_563], %bitcast3A_561 {strides = array<i32>} : memref<64x256xf32, #tpu.memory_space<vmem>>, vector<16xf32>,
      %get3A_565 = arith.index_cast %add3A_368 : i32 to index
      %get3A_566 = arith.constant 144 : index
      %get3A_567 = tpu.vector_load %arg5[%get3A_565, %get3A_566] {strides = array<i32>} : memref<64x256xi32, #tpu.memory_space<vmem>>, vector<16xi32>,
      %and3A_568 = arith.constant 4095 : i32
      %and3A_569 = vector.broadcast %and3A_568 : i32 to vector<16xi32>
      %and3A_570 = arith.andi %get3A_567, %and3A_569 : vector<16xi32>
      %gather3A_571 = tpu.vector_load_idx %arg8[%and3A_570] : memref<4096xi32, #tpu.memory_space<vmem>>[vector<16xi32>], vector<16xi32>,
      %lt3A_572 = arith.constant 4096 : i32
      %lt3A_573 = vector.broadcast %lt3A_572 : i32 to vector<16xi32>
      %lt3A_574 = arith.cmpi slt, %get3A_567, %lt3A_573 : vector<16xi32>
      %shift_left3A_575 = arith.constant 16 : i32
      %shift_left3A_576 = vector.broadcast %shift_left3A_575 : i32 to vector<16xi32>
      %shift_left3A_577 = arith.shli %gather3A_571, %shift_left3A_576 : vector<16xi32>
      %and3A_578 = arith.constant -65536 : i32
      %and3A_579 = vector.broadcast %and3A_578 : i32 to vector<16xi32>
      %and3A_580 = arith.andi %gather3A_571, %and3A_579 : vector<16xi32>
      %select_n3A_581 = arith.select %lt3A_574, %shift_left3A_577, %and3A_580 : vector<16xi1>, vector<16xi32>
      %bitcast3A_582 = vector.bitcast %select_n3A_581 : vector<16xi32> to vector<16xf32>
      %swap3A_583 = arith.index_cast %add3A_368 : i32 to index
      %swap3A_584 = arith.constant 144 : index
      %swap3A_585 = tpu.vector_load %arg6[%swap3A_583, %swap3A_584] {strides = array<i32>} : memref<64x256xf32, #tpu.memory_space<vmem>>, vector<16xf32>,
      tpu.vector_store %arg6[%swap3A_583, %swap3A_584], %bitcast3A_582 {strides = array<i32>} : memref<64x256xf32, #tpu.memory_space<vmem>>, vector<16xf32>,
      %get3A_586 = arith.index_cast %add3A_368 : i32 to index
      %get3A_587 = arith.constant 160 : index
      %get3A_588 = tpu.vector_load %arg5[%get3A_586, %get3A_587] {strides = array<i32>} : memref<64x256xi32, #tpu.memory_space<vmem>>, vector<16xi32>,
      %and3A_589 = arith.constant 4095 : i32
      %and3A_590 = vector.broadcast %and3A_589 : i32 to vector<16xi32>
      %and3A_591 = arith.andi %get3A_588, %and3A_590 : vector<16xi32>
      %gather3A_592 = tpu.vector_load_idx %arg8[%and3A_591] : memref<4096xi32, #tpu.memory_space<vmem>>[vector<16xi32>], vector<16xi32>,
      %lt3A_593 = arith.constant 4096 : i32
      %lt3A_594 = vector.broadcast %lt3A_593 : i32 to vector<16xi32>
      %lt3A_595 = arith.cmpi slt, %get3A_588, %lt3A_594 : vector<16xi32>
      %shift_left3A_596 = arith.constant 16 : i32
      %shift_left3A_597 = vector.broadcast %shift_left3A_596 : i32 to vector<16xi32>
      %shift_left3A_598 = arith.shli %gather3A_592, %shift_left3A_597 : vector<16xi32>
      %and3A_599 = arith.constant -65536 : i32
      %and3A_600 = vector.broadcast %and3A_599 : i32 to vector<16xi32>
      %and3A_601 = arith.andi %gather3A_592, %and3A_600 : vector<16xi32>
      %select_n3A_602 = arith.select %lt3A_595, %shift_left3A_598, %and3A_601 : vector<16xi1>, vector<16xi32>
      %bitcast3A_603 = vector.bitcast %select_n3A_602 : vector<16xi32> to vector<16xf32>
      %swap3A_604 = arith.index_cast %add3A_368 : i32 to index
      %swap3A_605 = arith.constant 160 : index
      %swap3A_606 = tpu.vector_load %arg6[%swap3A_604, %swap3A_605] {strides = array<i32>} : memref<64x256xf32, #tpu.memory_space<vmem>>, vector<16xf32>,
      tpu.vector_store %arg6[%swap3A_604, %swap3A_605], %bitcast3A_603 {strides = array<i32>} : memref<64x256xf32, #tpu.memory_space<vmem>>, vector<16xf32>,
      %get3A_607 = arith.index_cast %add3A_368 : i32 to index
      %get3A_608 = arith.constant 176 : index
      %get3A_609 = tpu.vector_load %arg5[%get3A_607, %get3A_608] {strides = array<i32>} : memref<64x256xi32, #tpu.memory_space<vmem>>, vector<16xi32>,
      %and3A_610 = arith.constant 4095 : i32
      %and3A_611 = vector.broadcast %and3A_610 : i32 to vector<16xi32>
      %and3A_612 = arith.andi %get3A_609, %and3A_611 : vector<16xi32>
      %gather3A_613 = tpu.vector_load_idx %arg8[%and3A_612] : memref<4096xi32, #tpu.memory_space<vmem>>[vector<16xi32>], vector<16xi32>,
      %lt3A_614 = arith.constant 4096 : i32
      %lt3A_615 = vector.broadcast %lt3A_614 : i32 to vector<16xi32>
      %lt3A_616 = arith.cmpi slt, %get3A_609, %lt3A_615 : vector<16xi32>
      %shift_left3A_617 = arith.constant 16 : i32
      %shift_left3A_618 = vector.broadcast %shift_left3A_617 : i32 to vector<16xi32>
      %shift_left3A_619 = arith.shli %gather3A_613, %shift_left3A_618 : vector<16xi32>
      %and3A_620 = arith.constant -65536 : i32
      %and3A_621 = vector.broadcast %and3A_620 : i32 to vector<16xi32>
      %and3A_622 = arith.andi %gather3A_613, %and3A_621 : vector<16xi32>
      %select_n3A_623 = arith.select %lt3A_616, %shift_left3A_619, %and3A_622 : vector<16xi1>, vector<16xi32>
      %bitcast3A_624 = vector.bitcast %select_n3A_623 : vector<16xi32> to vector<16xf32>
      %swap3A_625 = arith.index_cast %add3A_368 : i32 to index
      %swap3A_626 = arith.constant 176 : index
      %swap3A_627 = tpu.vector_load %arg6[%swap3A_625, %swap3A_626] {strides = array<i32>} : memref<64x256xf32, #tpu.memory_space<vmem>>, vector<16xf32>,
      tpu.vector_store %arg6[%swap3A_625, %swap3A_626], %bitcast3A_624 {strides = array<i32>} : memref<64x256xf32, #tpu.memory_space<vmem>>, vector<16xf32>,
      %get3A_628 = arith.index_cast %add3A_368 : i32 to index
      %get3A_629 = arith.constant 192 : index
      %get3A_630 = tpu.vector_load %arg5[%get3A_628, %get3A_629] {strides = array<i32>} : memref<64x256xi32, #tpu.memory_space<vmem>>, vector<16xi32>,
      %and3A_631 = arith.constant 4095 : i32
      %and3A_632 = vector.broadcast %and3A_631 : i32 to vector<16xi32>
      %and3A_633 = arith.andi %get3A_630, %and3A_632 : vector<16xi32>
      %gather3A_634 = tpu.vector_load_idx %arg8[%and3A_633] : memref<4096xi32, #tpu.memory_space<vmem>>[vector<16xi32>], vector<16xi32>,
      %lt3A_635 = arith.constant 4096 : i32
      %lt3A_636 = vector.broadcast %lt3A_635 : i32 to vector<16xi32>
      %lt3A_637 = arith.cmpi slt, %get3A_630, %lt3A_636 : vector<16xi32>
      %shift_left3A_638 = arith.constant 16 : i32
      %shift_left3A_639 = vector.broadcast %shift_left3A_638 : i32 to vector<16xi32>
      %shift_left3A_640 = arith.shli %gather3A_634, %shift_left3A_639 : vector<16xi32>
      %and3A_641 = arith.constant -65536 : i32
      %and3A_642 = vector.broadcast %and3A_641 : i32 to vector<16xi32>
      %and3A_643 = arith.andi %gather3A_634, %and3A_642 : vector<16xi32>
      %select_n3A_644 = arith.select %lt3A_637, %shift_left3A_640, %and3A_643 : vector<16xi1>, vector<16xi32>
      %bitcast3A_645 = vector.bitcast %select_n3A_644 : vector<16xi32> to vector<16xf32>
      %swap3A_646 = arith.index_cast %add3A_368 : i32 to index
      %swap3A_647 = arith.constant 192 : index
      %swap3A_648 = tpu.vector_load %arg6[%swap3A_646, %swap3A_647] {strides = array<i32>} : memref<64x256xf32, #tpu.memory_space<vmem>>, vector<16xf32>,
      tpu.vector_store %arg6[%swap3A_646, %swap3A_647], %bitcast3A_645 {strides = array<i32>} : memref<64x256xf32, #tpu.memory_space<vmem>>, vector<16xf32>,
      %get3A_649 = arith.index_cast %add3A_368 : i32 to index
      %get3A_650 = arith.constant 208 : index
      %get3A_651 = tpu.vector_load %arg5[%get3A_649, %get3A_650] {strides = array<i32>} : memref<64x256xi32, #tpu.memory_space<vmem>>, vector<16xi32>,
      %and3A_652 = arith.constant 4095 : i32
      %and3A_653 = vector.broadcast %and3A_652 : i32 to vector<16xi32>
      %and3A_654 = arith.andi %get3A_651, %and3A_653 : vector<16xi32>
      %gather3A_655 = tpu.vector_load_idx %arg8[%and3A_654] : memref<4096xi32, #tpu.memory_space<vmem>>[vector<16xi32>], vector<16xi32>,
      %lt3A_656 = arith.constant 4096 : i32
      %lt3A_657 = vector.broadcast %lt3A_656 : i32 to vector<16xi32>
      %lt3A_658 = arith.cmpi slt, %get3A_651, %lt3A_657 : vector<16xi32>
      %shift_left3A_659 = arith.constant 16 : i32
      %shift_left3A_660 = vector.broadcast %shift_left3A_659 : i32 to vector<16xi32>
      %shift_left3A_661 = arith.shli %gather3A_655, %shift_left3A_660 : vector<16xi32>
      %and3A_662 = arith.constant -65536 : i32
      %and3A_663 = vector.broadcast %and3A_662 : i32 to vector<16xi32>
      %and3A_664 = arith.andi %gather3A_655, %and3A_663 : vector<16xi32>
      %select_n3A_665 = arith.select %lt3A_658, %shift_left3A_661, %and3A_664 : vector<16xi1>, vector<16xi32>
      %bitcast3A_666 = vector.bitcast %select_n3A_665 : vector<16xi32> to vector<16xf32>
      %swap3A_667 = arith.index_cast %add3A_368 : i32 to index
      %swap3A_668 = arith.constant 208 : index
      %swap3A_669 = tpu.vector_load %arg6[%swap3A_667, %swap3A_668] {strides = array<i32>} : memref<64x256xf32, #tpu.memory_space<vmem>>, vector<16xf32>,
      tpu.vector_store %arg6[%swap3A_667, %swap3A_668], %bitcast3A_666 {strides = array<i32>} : memref<64x256xf32, #tpu.memory_space<vmem>>, vector<16xf32>,
      %get3A_670 = arith.index_cast %add3A_368 : i32 to index
      %get3A_671 = arith.constant 224 : index
      %get3A_672 = tpu.vector_load %arg5[%get3A_670, %get3A_671] {strides = array<i32>} : memref<64x256xi32, #tpu.memory_space<vmem>>, vector<16xi32>,
      %and3A_673 = arith.constant 4095 : i32
      %and3A_674 = vector.broadcast %and3A_673 : i32 to vector<16xi32>
      %and3A_675 = arith.andi %get3A_672, %and3A_674 : vector<16xi32>
      %gather3A_676 = tpu.vector_load_idx %arg8[%and3A_675] : memref<4096xi32, #tpu.memory_space<vmem>>[vector<16xi32>], vector<16xi32>,
      %lt3A_677 = arith.constant 4096 : i32
      %lt3A_678 = vector.broadcast %lt3A_677 : i32 to vector<16xi32>
      %lt3A_679 = arith.cmpi slt, %get3A_672, %lt3A_678 : vector<16xi32>
      %shift_left3A_680 = arith.constant 16 : i32
      %shift_left3A_681 = vector.broadcast %shift_left3A_680 : i32 to vector<16xi32>
      %shift_left3A_682 = arith.shli %gather3A_676, %shift_left3A_681 : vector<16xi32>
      %and3A_683 = arith.constant -65536 : i32
      %and3A_684 = vector.broadcast %and3A_683 : i32 to vector<16xi32>
      %and3A_685 = arith.andi %gather3A_676, %and3A_684 : vector<16xi32>
      %select_n3A_686 = arith.select %lt3A_679, %shift_left3A_682, %and3A_685 : vector<16xi1>, vector<16xi32>
      %bitcast3A_687 = vector.bitcast %select_n3A_686 : vector<16xi32> to vector<16xf32>
      %swap3A_688 = arith.index_cast %add3A_368 : i32 to index
      %swap3A_689 = arith.constant 224 : index
      %swap3A_690 = tpu.vector_load %arg6[%swap3A_688, %swap3A_689] {strides = array<i32>} : memref<64x256xf32, #tpu.memory_space<vmem>>, vector<16xf32>,
      tpu.vector_store %arg6[%swap3A_688, %swap3A_689], %bitcast3A_687 {strides = array<i32>} : memref<64x256xf32, #tpu.memory_space<vmem>>, vector<16xf32>,
      %get3A_691 = arith.index_cast %add3A_368 : i32 to index
      %get3A_692 = arith.constant 240 : index
      %get3A_693 = tpu.vector_load %arg5[%get3A_691, %get3A_692] {strides = array<i32>} : memref<64x256xi32, #tpu.memory_space<vmem>>, vector<16xi32>,
      %and3A_694 = arith.constant 4095 : i32
      %and3A_695 = vector.broadcast %and3A_694 : i32 to vector<16xi32>
      %and3A_696 = arith.andi %get3A_693, %and3A_695 : vector<16xi32>
      %gather3A_697 = tpu.vector_load_idx %arg8[%and3A_696] : memref<4096xi32, #tpu.memory_space<vmem>>[vector<16xi32>], vector<16xi32>,
      %lt3A_698 = arith.constant 4096 : i32
      %lt3A_699 = vector.broadcast %lt3A_698 : i32 to vector<16xi32>
      %lt3A_700 = arith.cmpi slt, %get3A_693, %lt3A_699 : vector<16xi32>
      %shift_left3A_701 = arith.constant 16 : i32
      %shift_left3A_702 = vector.broadcast %shift_left3A_701 : i32 to vector<16xi32>
      %shift_left3A_703 = arith.shli %gather3A_697, %shift_left3A_702 : vector<16xi32>
      %and3A_704 = arith.constant -65536 : i32
      %and3A_705 = vector.broadcast %and3A_704 : i32 to vector<16xi32>
      %and3A_706 = arith.andi %gather3A_697, %and3A_705 : vector<16xi32>
      %select_n3A_707 = arith.select %lt3A_700, %shift_left3A_703, %and3A_706 : vector<16xi1>, vector<16xi32>
      %bitcast3A_708 = vector.bitcast %select_n3A_707 : vector<16xi32> to vector<16xf32>
      %swap3A_709 = arith.index_cast %add3A_368 : i32 to index
      %swap3A_710 = arith.constant 240 : index
      %swap3A_711 = tpu.vector_load %arg6[%swap3A_709, %swap3A_710] {strides = array<i32>} : memref<64x256xf32, #tpu.memory_space<vmem>>, vector<16xf32>,
      tpu.vector_store %arg6[%swap3A_709, %swap3A_710], %bitcast3A_708 {strides = array<i32>} : memref<64x256xf32, #tpu.memory_space<vmem>>, vector<16xf32>,
      %add3A_712 = arith.constant 2 : i32
      %add3A_713 = arith.addi %add3A_368, %add3A_712 : i32
      %lt3A_714 = arith.constant 64 : i32
      %lt3A_715 = arith.cmpi slt, %add3A_713, %lt3A_714 : i32
      %convert_element_type3A_716 = arith.extui %lt3A_715 : i1 to i32
      %cond3A_717 = arith.constant 0 : i32
      %cond3A_718 = arith.cmpi ne, %convert_element_type3A_716, %cond3A_717 : i32
      scf.if %cond3A_718 {
        %add3A_719 = arith.addi %mul3A_2, %add3A_368 : i32
        %add3A_720 = arith.constant 2 : i32
        %add3A_721 = arith.addi %add3A_719, %add3A_720 : i32
        %dma_start3A_722 = arith.constant 0 : i32
        %dma_start3A_723 = tpu.memref_slice %arg2[%add3A_721, %dma_start3A_722] : memref<2048x4096xi32, #tpu.memory_space<hbm>> -> memref<1x4096xi32, #tpu.memory_space<hbm>>
        %dma_start3A_724 = tpu.memref_squeeze %dma_start3A_723 : memref<1x4096xi32, #tpu.memory_space<hbm>> -> memref<4096xi32, #tpu.memory_space<hbm>>
        %dma_start3A_725 = arith.constant 0 : i32
        %dma_start3A_726 = tpu.memref_slice %arg2[%add3A_721, %dma_start3A_725] : memref<2048x4096xi32, #tpu.memory_space<hbm>> -> memref<1x4096xi32, #tpu.memory_space<hbm>>
        %dma_start3A_727 = tpu.memref_squeeze %dma_start3A_726 : memref<1x4096xi32, #tpu.memory_space<hbm>> -> memref<4096xi32, #tpu.memory_space<hbm>>
        tpu.enqueue_dma source(%dma_start3A_727 : memref<4096xi32, #tpu.memory_space<hbm>>) target(%arg8 : memref<4096xi32, #tpu.memory_space<vmem>>) target_semaphore(%arg10 : memref<!tpu.dma_semaphore, #tpu.memory_space<semaphore_mem>>)
      } else {
      }
    }
    %scan3A_20 = arith.constant 32 : i32
    "tpu.region"() ({
      %run_scoped3A = tpu.sem_alloc : memref<!tpu.dma_semaphore, #tpu.memory_space<semaphore_mem>>
      %dma_start3A_21 = arith.constant 0 : i32
      %dma_start3A_22 = tpu.memref_slice %arg4[%mul3A_2, %dma_start3A_21] : memref<2048x256xf32, #tpu.memory_space<hbm>> -> memref<64x256xf32, #tpu.memory_space<hbm>>
      %dma_start3A_23 = arith.constant 0 : i32
      %dma_start3A_24 = tpu.memref_slice %arg4[%mul3A_2, %dma_start3A_23] : memref<2048x256xf32, #tpu.memory_space<hbm>> -> memref<64x256xf32, #tpu.memory_space<hbm>>
      tpu.enqueue_dma source(%arg6 : memref<64x256xf32, #tpu.memory_space<vmem>>) target(%dma_start3A_24 : memref<64x256xf32, #tpu.memory_space<hbm>>) target_semaphore(%run_scoped3A : memref<!tpu.dma_semaphore, #tpu.memory_space<semaphore_mem>>)
      %dma_wait3A = arith.constant 0 : i32
      %dma_wait3A_25 = tpu.memref_slice %arg4[%mul3A_2, %dma_wait3A] : memref<2048x256xf32, #tpu.memory_space<hbm>> -> memref<64x256xf32, #tpu.memory_space<hbm>>
      %dma_wait3A_26 = arith.constant 0 : i32
      %dma_wait3A_27 = tpu.memref_slice %arg4[%mul3A_2, %dma_wait3A_26] : memref<2048x256xf32, #tpu.memory_space<hbm>> -> memref<64x256xf32, #tpu.memory_space<hbm>>
      tpu.wait_dma2 semaphore(%run_scoped3A : memref<!tpu.dma_semaphore, #tpu.memory_space<semaphore_mem>>) src(%arg6 : memref<64x256xf32, #tpu.memory_space<vmem>>) dst(%dma_wait3A_27 : memref<64x256xf32, #tpu.memory_space<hbm>>)
      tpu.yield
    }) : () -> ()
    return
  }
}

#map = affine_map<(d0, d1) -> (0, 0)>
module attributes {stable_mosaic.version = 14 : i64} {
  func.func @_scatter_kernel(%arg0: i32, %arg1: i32, %arg2: memref<2048x256xf32, #tpu.memory_space<hbm>>, %arg3: memref<2048x256xi32, #tpu.memory_space<hbm>>, %arg4: memref<2048x2048xf32, #tpu.memory_space<hbm>>, %arg5: memref<64x256xi32, #tpu.memory_space<vmem>>, %arg6: memref<64x256xf32, #tpu.memory_space<vmem>>, %arg7: memref<16x2048xf32, #tpu.memory_space<vmem>>, %arg8: memref<16x2048xf32, #tpu.memory_space<vmem>>, %arg9: memref<!tpu.dma_semaphore, #tpu.memory_space<semaphore_mem>>, %arg10: memref<!tpu.dma_semaphore, #tpu.memory_space<semaphore_mem>>, %arg11: memref<!tpu.dma_semaphore, #tpu.memory_space<semaphore_mem>>) attributes {dimension_semantics = [#tpu.dimension_semantics<core_parallel>, #tpu.dimension_semantics<subcore_parallel>], iteration_bounds = array<i64: 2, 16>, scalar_prefetch = 0 : i64, scratch_operands = 7 : i64, tpu.core_type = #tpu.core_type<sc_vector_subcore>, window_params = [{transform_indices = #map}, {transform_indices = #map}, {transform_indices = #map}]} {
    %mul3A = arith.constant 2 : i32
    %mul3A_0 = arith.muli %arg1, %mul3A : i32
    %add3A = arith.addi %mul3A_0, %arg0 : i32
    %mul3A_1 = arith.constant 64 : i32
    %mul3A_2 = arith.muli %add3A, %mul3A_1 : i32
    %dma_start3A = arith.constant 0 : i32
    %dma_start3A_3 = tpu.memref_slice %arg3[%mul3A_2, %dma_start3A] : memref<2048x256xi32, #tpu.memory_space<hbm>> -> memref<64x256xi32, #tpu.memory_space<hbm>>
    %dma_start3A_4 = arith.constant 0 : i32
    %dma_start3A_5 = tpu.memref_slice %arg3[%mul3A_2, %dma_start3A_4] : memref<2048x256xi32, #tpu.memory_space<hbm>> -> memref<64x256xi32, #tpu.memory_space<hbm>>
    tpu.enqueue_dma source(%dma_start3A_5 : memref<64x256xi32, #tpu.memory_space<hbm>>) target(%arg5 : memref<64x256xi32, #tpu.memory_space<vmem>>) target_semaphore(%arg9 : memref<!tpu.dma_semaphore, #tpu.memory_space<semaphore_mem>>)
    %dma_start3A_6 = arith.constant 0 : i32
    %dma_start3A_7 = tpu.memref_slice %arg2[%mul3A_2, %dma_start3A_6] : memref<2048x256xf32, #tpu.memory_space<hbm>> -> memref<64x256xf32, #tpu.memory_space<hbm>>
    %dma_start3A_8 = arith.constant 0 : i32
    %dma_start3A_9 = tpu.memref_slice %arg2[%mul3A_2, %dma_start3A_8] : memref<2048x256xf32, #tpu.memory_space<hbm>> -> memref<64x256xf32, #tpu.memory_space<hbm>>
    tpu.enqueue_dma source(%dma_start3A_9 : memref<64x256xf32, #tpu.memory_space<hbm>>) target(%arg6 : memref<64x256xf32, #tpu.memory_space<vmem>>) target_semaphore(%arg9 : memref<!tpu.dma_semaphore, #tpu.memory_space<semaphore_mem>>)
    %broadcast_in_dim3A = arith.constant 0.000000e+00 : f32
    %broadcast_in_dim3A_10 = vector.broadcast %broadcast_in_dim3A : f32 to vector<16xf32>
    %scan3A = arith.constant 0 : i32
    %scan3A_11 = arith.constant 0 : i32
    %scan3A_12 = arith.constant 16 : i32
    %scan3A_13 = arith.addi %scan3A_11, %scan3A_12 : i32
    %scan3A_14 = arith.constant 1 : i32
    scf.for %scan3A_113 = %scan3A_11 to %scan3A_13 step %scan3A_14  : i32 {
      %scan3A_114 = arith.constant 0 : i32
      %scan3A_115 = arith.constant 0 : i32
      %scan3A_116 = arith.constant 128 : i32
      %scan3A_117 = arith.addi %scan3A_115, %scan3A_116 : i32
      %scan3A_118 = arith.constant 1 : i32
      scf.for %scan3A_120 = %scan3A_115 to %scan3A_117 step %scan3A_118  : i32 {
        %mul3A_121 = arith.constant 16 : i32
        %mul3A_122 = arith.muli %scan3A_120, %mul3A_121 : i32
        %swap3A = arith.index_cast %scan3A_113 : i32 to index
        %swap3A_123 = arith.index_cast %mul3A_122 : i32 to index
        %swap3A_124 = tpu.vector_load %arg7[%swap3A, %swap3A_123] {strides = array<i32>} : memref<16x2048xf32, #tpu.memory_space<vmem>>, vector<16xf32>,
        tpu.vector_store %arg7[%swap3A, %swap3A_123], %broadcast_in_dim3A_10 {strides = array<i32>} : memref<16x2048xf32, #tpu.memory_space<vmem>>, vector<16xf32>,
      }
      %scan3A_119 = arith.constant 128 : i32
    }
    %scan3A_15 = arith.constant 16 : i32
    %scan3A_16 = arith.constant 0 : i32
    %scan3A_17 = arith.constant 0 : i32
    %scan3A_18 = arith.constant 16 : i32
    %scan3A_19 = arith.addi %scan3A_17, %scan3A_18 : i32
    %scan3A_20 = arith.constant 1 : i32
    scf.for %scan3A_113 = %scan3A_17 to %scan3A_19 step %scan3A_20  : i32 {
      %scan3A_114 = arith.constant 0 : i32
      %scan3A_115 = arith.constant 0 : i32
      %scan3A_116 = arith.constant 128 : i32
      %scan3A_117 = arith.addi %scan3A_115, %scan3A_116 : i32
      %scan3A_118 = arith.constant 1 : i32
      scf.for %scan3A_120 = %scan3A_115 to %scan3A_117 step %scan3A_118  : i32 {
        %mul3A_121 = arith.constant 16 : i32
        %mul3A_122 = arith.muli %scan3A_120, %mul3A_121 : i32
        %swap3A = arith.index_cast %scan3A_113 : i32 to index
        %swap3A_123 = arith.index_cast %mul3A_122 : i32 to index
        %swap3A_124 = tpu.vector_load %arg8[%swap3A, %swap3A_123] {strides = array<i32>} : memref<16x2048xf32, #tpu.memory_space<vmem>>, vector<16xf32>,
        tpu.vector_store %arg8[%swap3A, %swap3A_123], %broadcast_in_dim3A_10 {strides = array<i32>} : memref<16x2048xf32, #tpu.memory_space<vmem>>, vector<16xf32>,
      }
      %scan3A_119 = arith.constant 128 : i32
    }
    %scan3A_21 = arith.constant 16 : i32
    %dma_wait3A = arith.constant 0 : i32
    %dma_wait3A_22 = tpu.memref_slice %arg3[%mul3A_2, %dma_wait3A] : memref<2048x256xi32, #tpu.memory_space<hbm>> -> memref<64x256xi32, #tpu.memory_space<hbm>>
    %dma_wait3A_23 = arith.constant 0 : i32
    %dma_wait3A_24 = tpu.memref_slice %arg3[%mul3A_2, %dma_wait3A_23] : memref<2048x256xi32, #tpu.memory_space<hbm>> -> memref<64x256xi32, #tpu.memory_space<hbm>>
    tpu.wait_dma2 semaphore(%arg9 : memref<!tpu.dma_semaphore, #tpu.memory_space<semaphore_mem>>) src(%dma_wait3A_24 : memref<64x256xi32, #tpu.memory_space<hbm>>) dst(%arg5 : memref<64x256xi32, #tpu.memory_space<vmem>>)
    %dma_wait3A_25 = arith.constant 0 : i32
    %dma_wait3A_26 = tpu.memref_slice %arg2[%mul3A_2, %dma_wait3A_25] : memref<2048x256xf32, #tpu.memory_space<hbm>> -> memref<64x256xf32, #tpu.memory_space<hbm>>
    %dma_wait3A_27 = arith.constant 0 : i32
    %dma_wait3A_28 = tpu.memref_slice %arg2[%mul3A_2, %dma_wait3A_27] : memref<2048x256xf32, #tpu.memory_space<hbm>> -> memref<64x256xf32, #tpu.memory_space<hbm>>
    tpu.wait_dma2 semaphore(%arg9 : memref<!tpu.dma_semaphore, #tpu.memory_space<semaphore_mem>>) src(%dma_wait3A_28 : memref<64x256xf32, #tpu.memory_space<hbm>>) dst(%arg6 : memref<64x256xf32, #tpu.memory_space<vmem>>)
    %scan3A_29 = arith.constant 0 : i32
    %scan3A_30 = arith.constant 0 : i32
    %scan3A_31 = arith.constant 16 : i32
    %scan3A_32 = arith.addi %scan3A_30, %scan3A_31 : i32
    %scan3A_33 = arith.constant 1 : i32
    scf.for %scan3A_113 = %scan3A_30 to %scan3A_32 step %scan3A_33  : i32 {
      %add3A_114 = arith.constant 0 : i32
      %add3A_115 = arith.addi %add3A_114, %scan3A_113 : i32
      %broadcast_in_dim3A_116 = vector.broadcast %scan3A_113 : i32 to vector<16xi32>
      %get3A = arith.index_cast %add3A_115 : i32 to index
      %get3A_117 = arith.constant 0 : index
      %get3A_118 = tpu.vector_load %arg5[%get3A, %get3A_117] {strides = array<i32>} : memref<64x256xi32, #tpu.memory_space<vmem>>, vector<16xi32>,
      %get3A_119 = arith.index_cast %add3A_115 : i32 to index
      %get3A_120 = arith.constant 0 : index
      %get3A_121 = tpu.vector_load %arg6[%get3A_119, %get3A_120] {strides = array<i32>} : memref<64x256xf32, #tpu.memory_space<vmem>>, vector<16xf32>,
      tpu.vector_store_idx %arg7[%broadcast_in_dim3A_116, %get3A_118], %get3A_121 {add = true} : memref<16x2048xf32, #tpu.memory_space<vmem>>[vector<16xi32>, vector<16xi32>], vector<16xf32>,
      %get3A_122 = arith.index_cast %add3A_115 : i32 to index
      %get3A_123 = arith.constant 16 : index
      %get3A_124 = tpu.vector_load %arg5[%get3A_122, %get3A_123] {strides = array<i32>} : memref<64x256xi32, #tpu.memory_space<vmem>>, vector<16xi32>,
      %get3A_125 = arith.index_cast %add3A_115 : i32 to index
      %get3A_126 = arith.constant 16 : index
      %get3A_127 = tpu.vector_load %arg6[%get3A_125, %get3A_126] {strides = array<i32>} : memref<64x256xf32, #tpu.memory_space<vmem>>, vector<16xf32>,
      tpu.vector_store_idx %arg7[%broadcast_in_dim3A_116, %get3A_124], %get3A_127 {add = true} : memref<16x2048xf32, #tpu.memory_space<vmem>>[vector<16xi32>, vector<16xi32>], vector<16xf32>,
      %get3A_128 = arith.index_cast %add3A_115 : i32 to index
      %get3A_129 = arith.constant 32 : index
      %get3A_130 = tpu.vector_load %arg5[%get3A_128, %get3A_129] {strides = array<i32>} : memref<64x256xi32, #tpu.memory_space<vmem>>, vector<16xi32>,
      %get3A_131 = arith.index_cast %add3A_115 : i32 to index
      %get3A_132 = arith.constant 32 : index
      %get3A_133 = tpu.vector_load %arg6[%get3A_131, %get3A_132] {strides = array<i32>} : memref<64x256xf32, #tpu.memory_space<vmem>>, vector<16xf32>,
      tpu.vector_store_idx %arg7[%broadcast_in_dim3A_116, %get3A_130], %get3A_133 {add = true} : memref<16x2048xf32, #tpu.memory_space<vmem>>[vector<16xi32>, vector<16xi32>], vector<16xf32>,
      %get3A_134 = arith.index_cast %add3A_115 : i32 to index
      %get3A_135 = arith.constant 48 : index
      %get3A_136 = tpu.vector_load %arg5[%get3A_134, %get3A_135] {strides = array<i32>} : memref<64x256xi32, #tpu.memory_space<vmem>>, vector<16xi32>,
      %get3A_137 = arith.index_cast %add3A_115 : i32 to index
      %get3A_138 = arith.constant 48 : index
      %get3A_139 = tpu.vector_load %arg6[%get3A_137, %get3A_138] {strides = array<i32>} : memref<64x256xf32, #tpu.memory_space<vmem>>, vector<16xf32>,
      tpu.vector_store_idx %arg7[%broadcast_in_dim3A_116, %get3A_136], %get3A_139 {add = true} : memref<16x2048xf32, #tpu.memory_space<vmem>>[vector<16xi32>, vector<16xi32>], vector<16xf32>,
      %get3A_140 = arith.index_cast %add3A_115 : i32 to index
      %get3A_141 = arith.constant 64 : index
      %get3A_142 = tpu.vector_load %arg5[%get3A_140, %get3A_141] {strides = array<i32>} : memref<64x256xi32, #tpu.memory_space<vmem>>, vector<16xi32>,
      %get3A_143 = arith.index_cast %add3A_115 : i32 to index
      %get3A_144 = arith.constant 64 : index
      %get3A_145 = tpu.vector_load %arg6[%get3A_143, %get3A_144] {strides = array<i32>} : memref<64x256xf32, #tpu.memory_space<vmem>>, vector<16xf32>,
      tpu.vector_store_idx %arg7[%broadcast_in_dim3A_116, %get3A_142], %get3A_145 {add = true} : memref<16x2048xf32, #tpu.memory_space<vmem>>[vector<16xi32>, vector<16xi32>], vector<16xf32>,
      %get3A_146 = arith.index_cast %add3A_115 : i32 to index
      %get3A_147 = arith.constant 80 : index
      %get3A_148 = tpu.vector_load %arg5[%get3A_146, %get3A_147] {strides = array<i32>} : memref<64x256xi32, #tpu.memory_space<vmem>>, vector<16xi32>,
      %get3A_149 = arith.index_cast %add3A_115 : i32 to index
      %get3A_150 = arith.constant 80 : index
      %get3A_151 = tpu.vector_load %arg6[%get3A_149, %get3A_150] {strides = array<i32>} : memref<64x256xf32, #tpu.memory_space<vmem>>, vector<16xf32>,
      tpu.vector_store_idx %arg7[%broadcast_in_dim3A_116, %get3A_148], %get3A_151 {add = true} : memref<16x2048xf32, #tpu.memory_space<vmem>>[vector<16xi32>, vector<16xi32>], vector<16xf32>,
      %get3A_152 = arith.index_cast %add3A_115 : i32 to index
      %get3A_153 = arith.constant 96 : index
      %get3A_154 = tpu.vector_load %arg5[%get3A_152, %get3A_153] {strides = array<i32>} : memref<64x256xi32, #tpu.memory_space<vmem>>, vector<16xi32>,
      %get3A_155 = arith.index_cast %add3A_115 : i32 to index
      %get3A_156 = arith.constant 96 : index
      %get3A_157 = tpu.vector_load %arg6[%get3A_155, %get3A_156] {strides = array<i32>} : memref<64x256xf32, #tpu.memory_space<vmem>>, vector<16xf32>,
      tpu.vector_store_idx %arg7[%broadcast_in_dim3A_116, %get3A_154], %get3A_157 {add = true} : memref<16x2048xf32, #tpu.memory_space<vmem>>[vector<16xi32>, vector<16xi32>], vector<16xf32>,
      %get3A_158 = arith.index_cast %add3A_115 : i32 to index
      %get3A_159 = arith.constant 112 : index
      %get3A_160 = tpu.vector_load %arg5[%get3A_158, %get3A_159] {strides = array<i32>} : memref<64x256xi32, #tpu.memory_space<vmem>>, vector<16xi32>,
      %get3A_161 = arith.index_cast %add3A_115 : i32 to index
      %get3A_162 = arith.constant 112 : index
      %get3A_163 = tpu.vector_load %arg6[%get3A_161, %get3A_162] {strides = array<i32>} : memref<64x256xf32, #tpu.memory_space<vmem>>, vector<16xf32>,
      tpu.vector_store_idx %arg7[%broadcast_in_dim3A_116, %get3A_160], %get3A_163 {add = true} : memref<16x2048xf32, #tpu.memory_space<vmem>>[vector<16xi32>, vector<16xi32>], vector<16xf32>,
      %get3A_164 = arith.index_cast %add3A_115 : i32 to index
      %get3A_165 = arith.constant 128 : index
      %get3A_166 = tpu.vector_load %arg5[%get3A_164, %get3A_165] {strides = array<i32>} : memref<64x256xi32, #tpu.memory_space<vmem>>, vector<16xi32>,
      %get3A_167 = arith.index_cast %add3A_115 : i32 to index
      %get3A_168 = arith.constant 128 : index
      %get3A_169 = tpu.vector_load %arg6[%get3A_167, %get3A_168] {strides = array<i32>} : memref<64x256xf32, #tpu.memory_space<vmem>>, vector<16xf32>,
      tpu.vector_store_idx %arg7[%broadcast_in_dim3A_116, %get3A_166], %get3A_169 {add = true} : memref<16x2048xf32, #tpu.memory_space<vmem>>[vector<16xi32>, vector<16xi32>], vector<16xf32>,
      %get3A_170 = arith.index_cast %add3A_115 : i32 to index
      %get3A_171 = arith.constant 144 : index
      %get3A_172 = tpu.vector_load %arg5[%get3A_170, %get3A_171] {strides = array<i32>} : memref<64x256xi32, #tpu.memory_space<vmem>>, vector<16xi32>,
      %get3A_173 = arith.index_cast %add3A_115 : i32 to index
      %get3A_174 = arith.constant 144 : index
      %get3A_175 = tpu.vector_load %arg6[%get3A_173, %get3A_174] {strides = array<i32>} : memref<64x256xf32, #tpu.memory_space<vmem>>, vector<16xf32>,
      tpu.vector_store_idx %arg7[%broadcast_in_dim3A_116, %get3A_172], %get3A_175 {add = true} : memref<16x2048xf32, #tpu.memory_space<vmem>>[vector<16xi32>, vector<16xi32>], vector<16xf32>,
      %get3A_176 = arith.index_cast %add3A_115 : i32 to index
      %get3A_177 = arith.constant 160 : index
      %get3A_178 = tpu.vector_load %arg5[%get3A_176, %get3A_177] {strides = array<i32>} : memref<64x256xi32, #tpu.memory_space<vmem>>, vector<16xi32>,
      %get3A_179 = arith.index_cast %add3A_115 : i32 to index
      %get3A_180 = arith.constant 160 : index
      %get3A_181 = tpu.vector_load %arg6[%get3A_179, %get3A_180] {strides = array<i32>} : memref<64x256xf32, #tpu.memory_space<vmem>>, vector<16xf32>,
      tpu.vector_store_idx %arg7[%broadcast_in_dim3A_116, %get3A_178], %get3A_181 {add = true} : memref<16x2048xf32, #tpu.memory_space<vmem>>[vector<16xi32>, vector<16xi32>], vector<16xf32>,
      %get3A_182 = arith.index_cast %add3A_115 : i32 to index
      %get3A_183 = arith.constant 176 : index
      %get3A_184 = tpu.vector_load %arg5[%get3A_182, %get3A_183] {strides = array<i32>} : memref<64x256xi32, #tpu.memory_space<vmem>>, vector<16xi32>,
      %get3A_185 = arith.index_cast %add3A_115 : i32 to index
      %get3A_186 = arith.constant 176 : index
      %get3A_187 = tpu.vector_load %arg6[%get3A_185, %get3A_186] {strides = array<i32>} : memref<64x256xf32, #tpu.memory_space<vmem>>, vector<16xf32>,
      tpu.vector_store_idx %arg7[%broadcast_in_dim3A_116, %get3A_184], %get3A_187 {add = true} : memref<16x2048xf32, #tpu.memory_space<vmem>>[vector<16xi32>, vector<16xi32>], vector<16xf32>,
      %get3A_188 = arith.index_cast %add3A_115 : i32 to index
      %get3A_189 = arith.constant 192 : index
      %get3A_190 = tpu.vector_load %arg5[%get3A_188, %get3A_189] {strides = array<i32>} : memref<64x256xi32, #tpu.memory_space<vmem>>, vector<16xi32>,
      %get3A_191 = arith.index_cast %add3A_115 : i32 to index
      %get3A_192 = arith.constant 192 : index
      %get3A_193 = tpu.vector_load %arg6[%get3A_191, %get3A_192] {strides = array<i32>} : memref<64x256xf32, #tpu.memory_space<vmem>>, vector<16xf32>,
      tpu.vector_store_idx %arg7[%broadcast_in_dim3A_116, %get3A_190], %get3A_193 {add = true} : memref<16x2048xf32, #tpu.memory_space<vmem>>[vector<16xi32>, vector<16xi32>], vector<16xf32>,
      %get3A_194 = arith.index_cast %add3A_115 : i32 to index
      %get3A_195 = arith.constant 208 : index
      %get3A_196 = tpu.vector_load %arg5[%get3A_194, %get3A_195] {strides = array<i32>} : memref<64x256xi32, #tpu.memory_space<vmem>>, vector<16xi32>,
      %get3A_197 = arith.index_cast %add3A_115 : i32 to index
      %get3A_198 = arith.constant 208 : index
      %get3A_199 = tpu.vector_load %arg6[%get3A_197, %get3A_198] {strides = array<i32>} : memref<64x256xf32, #tpu.memory_space<vmem>>, vector<16xf32>,
      tpu.vector_store_idx %arg7[%broadcast_in_dim3A_116, %get3A_196], %get3A_199 {add = true} : memref<16x2048xf32, #tpu.memory_space<vmem>>[vector<16xi32>, vector<16xi32>], vector<16xf32>,
      %get3A_200 = arith.index_cast %add3A_115 : i32 to index
      %get3A_201 = arith.constant 224 : index
      %get3A_202 = tpu.vector_load %arg5[%get3A_200, %get3A_201] {strides = array<i32>} : memref<64x256xi32, #tpu.memory_space<vmem>>, vector<16xi32>,
      %get3A_203 = arith.index_cast %add3A_115 : i32 to index
      %get3A_204 = arith.constant 224 : index
      %get3A_205 = tpu.vector_load %arg6[%get3A_203, %get3A_204] {strides = array<i32>} : memref<64x256xf32, #tpu.memory_space<vmem>>, vector<16xf32>,
      tpu.vector_store_idx %arg7[%broadcast_in_dim3A_116, %get3A_202], %get3A_205 {add = true} : memref<16x2048xf32, #tpu.memory_space<vmem>>[vector<16xi32>, vector<16xi32>], vector<16xf32>,
      %get3A_206 = arith.index_cast %add3A_115 : i32 to index
      %get3A_207 = arith.constant 240 : index
      %get3A_208 = tpu.vector_load %arg5[%get3A_206, %get3A_207] {strides = array<i32>} : memref<64x256xi32, #tpu.memory_space<vmem>>, vector<16xi32>,
      %get3A_209 = arith.index_cast %add3A_115 : i32 to index
      %get3A_210 = arith.constant 240 : index
      %get3A_211 = tpu.vector_load %arg6[%get3A_209, %get3A_210] {strides = array<i32>} : memref<64x256xf32, #tpu.memory_space<vmem>>, vector<16xf32>,
      tpu.vector_store_idx %arg7[%broadcast_in_dim3A_116, %get3A_208], %get3A_211 {add = true} : memref<16x2048xf32, #tpu.memory_space<vmem>>[vector<16xi32>, vector<16xi32>], vector<16xf32>,
    }
    %scan3A_34 = arith.constant 16 : i32
    %add3A_35 = arith.constant 0 : i32
    %add3A_36 = arith.addi %mul3A_2, %add3A_35 : i32
    %dma_start3A_37 = arith.constant 0 : i32
    %dma_start3A_38 = tpu.memref_slice %arg4[%add3A_36, %dma_start3A_37] : memref<2048x2048xf32, #tpu.memory_space<hbm>> -> memref<16x2048xf32, #tpu.memory_space<hbm>>
    %dma_start3A_39 = arith.constant 0 : i32
    %dma_start3A_40 = tpu.memref_slice %arg4[%add3A_36, %dma_start3A_39] : memref<2048x2048xf32, #tpu.memory_space<hbm>> -> memref<16x2048xf32, #tpu.memory_space<hbm>>
    tpu.enqueue_dma source(%arg7 : memref<16x2048xf32, #tpu.memory_space<vmem>>) target(%dma_start3A_40 : memref<16x2048xf32, #tpu.memory_space<hbm>>) target_semaphore(%arg10 : memref<!tpu.dma_semaphore, #tpu.memory_space<semaphore_mem>>)
    %scan3A_41 = arith.constant 0 : i32
    %scan3A_42 = arith.constant 0 : i32
    %scan3A_43 = arith.constant 16 : i32
    %scan3A_44 = arith.addi %scan3A_42, %scan3A_43 : i32
    %scan3A_45 = arith.constant 1 : i32
    scf.for %scan3A_113 = %scan3A_42 to %scan3A_44 step %scan3A_45  : i32 {
      %add3A_114 = arith.constant 16 : i32
      %add3A_115 = arith.addi %add3A_114, %scan3A_113 : i32
      %broadcast_in_dim3A_116 = vector.broadcast %scan3A_113 : i32 to vector<16xi32>
      %get3A = arith.index_cast %add3A_115 : i32 to index
      %get3A_117 = arith.constant 0 : index
      %get3A_118 = tpu.vector_load %arg5[%get3A, %get3A_117] {strides = array<i32>} : memref<64x256xi32, #tpu.memory_space<vmem>>, vector<16xi32>,
      %get3A_119 = arith.index_cast %add3A_115 : i32 to index
      %get3A_120 = arith.constant 0 : index
      %get3A_121 = tpu.vector_load %arg6[%get3A_119, %get3A_120] {strides = array<i32>} : memref<64x256xf32, #tpu.memory_space<vmem>>, vector<16xf32>,
      tpu.vector_store_idx %arg8[%broadcast_in_dim3A_116, %get3A_118], %get3A_121 {add = true} : memref<16x2048xf32, #tpu.memory_space<vmem>>[vector<16xi32>, vector<16xi32>], vector<16xf32>,
      %get3A_122 = arith.index_cast %add3A_115 : i32 to index
      %get3A_123 = arith.constant 16 : index
      %get3A_124 = tpu.vector_load %arg5[%get3A_122, %get3A_123] {strides = array<i32>} : memref<64x256xi32, #tpu.memory_space<vmem>>, vector<16xi32>,
      %get3A_125 = arith.index_cast %add3A_115 : i32 to index
      %get3A_126 = arith.constant 16 : index
      %get3A_127 = tpu.vector_load %arg6[%get3A_125, %get3A_126] {strides = array<i32>} : memref<64x256xf32, #tpu.memory_space<vmem>>, vector<16xf32>,
      tpu.vector_store_idx %arg8[%broadcast_in_dim3A_116, %get3A_124], %get3A_127 {add = true} : memref<16x2048xf32, #tpu.memory_space<vmem>>[vector<16xi32>, vector<16xi32>], vector<16xf32>,
      %get3A_128 = arith.index_cast %add3A_115 : i32 to index
      %get3A_129 = arith.constant 32 : index
      %get3A_130 = tpu.vector_load %arg5[%get3A_128, %get3A_129] {strides = array<i32>} : memref<64x256xi32, #tpu.memory_space<vmem>>, vector<16xi32>,
      %get3A_131 = arith.index_cast %add3A_115 : i32 to index
      %get3A_132 = arith.constant 32 : index
      %get3A_133 = tpu.vector_load %arg6[%get3A_131, %get3A_132] {strides = array<i32>} : memref<64x256xf32, #tpu.memory_space<vmem>>, vector<16xf32>,
      tpu.vector_store_idx %arg8[%broadcast_in_dim3A_116, %get3A_130], %get3A_133 {add = true} : memref<16x2048xf32, #tpu.memory_space<vmem>>[vector<16xi32>, vector<16xi32>], vector<16xf32>,
      %get3A_134 = arith.index_cast %add3A_115 : i32 to index
      %get3A_135 = arith.constant 48 : index
      %get3A_136 = tpu.vector_load %arg5[%get3A_134, %get3A_135] {strides = array<i32>} : memref<64x256xi32, #tpu.memory_space<vmem>>, vector<16xi32>,
      %get3A_137 = arith.index_cast %add3A_115 : i32 to index
      %get3A_138 = arith.constant 48 : index
      %get3A_139 = tpu.vector_load %arg6[%get3A_137, %get3A_138] {strides = array<i32>} : memref<64x256xf32, #tpu.memory_space<vmem>>, vector<16xf32>,
      tpu.vector_store_idx %arg8[%broadcast_in_dim3A_116, %get3A_136], %get3A_139 {add = true} : memref<16x2048xf32, #tpu.memory_space<vmem>>[vector<16xi32>, vector<16xi32>], vector<16xf32>,
      %get3A_140 = arith.index_cast %add3A_115 : i32 to index
      %get3A_141 = arith.constant 64 : index
      %get3A_142 = tpu.vector_load %arg5[%get3A_140, %get3A_141] {strides = array<i32>} : memref<64x256xi32, #tpu.memory_space<vmem>>, vector<16xi32>,
      %get3A_143 = arith.index_cast %add3A_115 : i32 to index
      %get3A_144 = arith.constant 64 : index
      %get3A_145 = tpu.vector_load %arg6[%get3A_143, %get3A_144] {strides = array<i32>} : memref<64x256xf32, #tpu.memory_space<vmem>>, vector<16xf32>,
      tpu.vector_store_idx %arg8[%broadcast_in_dim3A_116, %get3A_142], %get3A_145 {add = true} : memref<16x2048xf32, #tpu.memory_space<vmem>>[vector<16xi32>, vector<16xi32>], vector<16xf32>,
      %get3A_146 = arith.index_cast %add3A_115 : i32 to index
      %get3A_147 = arith.constant 80 : index
      %get3A_148 = tpu.vector_load %arg5[%get3A_146, %get3A_147] {strides = array<i32>} : memref<64x256xi32, #tpu.memory_space<vmem>>, vector<16xi32>,
      %get3A_149 = arith.index_cast %add3A_115 : i32 to index
      %get3A_150 = arith.constant 80 : index
      %get3A_151 = tpu.vector_load %arg6[%get3A_149, %get3A_150] {strides = array<i32>} : memref<64x256xf32, #tpu.memory_space<vmem>>, vector<16xf32>,
      tpu.vector_store_idx %arg8[%broadcast_in_dim3A_116, %get3A_148], %get3A_151 {add = true} : memref<16x2048xf32, #tpu.memory_space<vmem>>[vector<16xi32>, vector<16xi32>], vector<16xf32>,
      %get3A_152 = arith.index_cast %add3A_115 : i32 to index
      %get3A_153 = arith.constant 96 : index
      %get3A_154 = tpu.vector_load %arg5[%get3A_152, %get3A_153] {strides = array<i32>} : memref<64x256xi32, #tpu.memory_space<vmem>>, vector<16xi32>,
      %get3A_155 = arith.index_cast %add3A_115 : i32 to index
      %get3A_156 = arith.constant 96 : index
      %get3A_157 = tpu.vector_load %arg6[%get3A_155, %get3A_156] {strides = array<i32>} : memref<64x256xf32, #tpu.memory_space<vmem>>, vector<16xf32>,
      tpu.vector_store_idx %arg8[%broadcast_in_dim3A_116, %get3A_154], %get3A_157 {add = true} : memref<16x2048xf32, #tpu.memory_space<vmem>>[vector<16xi32>, vector<16xi32>], vector<16xf32>,
      %get3A_158 = arith.index_cast %add3A_115 : i32 to index
      %get3A_159 = arith.constant 112 : index
      %get3A_160 = tpu.vector_load %arg5[%get3A_158, %get3A_159] {strides = array<i32>} : memref<64x256xi32, #tpu.memory_space<vmem>>, vector<16xi32>,
      %get3A_161 = arith.index_cast %add3A_115 : i32 to index
      %get3A_162 = arith.constant 112 : index
      %get3A_163 = tpu.vector_load %arg6[%get3A_161, %get3A_162] {strides = array<i32>} : memref<64x256xf32, #tpu.memory_space<vmem>>, vector<16xf32>,
      tpu.vector_store_idx %arg8[%broadcast_in_dim3A_116, %get3A_160], %get3A_163 {add = true} : memref<16x2048xf32, #tpu.memory_space<vmem>>[vector<16xi32>, vector<16xi32>], vector<16xf32>,
      %get3A_164 = arith.index_cast %add3A_115 : i32 to index
      %get3A_165 = arith.constant 128 : index
      %get3A_166 = tpu.vector_load %arg5[%get3A_164, %get3A_165] {strides = array<i32>} : memref<64x256xi32, #tpu.memory_space<vmem>>, vector<16xi32>,
      %get3A_167 = arith.index_cast %add3A_115 : i32 to index
      %get3A_168 = arith.constant 128 : index
      %get3A_169 = tpu.vector_load %arg6[%get3A_167, %get3A_168] {strides = array<i32>} : memref<64x256xf32, #tpu.memory_space<vmem>>, vector<16xf32>,
      tpu.vector_store_idx %arg8[%broadcast_in_dim3A_116, %get3A_166], %get3A_169 {add = true} : memref<16x2048xf32, #tpu.memory_space<vmem>>[vector<16xi32>, vector<16xi32>], vector<16xf32>,
      %get3A_170 = arith.index_cast %add3A_115 : i32 to index
      %get3A_171 = arith.constant 144 : index
      %get3A_172 = tpu.vector_load %arg5[%get3A_170, %get3A_171] {strides = array<i32>} : memref<64x256xi32, #tpu.memory_space<vmem>>, vector<16xi32>,
      %get3A_173 = arith.index_cast %add3A_115 : i32 to index
      %get3A_174 = arith.constant 144 : index
      %get3A_175 = tpu.vector_load %arg6[%get3A_173, %get3A_174] {strides = array<i32>} : memref<64x256xf32, #tpu.memory_space<vmem>>, vector<16xf32>,
      tpu.vector_store_idx %arg8[%broadcast_in_dim3A_116, %get3A_172], %get3A_175 {add = true} : memref<16x2048xf32, #tpu.memory_space<vmem>>[vector<16xi32>, vector<16xi32>], vector<16xf32>,
      %get3A_176 = arith.index_cast %add3A_115 : i32 to index
      %get3A_177 = arith.constant 160 : index
      %get3A_178 = tpu.vector_load %arg5[%get3A_176, %get3A_177] {strides = array<i32>} : memref<64x256xi32, #tpu.memory_space<vmem>>, vector<16xi32>,
      %get3A_179 = arith.index_cast %add3A_115 : i32 to index
      %get3A_180 = arith.constant 160 : index
      %get3A_181 = tpu.vector_load %arg6[%get3A_179, %get3A_180] {strides = array<i32>} : memref<64x256xf32, #tpu.memory_space<vmem>>, vector<16xf32>,
      tpu.vector_store_idx %arg8[%broadcast_in_dim3A_116, %get3A_178], %get3A_181 {add = true} : memref<16x2048xf32, #tpu.memory_space<vmem>>[vector<16xi32>, vector<16xi32>], vector<16xf32>,
      %get3A_182 = arith.index_cast %add3A_115 : i32 to index
      %get3A_183 = arith.constant 176 : index
      %get3A_184 = tpu.vector_load %arg5[%get3A_182, %get3A_183] {strides = array<i32>} : memref<64x256xi32, #tpu.memory_space<vmem>>, vector<16xi32>,
      %get3A_185 = arith.index_cast %add3A_115 : i32 to index
      %get3A_186 = arith.constant 176 : index
      %get3A_187 = tpu.vector_load %arg6[%get3A_185, %get3A_186] {strides = array<i32>} : memref<64x256xf32, #tpu.memory_space<vmem>>, vector<16xf32>,
      tpu.vector_store_idx %arg8[%broadcast_in_dim3A_116, %get3A_184], %get3A_187 {add = true} : memref<16x2048xf32, #tpu.memory_space<vmem>>[vector<16xi32>, vector<16xi32>], vector<16xf32>,
      %get3A_188 = arith.index_cast %add3A_115 : i32 to index
      %get3A_189 = arith.constant 192 : index
      %get3A_190 = tpu.vector_load %arg5[%get3A_188, %get3A_189] {strides = array<i32>} : memref<64x256xi32, #tpu.memory_space<vmem>>, vector<16xi32>,
      %get3A_191 = arith.index_cast %add3A_115 : i32 to index
      %get3A_192 = arith.constant 192 : index
      %get3A_193 = tpu.vector_load %arg6[%get3A_191, %get3A_192] {strides = array<i32>} : memref<64x256xf32, #tpu.memory_space<vmem>>, vector<16xf32>,
      tpu.vector_store_idx %arg8[%broadcast_in_dim3A_116, %get3A_190], %get3A_193 {add = true} : memref<16x2048xf32, #tpu.memory_space<vmem>>[vector<16xi32>, vector<16xi32>], vector<16xf32>,
      %get3A_194 = arith.index_cast %add3A_115 : i32 to index
      %get3A_195 = arith.constant 208 : index
      %get3A_196 = tpu.vector_load %arg5[%get3A_194, %get3A_195] {strides = array<i32>} : memref<64x256xi32, #tpu.memory_space<vmem>>, vector<16xi32>,
      %get3A_197 = arith.index_cast %add3A_115 : i32 to index
      %get3A_198 = arith.constant 208 : index
      %get3A_199 = tpu.vector_load %arg6[%get3A_197, %get3A_198] {strides = array<i32>} : memref<64x256xf32, #tpu.memory_space<vmem>>, vector<16xf32>,
      tpu.vector_store_idx %arg8[%broadcast_in_dim3A_116, %get3A_196], %get3A_199 {add = true} : memref<16x2048xf32, #tpu.memory_space<vmem>>[vector<16xi32>, vector<16xi32>], vector<16xf32>,
      %get3A_200 = arith.index_cast %add3A_115 : i32 to index
      %get3A_201 = arith.constant 224 : index
      %get3A_202 = tpu.vector_load %arg5[%get3A_200, %get3A_201] {strides = array<i32>} : memref<64x256xi32, #tpu.memory_space<vmem>>, vector<16xi32>,
      %get3A_203 = arith.index_cast %add3A_115 : i32 to index
      %get3A_204 = arith.constant 224 : index
      %get3A_205 = tpu.vector_load %arg6[%get3A_203, %get3A_204] {strides = array<i32>} : memref<64x256xf32, #tpu.memory_space<vmem>>, vector<16xf32>,
      tpu.vector_store_idx %arg8[%broadcast_in_dim3A_116, %get3A_202], %get3A_205 {add = true} : memref<16x2048xf32, #tpu.memory_space<vmem>>[vector<16xi32>, vector<16xi32>], vector<16xf32>,
      %get3A_206 = arith.index_cast %add3A_115 : i32 to index
      %get3A_207 = arith.constant 240 : index
      %get3A_208 = tpu.vector_load %arg5[%get3A_206, %get3A_207] {strides = array<i32>} : memref<64x256xi32, #tpu.memory_space<vmem>>, vector<16xi32>,
      %get3A_209 = arith.index_cast %add3A_115 : i32 to index
      %get3A_210 = arith.constant 240 : index
      %get3A_211 = tpu.vector_load %arg6[%get3A_209, %get3A_210] {strides = array<i32>} : memref<64x256xf32, #tpu.memory_space<vmem>>, vector<16xf32>,
      tpu.vector_store_idx %arg8[%broadcast_in_dim3A_116, %get3A_208], %get3A_211 {add = true} : memref<16x2048xf32, #tpu.memory_space<vmem>>[vector<16xi32>, vector<16xi32>], vector<16xf32>,
    }
    %scan3A_46 = arith.constant 16 : i32
    %add3A_47 = arith.constant 16 : i32
    %add3A_48 = arith.addi %mul3A_2, %add3A_47 : i32
    %dma_start3A_49 = arith.constant 0 : i32
    %dma_start3A_50 = tpu.memref_slice %arg4[%add3A_48, %dma_start3A_49] : memref<2048x2048xf32, #tpu.memory_space<hbm>> -> memref<16x2048xf32, #tpu.memory_space<hbm>>
    %dma_start3A_51 = arith.constant 0 : i32
    %dma_start3A_52 = tpu.memref_slice %arg4[%add3A_48, %dma_start3A_51] : memref<2048x2048xf32, #tpu.memory_space<hbm>> -> memref<16x2048xf32, #tpu.memory_space<hbm>>
    tpu.enqueue_dma source(%arg8 : memref<16x2048xf32, #tpu.memory_space<vmem>>) target(%dma_start3A_52 : memref<16x2048xf32, #tpu.memory_space<hbm>>) target_semaphore(%arg11 : memref<!tpu.dma_semaphore, #tpu.memory_space<semaphore_mem>>)
    %add3A_53 = arith.constant 0 : i32
    %add3A_54 = arith.addi %mul3A_2, %add3A_53 : i32
    %dma_wait3A_55 = arith.constant 0 : i32
    %dma_wait3A_56 = tpu.memref_slice %arg4[%add3A_54, %dma_wait3A_55] : memref<2048x2048xf32, #tpu.memory_space<hbm>> -> memref<16x2048xf32, #tpu.memory_space<hbm>>
    %dma_wait3A_57 = arith.constant 0 : i32
    %dma_wait3A_58 = tpu.memref_slice %arg4[%add3A_54, %dma_wait3A_57] : memref<2048x2048xf32, #tpu.memory_space<hbm>> -> memref<16x2048xf32, #tpu.memory_space<hbm>>
    tpu.wait_dma2 semaphore(%arg10 : memref<!tpu.dma_semaphore, #tpu.memory_space<semaphore_mem>>) src(%arg7 : memref<16x2048xf32, #tpu.memory_space<vmem>>) dst(%dma_wait3A_58 : memref<16x2048xf32, #tpu.memory_space<hbm>>)
    %scan3A_59 = arith.constant 0 : i32
    %scan3A_60 = arith.constant 0 : i32
    %scan3A_61 = arith.constant 16 : i32
    %scan3A_62 = arith.addi %scan3A_60, %scan3A_61 : i32
    %scan3A_63 = arith.constant 1 : i32
    scf.for %scan3A_113 = %scan3A_60 to %scan3A_62 step %scan3A_63  : i32 {
      %add3A_114 = arith.constant 0 : i32
      %add3A_115 = arith.addi %add3A_114, %scan3A_113 : i32
      %broadcast_in_dim3A_116 = vector.broadcast %scan3A_113 : i32 to vector<16xi32>
      %get3A = arith.index_cast %add3A_115 : i32 to index
      %get3A_117 = arith.constant 0 : index
      %get3A_118 = tpu.vector_load %arg5[%get3A, %get3A_117] {strides = array<i32>} : memref<64x256xi32, #tpu.memory_space<vmem>>, vector<16xi32>,
      tpu.vector_store_idx %arg7[%broadcast_in_dim3A_116, %get3A_118], %broadcast_in_dim3A_10 : memref<16x2048xf32, #tpu.memory_space<vmem>>[vector<16xi32>, vector<16xi32>], vector<16xf32>,
      %get3A_119 = arith.index_cast %add3A_115 : i32 to index
      %get3A_120 = arith.constant 16 : index
      %get3A_121 = tpu.vector_load %arg5[%get3A_119, %get3A_120] {strides = array<i32>} : memref<64x256xi32, #tpu.memory_space<vmem>>, vector<16xi32>,
      tpu.vector_store_idx %arg7[%broadcast_in_dim3A_116, %get3A_121], %broadcast_in_dim3A_10 : memref<16x2048xf32, #tpu.memory_space<vmem>>[vector<16xi32>, vector<16xi32>], vector<16xf32>,
      %get3A_122 = arith.index_cast %add3A_115 : i32 to index
      %get3A_123 = arith.constant 32 : index
      %get3A_124 = tpu.vector_load %arg5[%get3A_122, %get3A_123] {strides = array<i32>} : memref<64x256xi32, #tpu.memory_space<vmem>>, vector<16xi32>,
      tpu.vector_store_idx %arg7[%broadcast_in_dim3A_116, %get3A_124], %broadcast_in_dim3A_10 : memref<16x2048xf32, #tpu.memory_space<vmem>>[vector<16xi32>, vector<16xi32>], vector<16xf32>,
      %get3A_125 = arith.index_cast %add3A_115 : i32 to index
      %get3A_126 = arith.constant 48 : index
      %get3A_127 = tpu.vector_load %arg5[%get3A_125, %get3A_126] {strides = array<i32>} : memref<64x256xi32, #tpu.memory_space<vmem>>, vector<16xi32>,
      tpu.vector_store_idx %arg7[%broadcast_in_dim3A_116, %get3A_127], %broadcast_in_dim3A_10 : memref<16x2048xf32, #tpu.memory_space<vmem>>[vector<16xi32>, vector<16xi32>], vector<16xf32>,
      %get3A_128 = arith.index_cast %add3A_115 : i32 to index
      %get3A_129 = arith.constant 64 : index
      %get3A_130 = tpu.vector_load %arg5[%get3A_128, %get3A_129] {strides = array<i32>} : memref<64x256xi32, #tpu.memory_space<vmem>>, vector<16xi32>,
      tpu.vector_store_idx %arg7[%broadcast_in_dim3A_116, %get3A_130], %broadcast_in_dim3A_10 : memref<16x2048xf32, #tpu.memory_space<vmem>>[vector<16xi32>, vector<16xi32>], vector<16xf32>,
      %get3A_131 = arith.index_cast %add3A_115 : i32 to index
      %get3A_132 = arith.constant 80 : index
      %get3A_133 = tpu.vector_load %arg5[%get3A_131, %get3A_132] {strides = array<i32>} : memref<64x256xi32, #tpu.memory_space<vmem>>, vector<16xi32>,
      tpu.vector_store_idx %arg7[%broadcast_in_dim3A_116, %get3A_133], %broadcast_in_dim3A_10 : memref<16x2048xf32, #tpu.memory_space<vmem>>[vector<16xi32>, vector<16xi32>], vector<16xf32>,
      %get3A_134 = arith.index_cast %add3A_115 : i32 to index
      %get3A_135 = arith.constant 96 : index
      %get3A_136 = tpu.vector_load %arg5[%get3A_134, %get3A_135] {strides = array<i32>} : memref<64x256xi32, #tpu.memory_space<vmem>>, vector<16xi32>,
      tpu.vector_store_idx %arg7[%broadcast_in_dim3A_116, %get3A_136], %broadcast_in_dim3A_10 : memref<16x2048xf32, #tpu.memory_space<vmem>>[vector<16xi32>, vector<16xi32>], vector<16xf32>,
      %get3A_137 = arith.index_cast %add3A_115 : i32 to index
      %get3A_138 = arith.constant 112 : index
      %get3A_139 = tpu.vector_load %arg5[%get3A_137, %get3A_138] {strides = array<i32>} : memref<64x256xi32, #tpu.memory_space<vmem>>, vector<16xi32>,
      tpu.vector_store_idx %arg7[%broadcast_in_dim3A_116, %get3A_139], %broadcast_in_dim3A_10 : memref<16x2048xf32, #tpu.memory_space<vmem>>[vector<16xi32>, vector<16xi32>], vector<16xf32>,
      %get3A_140 = arith.index_cast %add3A_115 : i32 to index
      %get3A_141 = arith.constant 128 : index
      %get3A_142 = tpu.vector_load %arg5[%get3A_140, %get3A_141] {strides = array<i32>} : memref<64x256xi32, #tpu.memory_space<vmem>>, vector<16xi32>,
      tpu.vector_store_idx %arg7[%broadcast_in_dim3A_116, %get3A_142], %broadcast_in_dim3A_10 : memref<16x2048xf32, #tpu.memory_space<vmem>>[vector<16xi32>, vector<16xi32>], vector<16xf32>,
      %get3A_143 = arith.index_cast %add3A_115 : i32 to index
      %get3A_144 = arith.constant 144 : index
      %get3A_145 = tpu.vector_load %arg5[%get3A_143, %get3A_144] {strides = array<i32>} : memref<64x256xi32, #tpu.memory_space<vmem>>, vector<16xi32>,
      tpu.vector_store_idx %arg7[%broadcast_in_dim3A_116, %get3A_145], %broadcast_in_dim3A_10 : memref<16x2048xf32, #tpu.memory_space<vmem>>[vector<16xi32>, vector<16xi32>], vector<16xf32>,
      %get3A_146 = arith.index_cast %add3A_115 : i32 to index
      %get3A_147 = arith.constant 160 : index
      %get3A_148 = tpu.vector_load %arg5[%get3A_146, %get3A_147] {strides = array<i32>} : memref<64x256xi32, #tpu.memory_space<vmem>>, vector<16xi32>,
      tpu.vector_store_idx %arg7[%broadcast_in_dim3A_116, %get3A_148], %broadcast_in_dim3A_10 : memref<16x2048xf32, #tpu.memory_space<vmem>>[vector<16xi32>, vector<16xi32>], vector<16xf32>,
      %get3A_149 = arith.index_cast %add3A_115 : i32 to index
      %get3A_150 = arith.constant 176 : index
      %get3A_151 = tpu.vector_load %arg5[%get3A_149, %get3A_150] {strides = array<i32>} : memref<64x256xi32, #tpu.memory_space<vmem>>, vector<16xi32>,
      tpu.vector_store_idx %arg7[%broadcast_in_dim3A_116, %get3A_151], %broadcast_in_dim3A_10 : memref<16x2048xf32, #tpu.memory_space<vmem>>[vector<16xi32>, vector<16xi32>], vector<16xf32>,
      %get3A_152 = arith.index_cast %add3A_115 : i32 to index
      %get3A_153 = arith.constant 192 : index
      %get3A_154 = tpu.vector_load %arg5[%get3A_152, %get3A_153] {strides = array<i32>} : memref<64x256xi32, #tpu.memory_space<vmem>>, vector<16xi32>,
      tpu.vector_store_idx %arg7[%broadcast_in_dim3A_116, %get3A_154], %broadcast_in_dim3A_10 : memref<16x2048xf32, #tpu.memory_space<vmem>>[vector<16xi32>, vector<16xi32>], vector<16xf32>,
      %get3A_155 = arith.index_cast %add3A_115 : i32 to index
      %get3A_156 = arith.constant 208 : index
      %get3A_157 = tpu.vector_load %arg5[%get3A_155, %get3A_156] {strides = array<i32>} : memref<64x256xi32, #tpu.memory_space<vmem>>, vector<16xi32>,
      tpu.vector_store_idx %arg7[%broadcast_in_dim3A_116, %get3A_157], %broadcast_in_dim3A_10 : memref<16x2048xf32, #tpu.memory_space<vmem>>[vector<16xi32>, vector<16xi32>], vector<16xf32>,
      %get3A_158 = arith.index_cast %add3A_115 : i32 to index
      %get3A_159 = arith.constant 224 : index
      %get3A_160 = tpu.vector_load %arg5[%get3A_158, %get3A_159] {strides = array<i32>} : memref<64x256xi32, #tpu.memory_space<vmem>>, vector<16xi32>,
      tpu.vector_store_idx %arg7[%broadcast_in_dim3A_116, %get3A_160], %broadcast_in_dim3A_10 : memref<16x2048xf32, #tpu.memory_space<vmem>>[vector<16xi32>, vector<16xi32>], vector<16xf32>,
      %get3A_161 = arith.index_cast %add3A_115 : i32 to index
      %get3A_162 = arith.constant 240 : index
      %get3A_163 = tpu.vector_load %arg5[%get3A_161, %get3A_162] {strides = array<i32>} : memref<64x256xi32, #tpu.memory_space<vmem>>, vector<16xi32>,
      tpu.vector_store_idx %arg7[%broadcast_in_dim3A_116, %get3A_163], %broadcast_in_dim3A_10 : memref<16x2048xf32, #tpu.memory_space<vmem>>[vector<16xi32>, vector<16xi32>], vector<16xf32>,
    }
    %scan3A_64 = arith.constant 16 : i32
    %scan3A_65 = arith.constant 0 : i32
    %scan3A_66 = arith.constant 0 : i32
    %scan3A_67 = arith.constant 16 : i32
    %scan3A_68 = arith.addi %scan3A_66, %scan3A_67 : i32
    %scan3A_69 = arith.constant 1 : i32
    scf.for %scan3A_113 = %scan3A_66 to %scan3A_68 step %scan3A_69  : i32 {
      %add3A_114 = arith.constant 32 : i32
      %add3A_115 = arith.addi %add3A_114, %scan3A_113 : i32
      %broadcast_in_dim3A_116 = vector.broadcast %scan3A_113 : i32 to vector<16xi32>
      %get3A = arith.index_cast %add3A_115 : i32 to index
      %get3A_117 = arith.constant 0 : index
      %get3A_118 = tpu.vector_load %arg5[%get3A, %get3A_117] {strides = array<i32>} : memref<64x256xi32, #tpu.memory_space<vmem>>, vector<16xi32>,
      %get3A_119 = arith.index_cast %add3A_115 : i32 to index
      %get3A_120 = arith.constant 0 : index
      %get3A_121 = tpu.vector_load %arg6[%get3A_119, %get3A_120] {strides = array<i32>} : memref<64x256xf32, #tpu.memory_space<vmem>>, vector<16xf32>,
      tpu.vector_store_idx %arg7[%broadcast_in_dim3A_116, %get3A_118], %get3A_121 {add = true} : memref<16x2048xf32, #tpu.memory_space<vmem>>[vector<16xi32>, vector<16xi32>], vector<16xf32>,
      %get3A_122 = arith.index_cast %add3A_115 : i32 to index
      %get3A_123 = arith.constant 16 : index
      %get3A_124 = tpu.vector_load %arg5[%get3A_122, %get3A_123] {strides = array<i32>} : memref<64x256xi32, #tpu.memory_space<vmem>>, vector<16xi32>,
      %get3A_125 = arith.index_cast %add3A_115 : i32 to index
      %get3A_126 = arith.constant 16 : index
      %get3A_127 = tpu.vector_load %arg6[%get3A_125, %get3A_126] {strides = array<i32>} : memref<64x256xf32, #tpu.memory_space<vmem>>, vector<16xf32>,
      tpu.vector_store_idx %arg7[%broadcast_in_dim3A_116, %get3A_124], %get3A_127 {add = true} : memref<16x2048xf32, #tpu.memory_space<vmem>>[vector<16xi32>, vector<16xi32>], vector<16xf32>,
      %get3A_128 = arith.index_cast %add3A_115 : i32 to index
      %get3A_129 = arith.constant 32 : index
      %get3A_130 = tpu.vector_load %arg5[%get3A_128, %get3A_129] {strides = array<i32>} : memref<64x256xi32, #tpu.memory_space<vmem>>, vector<16xi32>,
      %get3A_131 = arith.index_cast %add3A_115 : i32 to index
      %get3A_132 = arith.constant 32 : index
      %get3A_133 = tpu.vector_load %arg6[%get3A_131, %get3A_132] {strides = array<i32>} : memref<64x256xf32, #tpu.memory_space<vmem>>, vector<16xf32>,
      tpu.vector_store_idx %arg7[%broadcast_in_dim3A_116, %get3A_130], %get3A_133 {add = true} : memref<16x2048xf32, #tpu.memory_space<vmem>>[vector<16xi32>, vector<16xi32>], vector<16xf32>,
      %get3A_134 = arith.index_cast %add3A_115 : i32 to index
      %get3A_135 = arith.constant 48 : index
      %get3A_136 = tpu.vector_load %arg5[%get3A_134, %get3A_135] {strides = array<i32>} : memref<64x256xi32, #tpu.memory_space<vmem>>, vector<16xi32>,
      %get3A_137 = arith.index_cast %add3A_115 : i32 to index
      %get3A_138 = arith.constant 48 : index
      %get3A_139 = tpu.vector_load %arg6[%get3A_137, %get3A_138] {strides = array<i32>} : memref<64x256xf32, #tpu.memory_space<vmem>>, vector<16xf32>,
      tpu.vector_store_idx %arg7[%broadcast_in_dim3A_116, %get3A_136], %get3A_139 {add = true} : memref<16x2048xf32, #tpu.memory_space<vmem>>[vector<16xi32>, vector<16xi32>], vector<16xf32>,
      %get3A_140 = arith.index_cast %add3A_115 : i32 to index
      %get3A_141 = arith.constant 64 : index
      %get3A_142 = tpu.vector_load %arg5[%get3A_140, %get3A_141] {strides = array<i32>} : memref<64x256xi32, #tpu.memory_space<vmem>>, vector<16xi32>,
      %get3A_143 = arith.index_cast %add3A_115 : i32 to index
      %get3A_144 = arith.constant 64 : index
      %get3A_145 = tpu.vector_load %arg6[%get3A_143, %get3A_144] {strides = array<i32>} : memref<64x256xf32, #tpu.memory_space<vmem>>, vector<16xf32>,
      tpu.vector_store_idx %arg7[%broadcast_in_dim3A_116, %get3A_142], %get3A_145 {add = true} : memref<16x2048xf32, #tpu.memory_space<vmem>>[vector<16xi32>, vector<16xi32>], vector<16xf32>,
      %get3A_146 = arith.index_cast %add3A_115 : i32 to index
      %get3A_147 = arith.constant 80 : index
      %get3A_148 = tpu.vector_load %arg5[%get3A_146, %get3A_147] {strides = array<i32>} : memref<64x256xi32, #tpu.memory_space<vmem>>, vector<16xi32>,
      %get3A_149 = arith.index_cast %add3A_115 : i32 to index
      %get3A_150 = arith.constant 80 : index
      %get3A_151 = tpu.vector_load %arg6[%get3A_149, %get3A_150] {strides = array<i32>} : memref<64x256xf32, #tpu.memory_space<vmem>>, vector<16xf32>,
      tpu.vector_store_idx %arg7[%broadcast_in_dim3A_116, %get3A_148], %get3A_151 {add = true} : memref<16x2048xf32, #tpu.memory_space<vmem>>[vector<16xi32>, vector<16xi32>], vector<16xf32>,
      %get3A_152 = arith.index_cast %add3A_115 : i32 to index
      %get3A_153 = arith.constant 96 : index
      %get3A_154 = tpu.vector_load %arg5[%get3A_152, %get3A_153] {strides = array<i32>} : memref<64x256xi32, #tpu.memory_space<vmem>>, vector<16xi32>,
      %get3A_155 = arith.index_cast %add3A_115 : i32 to index
      %get3A_156 = arith.constant 96 : index
      %get3A_157 = tpu.vector_load %arg6[%get3A_155, %get3A_156] {strides = array<i32>} : memref<64x256xf32, #tpu.memory_space<vmem>>, vector<16xf32>,
      tpu.vector_store_idx %arg7[%broadcast_in_dim3A_116, %get3A_154], %get3A_157 {add = true} : memref<16x2048xf32, #tpu.memory_space<vmem>>[vector<16xi32>, vector<16xi32>], vector<16xf32>,
      %get3A_158 = arith.index_cast %add3A_115 : i32 to index
      %get3A_159 = arith.constant 112 : index
      %get3A_160 = tpu.vector_load %arg5[%get3A_158, %get3A_159] {strides = array<i32>} : memref<64x256xi32, #tpu.memory_space<vmem>>, vector<16xi32>,
      %get3A_161 = arith.index_cast %add3A_115 : i32 to index
      %get3A_162 = arith.constant 112 : index
      %get3A_163 = tpu.vector_load %arg6[%get3A_161, %get3A_162] {strides = array<i32>} : memref<64x256xf32, #tpu.memory_space<vmem>>, vector<16xf32>,
      tpu.vector_store_idx %arg7[%broadcast_in_dim3A_116, %get3A_160], %get3A_163 {add = true} : memref<16x2048xf32, #tpu.memory_space<vmem>>[vector<16xi32>, vector<16xi32>], vector<16xf32>,
      %get3A_164 = arith.index_cast %add3A_115 : i32 to index
      %get3A_165 = arith.constant 128 : index
      %get3A_166 = tpu.vector_load %arg5[%get3A_164, %get3A_165] {strides = array<i32>} : memref<64x256xi32, #tpu.memory_space<vmem>>, vector<16xi32>,
      %get3A_167 = arith.index_cast %add3A_115 : i32 to index
      %get3A_168 = arith.constant 128 : index
      %get3A_169 = tpu.vector_load %arg6[%get3A_167, %get3A_168] {strides = array<i32>} : memref<64x256xf32, #tpu.memory_space<vmem>>, vector<16xf32>,
      tpu.vector_store_idx %arg7[%broadcast_in_dim3A_116, %get3A_166], %get3A_169 {add = true} : memref<16x2048xf32, #tpu.memory_space<vmem>>[vector<16xi32>, vector<16xi32>], vector<16xf32>,
      %get3A_170 = arith.index_cast %add3A_115 : i32 to index
      %get3A_171 = arith.constant 144 : index
      %get3A_172 = tpu.vector_load %arg5[%get3A_170, %get3A_171] {strides = array<i32>} : memref<64x256xi32, #tpu.memory_space<vmem>>, vector<16xi32>,
      %get3A_173 = arith.index_cast %add3A_115 : i32 to index
      %get3A_174 = arith.constant 144 : index
      %get3A_175 = tpu.vector_load %arg6[%get3A_173, %get3A_174] {strides = array<i32>} : memref<64x256xf32, #tpu.memory_space<vmem>>, vector<16xf32>,
      tpu.vector_store_idx %arg7[%broadcast_in_dim3A_116, %get3A_172], %get3A_175 {add = true} : memref<16x2048xf32, #tpu.memory_space<vmem>>[vector<16xi32>, vector<16xi32>], vector<16xf32>,
      %get3A_176 = arith.index_cast %add3A_115 : i32 to index
      %get3A_177 = arith.constant 160 : index
      %get3A_178 = tpu.vector_load %arg5[%get3A_176, %get3A_177] {strides = array<i32>} : memref<64x256xi32, #tpu.memory_space<vmem>>, vector<16xi32>,
      %get3A_179 = arith.index_cast %add3A_115 : i32 to index
      %get3A_180 = arith.constant 160 : index
      %get3A_181 = tpu.vector_load %arg6[%get3A_179, %get3A_180] {strides = array<i32>} : memref<64x256xf32, #tpu.memory_space<vmem>>, vector<16xf32>,
      tpu.vector_store_idx %arg7[%broadcast_in_dim3A_116, %get3A_178], %get3A_181 {add = true} : memref<16x2048xf32, #tpu.memory_space<vmem>>[vector<16xi32>, vector<16xi32>], vector<16xf32>,
      %get3A_182 = arith.index_cast %add3A_115 : i32 to index
      %get3A_183 = arith.constant 176 : index
      %get3A_184 = tpu.vector_load %arg5[%get3A_182, %get3A_183] {strides = array<i32>} : memref<64x256xi32, #tpu.memory_space<vmem>>, vector<16xi32>,
      %get3A_185 = arith.index_cast %add3A_115 : i32 to index
      %get3A_186 = arith.constant 176 : index
      %get3A_187 = tpu.vector_load %arg6[%get3A_185, %get3A_186] {strides = array<i32>} : memref<64x256xf32, #tpu.memory_space<vmem>>, vector<16xf32>,
      tpu.vector_store_idx %arg7[%broadcast_in_dim3A_116, %get3A_184], %get3A_187 {add = true} : memref<16x2048xf32, #tpu.memory_space<vmem>>[vector<16xi32>, vector<16xi32>], vector<16xf32>,
      %get3A_188 = arith.index_cast %add3A_115 : i32 to index
      %get3A_189 = arith.constant 192 : index
      %get3A_190 = tpu.vector_load %arg5[%get3A_188, %get3A_189] {strides = array<i32>} : memref<64x256xi32, #tpu.memory_space<vmem>>, vector<16xi32>,
      %get3A_191 = arith.index_cast %add3A_115 : i32 to index
      %get3A_192 = arith.constant 192 : index
      %get3A_193 = tpu.vector_load %arg6[%get3A_191, %get3A_192] {strides = array<i32>} : memref<64x256xf32, #tpu.memory_space<vmem>>, vector<16xf32>,
      tpu.vector_store_idx %arg7[%broadcast_in_dim3A_116, %get3A_190], %get3A_193 {add = true} : memref<16x2048xf32, #tpu.memory_space<vmem>>[vector<16xi32>, vector<16xi32>], vector<16xf32>,
      %get3A_194 = arith.index_cast %add3A_115 : i32 to index
      %get3A_195 = arith.constant 208 : index
      %get3A_196 = tpu.vector_load %arg5[%get3A_194, %get3A_195] {strides = array<i32>} : memref<64x256xi32, #tpu.memory_space<vmem>>, vector<16xi32>,
      %get3A_197 = arith.index_cast %add3A_115 : i32 to index
      %get3A_198 = arith.constant 208 : index
      %get3A_199 = tpu.vector_load %arg6[%get3A_197, %get3A_198] {strides = array<i32>} : memref<64x256xf32, #tpu.memory_space<vmem>>, vector<16xf32>,
      tpu.vector_store_idx %arg7[%broadcast_in_dim3A_116, %get3A_196], %get3A_199 {add = true} : memref<16x2048xf32, #tpu.memory_space<vmem>>[vector<16xi32>, vector<16xi32>], vector<16xf32>,
      %get3A_200 = arith.index_cast %add3A_115 : i32 to index
      %get3A_201 = arith.constant 224 : index
      %get3A_202 = tpu.vector_load %arg5[%get3A_200, %get3A_201] {strides = array<i32>} : memref<64x256xi32, #tpu.memory_space<vmem>>, vector<16xi32>,
      %get3A_203 = arith.index_cast %add3A_115 : i32 to index
      %get3A_204 = arith.constant 224 : index
      %get3A_205 = tpu.vector_load %arg6[%get3A_203, %get3A_204] {strides = array<i32>} : memref<64x256xf32, #tpu.memory_space<vmem>>, vector<16xf32>,
      tpu.vector_store_idx %arg7[%broadcast_in_dim3A_116, %get3A_202], %get3A_205 {add = true} : memref<16x2048xf32, #tpu.memory_space<vmem>>[vector<16xi32>, vector<16xi32>], vector<16xf32>,
      %get3A_206 = arith.index_cast %add3A_115 : i32 to index
      %get3A_207 = arith.constant 240 : index
      %get3A_208 = tpu.vector_load %arg5[%get3A_206, %get3A_207] {strides = array<i32>} : memref<64x256xi32, #tpu.memory_space<vmem>>, vector<16xi32>,
      %get3A_209 = arith.index_cast %add3A_115 : i32 to index
      %get3A_210 = arith.constant 240 : index
      %get3A_211 = tpu.vector_load %arg6[%get3A_209, %get3A_210] {strides = array<i32>} : memref<64x256xf32, #tpu.memory_space<vmem>>, vector<16xf32>,
      tpu.vector_store_idx %arg7[%broadcast_in_dim3A_116, %get3A_208], %get3A_211 {add = true} : memref<16x2048xf32, #tpu.memory_space<vmem>>[vector<16xi32>, vector<16xi32>], vector<16xf32>,
    }
    %scan3A_70 = arith.constant 16 : i32
    %add3A_71 = arith.constant 32 : i32
    %add3A_72 = arith.addi %mul3A_2, %add3A_71 : i32
    %dma_start3A_73 = arith.constant 0 : i32
    %dma_start3A_74 = tpu.memref_slice %arg4[%add3A_72, %dma_start3A_73] : memref<2048x2048xf32, #tpu.memory_space<hbm>> -> memref<16x2048xf32, #tpu.memory_space<hbm>>
    %dma_start3A_75 = arith.constant 0 : i32
    %dma_start3A_76 = tpu.memref_slice %arg4[%add3A_72, %dma_start3A_75] : memref<2048x2048xf32, #tpu.memory_space<hbm>> -> memref<16x2048xf32, #tpu.memory_space<hbm>>
    tpu.enqueue_dma source(%arg7 : memref<16x2048xf32, #tpu.memory_space<vmem>>) target(%dma_start3A_76 : memref<16x2048xf32, #tpu.memory_space<hbm>>) target_semaphore(%arg10 : memref<!tpu.dma_semaphore, #tpu.memory_space<semaphore_mem>>)
    %add3A_77 = arith.constant 16 : i32
    %add3A_78 = arith.addi %mul3A_2, %add3A_77 : i32
    %dma_wait3A_79 = arith.constant 0 : i32
    %dma_wait3A_80 = tpu.memref_slice %arg4[%add3A_78, %dma_wait3A_79] : memref<2048x2048xf32, #tpu.memory_space<hbm>> -> memref<16x2048xf32, #tpu.memory_space<hbm>>
    %dma_wait3A_81 = arith.constant 0 : i32
    %dma_wait3A_82 = tpu.memref_slice %arg4[%add3A_78, %dma_wait3A_81] : memref<2048x2048xf32, #tpu.memory_space<hbm>> -> memref<16x2048xf32, #tpu.memory_space<hbm>>
    tpu.wait_dma2 semaphore(%arg11 : memref<!tpu.dma_semaphore, #tpu.memory_space<semaphore_mem>>) src(%arg8 : memref<16x2048xf32, #tpu.memory_space<vmem>>) dst(%dma_wait3A_82 : memref<16x2048xf32, #tpu.memory_space<hbm>>)
    %scan3A_83 = arith.constant 0 : i32
    %scan3A_84 = arith.constant 0 : i32
    %scan3A_85 = arith.constant 16 : i32
    %scan3A_86 = arith.addi %scan3A_84, %scan3A_85 : i32
    %scan3A_87 = arith.constant 1 : i32
    scf.for %scan3A_113 = %scan3A_84 to %scan3A_86 step %scan3A_87  : i32 {
      %add3A_114 = arith.constant 16 : i32
      %add3A_115 = arith.addi %add3A_114, %scan3A_113 : i32
      %broadcast_in_dim3A_116 = vector.broadcast %scan3A_113 : i32 to vector<16xi32>
      %get3A = arith.index_cast %add3A_115 : i32 to index
      %get3A_117 = arith.constant 0 : index
      %get3A_118 = tpu.vector_load %arg5[%get3A, %get3A_117] {strides = array<i32>} : memref<64x256xi32, #tpu.memory_space<vmem>>, vector<16xi32>,
      tpu.vector_store_idx %arg8[%broadcast_in_dim3A_116, %get3A_118], %broadcast_in_dim3A_10 : memref<16x2048xf32, #tpu.memory_space<vmem>>[vector<16xi32>, vector<16xi32>], vector<16xf32>,
      %get3A_119 = arith.index_cast %add3A_115 : i32 to index
      %get3A_120 = arith.constant 16 : index
      %get3A_121 = tpu.vector_load %arg5[%get3A_119, %get3A_120] {strides = array<i32>} : memref<64x256xi32, #tpu.memory_space<vmem>>, vector<16xi32>,
      tpu.vector_store_idx %arg8[%broadcast_in_dim3A_116, %get3A_121], %broadcast_in_dim3A_10 : memref<16x2048xf32, #tpu.memory_space<vmem>>[vector<16xi32>, vector<16xi32>], vector<16xf32>,
      %get3A_122 = arith.index_cast %add3A_115 : i32 to index
      %get3A_123 = arith.constant 32 : index
      %get3A_124 = tpu.vector_load %arg5[%get3A_122, %get3A_123] {strides = array<i32>} : memref<64x256xi32, #tpu.memory_space<vmem>>, vector<16xi32>,
      tpu.vector_store_idx %arg8[%broadcast_in_dim3A_116, %get3A_124], %broadcast_in_dim3A_10 : memref<16x2048xf32, #tpu.memory_space<vmem>>[vector<16xi32>, vector<16xi32>], vector<16xf32>,
      %get3A_125 = arith.index_cast %add3A_115 : i32 to index
      %get3A_126 = arith.constant 48 : index
      %get3A_127 = tpu.vector_load %arg5[%get3A_125, %get3A_126] {strides = array<i32>} : memref<64x256xi32, #tpu.memory_space<vmem>>, vector<16xi32>,
      tpu.vector_store_idx %arg8[%broadcast_in_dim3A_116, %get3A_127], %broadcast_in_dim3A_10 : memref<16x2048xf32, #tpu.memory_space<vmem>>[vector<16xi32>, vector<16xi32>], vector<16xf32>,
      %get3A_128 = arith.index_cast %add3A_115 : i32 to index
      %get3A_129 = arith.constant 64 : index
      %get3A_130 = tpu.vector_load %arg5[%get3A_128, %get3A_129] {strides = array<i32>} : memref<64x256xi32, #tpu.memory_space<vmem>>, vector<16xi32>,
      tpu.vector_store_idx %arg8[%broadcast_in_dim3A_116, %get3A_130], %broadcast_in_dim3A_10 : memref<16x2048xf32, #tpu.memory_space<vmem>>[vector<16xi32>, vector<16xi32>], vector<16xf32>,
      %get3A_131 = arith.index_cast %add3A_115 : i32 to index
      %get3A_132 = arith.constant 80 : index
      %get3A_133 = tpu.vector_load %arg5[%get3A_131, %get3A_132] {strides = array<i32>} : memref<64x256xi32, #tpu.memory_space<vmem>>, vector<16xi32>,
      tpu.vector_store_idx %arg8[%broadcast_in_dim3A_116, %get3A_133], %broadcast_in_dim3A_10 : memref<16x2048xf32, #tpu.memory_space<vmem>>[vector<16xi32>, vector<16xi32>], vector<16xf32>,
      %get3A_134 = arith.index_cast %add3A_115 : i32 to index
      %get3A_135 = arith.constant 96 : index
      %get3A_136 = tpu.vector_load %arg5[%get3A_134, %get3A_135] {strides = array<i32>} : memref<64x256xi32, #tpu.memory_space<vmem>>, vector<16xi32>,
      tpu.vector_store_idx %arg8[%broadcast_in_dim3A_116, %get3A_136], %broadcast_in_dim3A_10 : memref<16x2048xf32, #tpu.memory_space<vmem>>[vector<16xi32>, vector<16xi32>], vector<16xf32>,
      %get3A_137 = arith.index_cast %add3A_115 : i32 to index
      %get3A_138 = arith.constant 112 : index
      %get3A_139 = tpu.vector_load %arg5[%get3A_137, %get3A_138] {strides = array<i32>} : memref<64x256xi32, #tpu.memory_space<vmem>>, vector<16xi32>,
      tpu.vector_store_idx %arg8[%broadcast_in_dim3A_116, %get3A_139], %broadcast_in_dim3A_10 : memref<16x2048xf32, #tpu.memory_space<vmem>>[vector<16xi32>, vector<16xi32>], vector<16xf32>,
      %get3A_140 = arith.index_cast %add3A_115 : i32 to index
      %get3A_141 = arith.constant 128 : index
      %get3A_142 = tpu.vector_load %arg5[%get3A_140, %get3A_141] {strides = array<i32>} : memref<64x256xi32, #tpu.memory_space<vmem>>, vector<16xi32>,
      tpu.vector_store_idx %arg8[%broadcast_in_dim3A_116, %get3A_142], %broadcast_in_dim3A_10 : memref<16x2048xf32, #tpu.memory_space<vmem>>[vector<16xi32>, vector<16xi32>], vector<16xf32>,
      %get3A_143 = arith.index_cast %add3A_115 : i32 to index
      %get3A_144 = arith.constant 144 : index
      %get3A_145 = tpu.vector_load %arg5[%get3A_143, %get3A_144] {strides = array<i32>} : memref<64x256xi32, #tpu.memory_space<vmem>>, vector<16xi32>,
      tpu.vector_store_idx %arg8[%broadcast_in_dim3A_116, %get3A_145], %broadcast_in_dim3A_10 : memref<16x2048xf32, #tpu.memory_space<vmem>>[vector<16xi32>, vector<16xi32>], vector<16xf32>,
      %get3A_146 = arith.index_cast %add3A_115 : i32 to index
      %get3A_147 = arith.constant 160 : index
      %get3A_148 = tpu.vector_load %arg5[%get3A_146, %get3A_147] {strides = array<i32>} : memref<64x256xi32, #tpu.memory_space<vmem>>, vector<16xi32>,
      tpu.vector_store_idx %arg8[%broadcast_in_dim3A_116, %get3A_148], %broadcast_in_dim3A_10 : memref<16x2048xf32, #tpu.memory_space<vmem>>[vector<16xi32>, vector<16xi32>], vector<16xf32>,
      %get3A_149 = arith.index_cast %add3A_115 : i32 to index
      %get3A_150 = arith.constant 176 : index
      %get3A_151 = tpu.vector_load %arg5[%get3A_149, %get3A_150] {strides = array<i32>} : memref<64x256xi32, #tpu.memory_space<vmem>>, vector<16xi32>,
      tpu.vector_store_idx %arg8[%broadcast_in_dim3A_116, %get3A_151], %broadcast_in_dim3A_10 : memref<16x2048xf32, #tpu.memory_space<vmem>>[vector<16xi32>, vector<16xi32>], vector<16xf32>,
      %get3A_152 = arith.index_cast %add3A_115 : i32 to index
      %get3A_153 = arith.constant 192 : index
      %get3A_154 = tpu.vector_load %arg5[%get3A_152, %get3A_153] {strides = array<i32>} : memref<64x256xi32, #tpu.memory_space<vmem>>, vector<16xi32>,
      tpu.vector_store_idx %arg8[%broadcast_in_dim3A_116, %get3A_154], %broadcast_in_dim3A_10 : memref<16x2048xf32, #tpu.memory_space<vmem>>[vector<16xi32>, vector<16xi32>], vector<16xf32>,
      %get3A_155 = arith.index_cast %add3A_115 : i32 to index
      %get3A_156 = arith.constant 208 : index
      %get3A_157 = tpu.vector_load %arg5[%get3A_155, %get3A_156] {strides = array<i32>} : memref<64x256xi32, #tpu.memory_space<vmem>>, vector<16xi32>,
      tpu.vector_store_idx %arg8[%broadcast_in_dim3A_116, %get3A_157], %broadcast_in_dim3A_10 : memref<16x2048xf32, #tpu.memory_space<vmem>>[vector<16xi32>, vector<16xi32>], vector<16xf32>,
      %get3A_158 = arith.index_cast %add3A_115 : i32 to index
      %get3A_159 = arith.constant 224 : index
      %get3A_160 = tpu.vector_load %arg5[%get3A_158, %get3A_159] {strides = array<i32>} : memref<64x256xi32, #tpu.memory_space<vmem>>, vector<16xi32>,
      tpu.vector_store_idx %arg8[%broadcast_in_dim3A_116, %get3A_160], %broadcast_in_dim3A_10 : memref<16x2048xf32, #tpu.memory_space<vmem>>[vector<16xi32>, vector<16xi32>], vector<16xf32>,
      %get3A_161 = arith.index_cast %add3A_115 : i32 to index
      %get3A_162 = arith.constant 240 : index
      %get3A_163 = tpu.vector_load %arg5[%get3A_161, %get3A_162] {strides = array<i32>} : memref<64x256xi32, #tpu.memory_space<vmem>>, vector<16xi32>,
      tpu.vector_store_idx %arg8[%broadcast_in_dim3A_116, %get3A_163], %broadcast_in_dim3A_10 : memref<16x2048xf32, #tpu.memory_space<vmem>>[vector<16xi32>, vector<16xi32>], vector<16xf32>,
    }
    %scan3A_88 = arith.constant 16 : i32
    %scan3A_89 = arith.constant 0 : i32
    %scan3A_90 = arith.constant 0 : i32
    %scan3A_91 = arith.constant 16 : i32
    %scan3A_92 = arith.addi %scan3A_90, %scan3A_91 : i32
    %scan3A_93 = arith.constant 1 : i32
    scf.for %scan3A_113 = %scan3A_90 to %scan3A_92 step %scan3A_93  : i32 {
      %add3A_114 = arith.constant 48 : i32
      %add3A_115 = arith.addi %add3A_114, %scan3A_113 : i32
      %broadcast_in_dim3A_116 = vector.broadcast %scan3A_113 : i32 to vector<16xi32>
      %get3A = arith.index_cast %add3A_115 : i32 to index
      %get3A_117 = arith.constant 0 : index
      %get3A_118 = tpu.vector_load %arg5[%get3A, %get3A_117] {strides = array<i32>} : memref<64x256xi32, #tpu.memory_space<vmem>>, vector<16xi32>,
      %get3A_119 = arith.index_cast %add3A_115 : i32 to index
      %get3A_120 = arith.constant 0 : index
      %get3A_121 = tpu.vector_load %arg6[%get3A_119, %get3A_120] {strides = array<i32>} : memref<64x256xf32, #tpu.memory_space<vmem>>, vector<16xf32>,
      tpu.vector_store_idx %arg8[%broadcast_in_dim3A_116, %get3A_118], %get3A_121 {add = true} : memref<16x2048xf32, #tpu.memory_space<vmem>>[vector<16xi32>, vector<16xi32>], vector<16xf32>,
      %get3A_122 = arith.index_cast %add3A_115 : i32 to index
      %get3A_123 = arith.constant 16 : index
      %get3A_124 = tpu.vector_load %arg5[%get3A_122, %get3A_123] {strides = array<i32>} : memref<64x256xi32, #tpu.memory_space<vmem>>, vector<16xi32>,
      %get3A_125 = arith.index_cast %add3A_115 : i32 to index
      %get3A_126 = arith.constant 16 : index
      %get3A_127 = tpu.vector_load %arg6[%get3A_125, %get3A_126] {strides = array<i32>} : memref<64x256xf32, #tpu.memory_space<vmem>>, vector<16xf32>,
      tpu.vector_store_idx %arg8[%broadcast_in_dim3A_116, %get3A_124], %get3A_127 {add = true} : memref<16x2048xf32, #tpu.memory_space<vmem>>[vector<16xi32>, vector<16xi32>], vector<16xf32>,
      %get3A_128 = arith.index_cast %add3A_115 : i32 to index
      %get3A_129 = arith.constant 32 : index
      %get3A_130 = tpu.vector_load %arg5[%get3A_128, %get3A_129] {strides = array<i32>} : memref<64x256xi32, #tpu.memory_space<vmem>>, vector<16xi32>,
      %get3A_131 = arith.index_cast %add3A_115 : i32 to index
      %get3A_132 = arith.constant 32 : index
      %get3A_133 = tpu.vector_load %arg6[%get3A_131, %get3A_132] {strides = array<i32>} : memref<64x256xf32, #tpu.memory_space<vmem>>, vector<16xf32>,
      tpu.vector_store_idx %arg8[%broadcast_in_dim3A_116, %get3A_130], %get3A_133 {add = true} : memref<16x2048xf32, #tpu.memory_space<vmem>>[vector<16xi32>, vector<16xi32>], vector<16xf32>,
      %get3A_134 = arith.index_cast %add3A_115 : i32 to index
      %get3A_135 = arith.constant 48 : index
      %get3A_136 = tpu.vector_load %arg5[%get3A_134, %get3A_135] {strides = array<i32>} : memref<64x256xi32, #tpu.memory_space<vmem>>, vector<16xi32>,
      %get3A_137 = arith.index_cast %add3A_115 : i32 to index
      %get3A_138 = arith.constant 48 : index
      %get3A_139 = tpu.vector_load %arg6[%get3A_137, %get3A_138] {strides = array<i32>} : memref<64x256xf32, #tpu.memory_space<vmem>>, vector<16xf32>,
      tpu.vector_store_idx %arg8[%broadcast_in_dim3A_116, %get3A_136], %get3A_139 {add = true} : memref<16x2048xf32, #tpu.memory_space<vmem>>[vector<16xi32>, vector<16xi32>], vector<16xf32>,
      %get3A_140 = arith.index_cast %add3A_115 : i32 to index
      %get3A_141 = arith.constant 64 : index
      %get3A_142 = tpu.vector_load %arg5[%get3A_140, %get3A_141] {strides = array<i32>} : memref<64x256xi32, #tpu.memory_space<vmem>>, vector<16xi32>,
      %get3A_143 = arith.index_cast %add3A_115 : i32 to index
      %get3A_144 = arith.constant 64 : index
      %get3A_145 = tpu.vector_load %arg6[%get3A_143, %get3A_144] {strides = array<i32>} : memref<64x256xf32, #tpu.memory_space<vmem>>, vector<16xf32>,
      tpu.vector_store_idx %arg8[%broadcast_in_dim3A_116, %get3A_142], %get3A_145 {add = true} : memref<16x2048xf32, #tpu.memory_space<vmem>>[vector<16xi32>, vector<16xi32>], vector<16xf32>,
      %get3A_146 = arith.index_cast %add3A_115 : i32 to index
      %get3A_147 = arith.constant 80 : index
      %get3A_148 = tpu.vector_load %arg5[%get3A_146, %get3A_147] {strides = array<i32>} : memref<64x256xi32, #tpu.memory_space<vmem>>, vector<16xi32>,
      %get3A_149 = arith.index_cast %add3A_115 : i32 to index
      %get3A_150 = arith.constant 80 : index
      %get3A_151 = tpu.vector_load %arg6[%get3A_149, %get3A_150] {strides = array<i32>} : memref<64x256xf32, #tpu.memory_space<vmem>>, vector<16xf32>,
      tpu.vector_store_idx %arg8[%broadcast_in_dim3A_116, %get3A_148], %get3A_151 {add = true} : memref<16x2048xf32, #tpu.memory_space<vmem>>[vector<16xi32>, vector<16xi32>], vector<16xf32>,
      %get3A_152 = arith.index_cast %add3A_115 : i32 to index
      %get3A_153 = arith.constant 96 : index
      %get3A_154 = tpu.vector_load %arg5[%get3A_152, %get3A_153] {strides = array<i32>} : memref<64x256xi32, #tpu.memory_space<vmem>>, vector<16xi32>,
      %get3A_155 = arith.index_cast %add3A_115 : i32 to index
      %get3A_156 = arith.constant 96 : index
      %get3A_157 = tpu.vector_load %arg6[%get3A_155, %get3A_156] {strides = array<i32>} : memref<64x256xf32, #tpu.memory_space<vmem>>, vector<16xf32>,
      tpu.vector_store_idx %arg8[%broadcast_in_dim3A_116, %get3A_154], %get3A_157 {add = true} : memref<16x2048xf32, #tpu.memory_space<vmem>>[vector<16xi32>, vector<16xi32>], vector<16xf32>,
      %get3A_158 = arith.index_cast %add3A_115 : i32 to index
      %get3A_159 = arith.constant 112 : index
      %get3A_160 = tpu.vector_load %arg5[%get3A_158, %get3A_159] {strides = array<i32>} : memref<64x256xi32, #tpu.memory_space<vmem>>, vector<16xi32>,
      %get3A_161 = arith.index_cast %add3A_115 : i32 to index
      %get3A_162 = arith.constant 112 : index
      %get3A_163 = tpu.vector_load %arg6[%get3A_161, %get3A_162] {strides = array<i32>} : memref<64x256xf32, #tpu.memory_space<vmem>>, vector<16xf32>,
      tpu.vector_store_idx %arg8[%broadcast_in_dim3A_116, %get3A_160], %get3A_163 {add = true} : memref<16x2048xf32, #tpu.memory_space<vmem>>[vector<16xi32>, vector<16xi32>], vector<16xf32>,
      %get3A_164 = arith.index_cast %add3A_115 : i32 to index
      %get3A_165 = arith.constant 128 : index
      %get3A_166 = tpu.vector_load %arg5[%get3A_164, %get3A_165] {strides = array<i32>} : memref<64x256xi32, #tpu.memory_space<vmem>>, vector<16xi32>,
      %get3A_167 = arith.index_cast %add3A_115 : i32 to index
      %get3A_168 = arith.constant 128 : index
      %get3A_169 = tpu.vector_load %arg6[%get3A_167, %get3A_168] {strides = array<i32>} : memref<64x256xf32, #tpu.memory_space<vmem>>, vector<16xf32>,
      tpu.vector_store_idx %arg8[%broadcast_in_dim3A_116, %get3A_166], %get3A_169 {add = true} : memref<16x2048xf32, #tpu.memory_space<vmem>>[vector<16xi32>, vector<16xi32>], vector<16xf32>,
      %get3A_170 = arith.index_cast %add3A_115 : i32 to index
      %get3A_171 = arith.constant 144 : index
      %get3A_172 = tpu.vector_load %arg5[%get3A_170, %get3A_171] {strides = array<i32>} : memref<64x256xi32, #tpu.memory_space<vmem>>, vector<16xi32>,
      %get3A_173 = arith.index_cast %add3A_115 : i32 to index
      %get3A_174 = arith.constant 144 : index
      %get3A_175 = tpu.vector_load %arg6[%get3A_173, %get3A_174] {strides = array<i32>} : memref<64x256xf32, #tpu.memory_space<vmem>>, vector<16xf32>,
      tpu.vector_store_idx %arg8[%broadcast_in_dim3A_116, %get3A_172], %get3A_175 {add = true} : memref<16x2048xf32, #tpu.memory_space<vmem>>[vector<16xi32>, vector<16xi32>], vector<16xf32>,
      %get3A_176 = arith.index_cast %add3A_115 : i32 to index
      %get3A_177 = arith.constant 160 : index
      %get3A_178 = tpu.vector_load %arg5[%get3A_176, %get3A_177] {strides = array<i32>} : memref<64x256xi32, #tpu.memory_space<vmem>>, vector<16xi32>,
      %get3A_179 = arith.index_cast %add3A_115 : i32 to index
      %get3A_180 = arith.constant 160 : index
      %get3A_181 = tpu.vector_load %arg6[%get3A_179, %get3A_180] {strides = array<i32>} : memref<64x256xf32, #tpu.memory_space<vmem>>, vector<16xf32>,
      tpu.vector_store_idx %arg8[%broadcast_in_dim3A_116, %get3A_178], %get3A_181 {add = true} : memref<16x2048xf32, #tpu.memory_space<vmem>>[vector<16xi32>, vector<16xi32>], vector<16xf32>,
      %get3A_182 = arith.index_cast %add3A_115 : i32 to index
      %get3A_183 = arith.constant 176 : index
      %get3A_184 = tpu.vector_load %arg5[%get3A_182, %get3A_183] {strides = array<i32>} : memref<64x256xi32, #tpu.memory_space<vmem>>, vector<16xi32>,
      %get3A_185 = arith.index_cast %add3A_115 : i32 to index
      %get3A_186 = arith.constant 176 : index
      %get3A_187 = tpu.vector_load %arg6[%get3A_185, %get3A_186] {strides = array<i32>} : memref<64x256xf32, #tpu.memory_space<vmem>>, vector<16xf32>,
      tpu.vector_store_idx %arg8[%broadcast_in_dim3A_116, %get3A_184], %get3A_187 {add = true} : memref<16x2048xf32, #tpu.memory_space<vmem>>[vector<16xi32>, vector<16xi32>], vector<16xf32>,
      %get3A_188 = arith.index_cast %add3A_115 : i32 to index
      %get3A_189 = arith.constant 192 : index
      %get3A_190 = tpu.vector_load %arg5[%get3A_188, %get3A_189] {strides = array<i32>} : memref<64x256xi32, #tpu.memory_space<vmem>>, vector<16xi32>,
      %get3A_191 = arith.index_cast %add3A_115 : i32 to index
      %get3A_192 = arith.constant 192 : index
      %get3A_193 = tpu.vector_load %arg6[%get3A_191, %get3A_192] {strides = array<i32>} : memref<64x256xf32, #tpu.memory_space<vmem>>, vector<16xf32>,
      tpu.vector_store_idx %arg8[%broadcast_in_dim3A_116, %get3A_190], %get3A_193 {add = true} : memref<16x2048xf32, #tpu.memory_space<vmem>>[vector<16xi32>, vector<16xi32>], vector<16xf32>,
      %get3A_194 = arith.index_cast %add3A_115 : i32 to index
      %get3A_195 = arith.constant 208 : index
      %get3A_196 = tpu.vector_load %arg5[%get3A_194, %get3A_195] {strides = array<i32>} : memref<64x256xi32, #tpu.memory_space<vmem>>, vector<16xi32>,
      %get3A_197 = arith.index_cast %add3A_115 : i32 to index
      %get3A_198 = arith.constant 208 : index
      %get3A_199 = tpu.vector_load %arg6[%get3A_197, %get3A_198] {strides = array<i32>} : memref<64x256xf32, #tpu.memory_space<vmem>>, vector<16xf32>,
      tpu.vector_store_idx %arg8[%broadcast_in_dim3A_116, %get3A_196], %get3A_199 {add = true} : memref<16x2048xf32, #tpu.memory_space<vmem>>[vector<16xi32>, vector<16xi32>], vector<16xf32>,
      %get3A_200 = arith.index_cast %add3A_115 : i32 to index
      %get3A_201 = arith.constant 224 : index
      %get3A_202 = tpu.vector_load %arg5[%get3A_200, %get3A_201] {strides = array<i32>} : memref<64x256xi32, #tpu.memory_space<vmem>>, vector<16xi32>,
      %get3A_203 = arith.index_cast %add3A_115 : i32 to index
      %get3A_204 = arith.constant 224 : index
      %get3A_205 = tpu.vector_load %arg6[%get3A_203, %get3A_204] {strides = array<i32>} : memref<64x256xf32, #tpu.memory_space<vmem>>, vector<16xf32>,
      tpu.vector_store_idx %arg8[%broadcast_in_dim3A_116, %get3A_202], %get3A_205 {add = true} : memref<16x2048xf32, #tpu.memory_space<vmem>>[vector<16xi32>, vector<16xi32>], vector<16xf32>,
      %get3A_206 = arith.index_cast %add3A_115 : i32 to index
      %get3A_207 = arith.constant 240 : index
      %get3A_208 = tpu.vector_load %arg5[%get3A_206, %get3A_207] {strides = array<i32>} : memref<64x256xi32, #tpu.memory_space<vmem>>, vector<16xi32>,
      %get3A_209 = arith.index_cast %add3A_115 : i32 to index
      %get3A_210 = arith.constant 240 : index
      %get3A_211 = tpu.vector_load %arg6[%get3A_209, %get3A_210] {strides = array<i32>} : memref<64x256xf32, #tpu.memory_space<vmem>>, vector<16xf32>,
      tpu.vector_store_idx %arg8[%broadcast_in_dim3A_116, %get3A_208], %get3A_211 {add = true} : memref<16x2048xf32, #tpu.memory_space<vmem>>[vector<16xi32>, vector<16xi32>], vector<16xf32>,
    }
    %scan3A_94 = arith.constant 16 : i32
    %add3A_95 = arith.constant 48 : i32
    %add3A_96 = arith.addi %mul3A_2, %add3A_95 : i32
    %dma_start3A_97 = arith.constant 0 : i32
    %dma_start3A_98 = tpu.memref_slice %arg4[%add3A_96, %dma_start3A_97] : memref<2048x2048xf32, #tpu.memory_space<hbm>> -> memref<16x2048xf32, #tpu.memory_space<hbm>>
    %dma_start3A_99 = arith.constant 0 : i32
    %dma_start3A_100 = tpu.memref_slice %arg4[%add3A_96, %dma_start3A_99] : memref<2048x2048xf32, #tpu.memory_space<hbm>> -> memref<16x2048xf32, #tpu.memory_space<hbm>>
    tpu.enqueue_dma source(%arg8 : memref<16x2048xf32, #tpu.memory_space<vmem>>) target(%dma_start3A_100 : memref<16x2048xf32, #tpu.memory_space<hbm>>) target_semaphore(%arg11 : memref<!tpu.dma_semaphore, #tpu.memory_space<semaphore_mem>>)
    %add3A_101 = arith.constant 32 : i32
    %add3A_102 = arith.addi %mul3A_2, %add3A_101 : i32
    %dma_wait3A_103 = arith.constant 0 : i32
    %dma_wait3A_104 = tpu.memref_slice %arg4[%add3A_102, %dma_wait3A_103] : memref<2048x2048xf32, #tpu.memory_space<hbm>> -> memref<16x2048xf32, #tpu.memory_space<hbm>>
    %dma_wait3A_105 = arith.constant 0 : i32
    %dma_wait3A_106 = tpu.memref_slice %arg4[%add3A_102, %dma_wait3A_105] : memref<2048x2048xf32, #tpu.memory_space<hbm>> -> memref<16x2048xf32, #tpu.memory_space<hbm>>
    tpu.wait_dma2 semaphore(%arg10 : memref<!tpu.dma_semaphore, #tpu.memory_space<semaphore_mem>>) src(%arg7 : memref<16x2048xf32, #tpu.memory_space<vmem>>) dst(%dma_wait3A_106 : memref<16x2048xf32, #tpu.memory_space<hbm>>)
    %add3A_107 = arith.constant 48 : i32
    %add3A_108 = arith.addi %mul3A_2, %add3A_107 : i32
    %dma_wait3A_109 = arith.constant 0 : i32
    %dma_wait3A_110 = tpu.memref_slice %arg4[%add3A_108, %dma_wait3A_109] : memref<2048x2048xf32, #tpu.memory_space<hbm>> -> memref<16x2048xf32, #tpu.memory_space<hbm>>
    %dma_wait3A_111 = arith.constant 0 : i32
    %dma_wait3A_112 = tpu.memref_slice %arg4[%add3A_108, %dma_wait3A_111] : memref<2048x2048xf32, #tpu.memory_space<hbm>> -> memref<16x2048xf32, #tpu.memory_space<hbm>>
    tpu.wait_dma2 semaphore(%arg11 : memref<!tpu.dma_semaphore, #tpu.memory_space<semaphore_mem>>) src(%arg8 : memref<16x2048xf32, #tpu.memory_space<vmem>>) dst(%dma_wait3A_112 : memref<16x2048xf32, #tpu.memory_space<hbm>>)
    return
  }
}

module attributes {stable_mosaic.version = 14 : i64} {
  func.func @_mm_body(%arg0: i32, %arg1: memref<2048x2048xf32, #tpu.memory_space<vmem>>, %arg2: memref<512x2048xf32, #tpu.memory_space<vmem>>, %arg3: memref<512x2048xf32, #tpu.memory_space<vmem>>, %arg4: memref<1x512xf32, #tpu.memory_space<vmem>>, %arg5: memref<1x512xf32, #tpu.memory_space<vmem>>, %arg6: memref<2048x512xi32, #tpu.memory_space<vmem>>) attributes {dimension_semantics = [#tpu.dimension_semantics<arbitrary>], iteration_bounds = array<i64: 8>, scalar_prefetch = 0 : i64, scratch_operands = 0 : i64, tpu.core_type = #tpu.core_type<tc>, window_params = [{pipeline_mode = #tpu.pipeline_mode<synchronous>, transform_indices = @transform_0, window_bounds = array<i64: 2048, 2048>}, {transform_indices = @transform_1, window_bounds = array<i64: 512, 2048>}, {transform_indices = @transform_2, window_bounds = array<i64: 512, 2048>}, {transform_indices = @transform_3, window_bounds = array<i64: 1, 512>}, {transform_indices = @transform_4, window_bounds = array<i64: 1, 512>}, {transform_indices = @transform_5, window_bounds = array<i64: 2048, 512>}]} {
    %get3A = arith.constant 0 : index
    %get3A_0 = arith.constant 0 : index
    %get3A_1 = vector.load %arg1[%get3A, %get3A_0] : memref<2048x2048xf32, #tpu.memory_space<vmem>>, vector<2048x2048xf32>
    %get3A_2 = arith.constant 0 : index
    %get3A_3 = arith.constant 0 : index
    %get3A_4 = vector.load %arg2[%get3A_2, %get3A_3] : memref<512x2048xf32, #tpu.memory_space<vmem>>, vector<512x2048xf32>
    %dot_general3A = arith.constant dense<0.000000e+00> : vector<2048x512xf32>
    %dot_general3A_5 = tpu.matmul %get3A_1, %get3A_4, %dot_general3A {dimension_numbers = #tpu.dot_dimension_numbers<[1], [1], [0], [0], [0, 0, 1, 0], [], []>, transpose_lhs_hint = false} : vector<2048x2048xf32>, vector<512x2048xf32>, vector<2048x512xf32> -> vector<2048x512xf32>
    %get3A_6 = arith.constant 0 : index
    %get3A_7 = arith.constant 0 : index
    %get3A_8 = vector.load %arg4[%get3A_6, %get3A_7] : memref<1x512xf32, #tpu.memory_space<vmem>>, vector<1x512xf32>
    %add3A = vector.broadcast %get3A_8 : vector<1x512xf32> to vector<2048x512xf32>
    %add3A_9 = arith.addf %dot_general3A_5, %add3A : vector<2048x512xf32>
    %get3A_10 = arith.constant 0 : index
    %get3A_11 = arith.constant 0 : index
    %get3A_12 = vector.load %arg1[%get3A_10, %get3A_11] : memref<2048x2048xf32, #tpu.memory_space<vmem>>, vector<2048x2048xf32>
    %get3A_13 = arith.constant 0 : index
    %get3A_14 = arith.constant 0 : index
    %get3A_15 = vector.load %arg3[%get3A_13, %get3A_14] : memref<512x2048xf32, #tpu.memory_space<vmem>>, vector<512x2048xf32>
    %dot_general3A_16 = arith.constant dense<0.000000e+00> : vector<2048x512xf32>
    %dot_general3A_17 = tpu.matmul %get3A_12, %get3A_15, %dot_general3A_16 {dimension_numbers = #tpu.dot_dimension_numbers<[1], [1], [0], [0], [0, 0, 1, 0], [], []>, transpose_lhs_hint = false} : vector<2048x2048xf32>, vector<512x2048xf32>, vector<2048x512xf32> -> vector<2048x512xf32>
    %get3A_18 = arith.constant 0 : index
    %get3A_19 = arith.constant 0 : index
    %get3A_20 = vector.load %arg5[%get3A_18, %get3A_19] : memref<1x512xf32, #tpu.memory_space<vmem>>, vector<1x512xf32>
    %add3A_21 = vector.broadcast %get3A_20 : vector<1x512xf32> to vector<2048x512xf32>
    %add3A_22 = arith.addf %dot_general3A_17, %add3A_21 : vector<2048x512xf32>
    %bitcast_convert_type3A = tpu.bitcast %add3A_9 : vector<2048x512xf32> -> vector<2048x512xi32>
    %bitcast_convert_type3A_23 = tpu.bitcast %add3A_22 : vector<2048x512xf32> -> vector<2048x512xi32>
    %shift_right_logical3A = arith.constant 16 : i32
    %shift_right_logical3A_24 = vector.broadcast %shift_right_logical3A : i32 to vector<2048x512xi32>
    %shift_right_logical3A_25 = arith.shrui %bitcast_convert_type3A, %shift_right_logical3A_24 : vector<2048x512xi32>
    %and3A = arith.constant -65536 : i32
    %and3A_26 = vector.broadcast %and3A : i32 to vector<2048x512xi32>
    %and3A_27 = arith.andi %bitcast_convert_type3A_23, %and3A_26 : vector<2048x512xi32>
    %or3A = arith.ori %shift_right_logical3A_25, %and3A_27 : vector<2048x512xi32>
    %swap3A = arith.constant 0 : index
    %swap3A_28 = arith.constant 0 : index
    %swap3A_29 = vector.load %arg6[%swap3A, %swap3A_28] : memref<2048x512xi32, #tpu.memory_space<vmem>>, vector<2048x512xi32>
    tpu.vector_store %arg6[%swap3A, %swap3A_28], %or3A {strides = array<i32>} : memref<2048x512xi32, #tpu.memory_space<vmem>>, vector<2048x512xi32>,
    return
  }
  func.func @transform_0(%arg0: i32) -> (i32, i32) {
    %c0_i32 = arith.constant 0 : i32
    %c0_i32_0 = arith.constant 0 : i32
    %c0_i32_1 = arith.constant 0 : i32
    return %c0_i32, %c0_i32_0 : i32, i32
  }
  func.func @transform_1(%arg0: i32) -> (i32, i32) {
    %c0_i32 = arith.constant 0 : i32
    %c0_i32_0 = arith.constant 0 : i32
    return %arg0, %c0_i32 : i32, i32
  }
  func.func @transform_2(%arg0: i32) -> (i32, i32) {
    %add3A = arith.constant 8 : i32
    %add3A_0 = arith.addi %arg0, %add3A : i32
    %c0_i32 = arith.constant 0 : i32
    %c0_i32_1 = arith.constant 0 : i32
    return %add3A_0, %c0_i32 : i32, i32
  }
  func.func @transform_3(%arg0: i32) -> (i32, i32) {
    %c0_i32 = arith.constant 0 : i32
    %c0_i32_0 = arith.constant 0 : i32
    return %c0_i32, %arg0 : i32, i32
  }
  func.func @transform_4(%arg0: i32) -> (i32, i32) {
    %add3A = arith.constant 8 : i32
    %add3A_0 = arith.addi %arg0, %add3A : i32
    %c0_i32 = arith.constant 0 : i32
    %c0_i32_1 = arith.constant 0 : i32
    return %c0_i32, %add3A_0 : i32, i32
  }
  func.func @transform_5(%arg0: i32) -> (i32, i32) {
    %c0_i32 = arith.constant 0 : i32
    %c0_i32_0 = arith.constant 0 : i32
    return %c0_i32, %arg0 : i32, i32
  }
}

</mosaic_0001>

<sc_bundles>
// kernel: kernel.5.cloned.1.call-start
scs
__scs_entry_jumppad:
0x0: {  	(pc) =	sbr.rel $0x88, $3  }
0x1: {  	(tag) =	ssettag $0x0;
	lr =	simm.s32 $0x1  }
0x2: {  	[smem:$0x3F9C] =	sst lr;
	_ =	strace $0xD0000000  }
0x3: {  	_ = 	snop  }
0x4: {  	_ = 	snop  }
0x5: {  	_ = 	snop  }
0x6: {  	_ = 	snop  }
0x7: {  	_ = 	snop  }
__scs_overlays_trampoline_lowered:
0x8: {  	[smem:$0x3FAB] =	sst s0  }
0x9: {  	[smem:$0x3FAC] =	sst s1  }
0xa: {  	[smem:$0x3FAD] =	sst s2  }
0xb: {  	[smem:$0x3FAE] =	sst s3  }
0xc: {  	[smem:$0x3FAF] =	sst s4  }
0xd: {  	[smem:$0x3FB0] =	sst s5  }
0xe: {  	[smem:$0x3FB1] =	sst s6  }
0xf: {  	[smem:$0x3FB2] =	sst s7  }
0x10: {  	[smem:$0x3FB3] =	sst s8  }
0x11: {  	[smem:$0x3FB4] =	sst s9;
	s0 =	simm.s32 @!p0 $0x0  }
0x12: {  	s1 =	sld [smem:$0x3F9A];
	s0 =	simm.s32 @p0 $0x1  }
0x13: {  	[smem:$0x3FB5] =	sst s0;
	s0 =	simm.s32 @!p1 $0x0  }
0x14: {  	s2 =	sld [smem:$0x3F99];
	s0 =	simm.s32 @p1 $0x1  }
0x15: {  	[smem:$0x3FB6] =	sst s0;
	s0 =	simm.s32 @!p2 $0x0  }
0x16: {  	s3 =	sld [smem:$0x3FDB];
	s0 =	simm.s32 @p2 $0x1  }
0x17: {  	s4 =	simm.s32 $0x1BF5;
	[smem:$0x3FB8] =	sst s0  }
0x18: {  	s0 =	sld [smem:$0x3F9B];
	_ =	swait.ge [sflag:s4], $0x0  }
0x19: {  	s7 =	sld [smem:$0x3F9C]  }
0x1a: {  	s8 =	sadd.s32 $0xFFFFE003, lr  }
0x1b: {  	s9 =	sadd.s32 $0xFFFFFEF7, lr;
	s5 =	simm.s32 $0xFFFFFFFF;
	p2 =	slt.u32 s8, $0xFFFFF086  }
0x1c: {  	p1 =	slt.u32 s9, $0xF7A;
	s5 =	simm.s32 @!p2 $0x0  }
0x1d: {  	s5 =	simm.s32 @p1 $0x1;
	p0 =	seq.s32 s7, s2  }
0x1e: {  	s7 =	smul.u32 @!p0 $0xF7A, s2;
	p2 =	seq.s32 @!p0 s5, $0x0  }
0x1f: {  	s9 =	smul.u32 $0xF7A, s1;
	s8 =	simm.s32 @!p0 $0x1BF5;
	p2 =	por !p2, p0  }
0x20: {  	[sflag:s8] =	ssyncset.s32 @!p0 $0xFFFFF086;
	s6 =	sadd.s32 @!p0 s3, s7;
	s7 =	simm.s32 @!p0 $0x108  }
0x21: {  	s3 =	sadd.s32 s3, s9;
	s6 =	sadd.s32 @!p0 $0x88, s6;
	s7 =	simm.s32 @p2 $0x1082  }
0x22: {  	[simem:s7], [sflag:s8] =	dma.local @!p0 [hbm:s6], $0xF7A  }
0x23: {  	s9 =	sor.u32 $0xD0000000, s2;
	s6 =	simm.s32 $0x108;
	_ =	swait.ge @!p0 [sflag:s8], $0x0  }
0x24: {  	s3 =	sadd.s32 $0x88, s3;
	s6 =	simm.s32 @!p1 $0x1082;
	[sflag:s4] =	ssyncset.s32 $0xFFFFF086  }
0x25: {  	[simem:s6], [sflag:s4] =	dma.local [hbm:s3], $0xF7A  }
0x26: {  	[smem:$0x3F9C] =	sst s1;
	(tag) =	ssettag s2;
	_ =	strace s9  }
0x27: {  	s1 =	sld [smem:$0x3FAC]  }
0x28: {  	s2 =	sld [smem:$0x3FAD]  }
0x29: {  	s4 =	sld [smem:$0x3FAF]  }
0x2a: {  	p0 =	seq.s32 s5, $0x0;
	s5 =	sld [smem:$0x3FB0]  }
0x2b: {  	s6 =	sld [smem:$0x3FB1]  }
0x2c: {  	s7 =	sld [smem:$0x3FB2]  }
0x2d: {  	s3 =	simm.s32 $0x108;
	s8 =	sld [smem:$0x3FB3]  }
0x2e: {  	s3 =	simm.s32 @!p0 $0x1082;
	s9 =	sld [smem:$0x3FB4]  }
0x2f: {  	lr =	sadd.s32 s0, s3;
	s0 =	sld [smem:$0x3FAB]  }
0x30: {  	s3 =	sld [smem:$0x3FAE]  }
0x31: {  	[smem:$0x3FB7] =	sst s10  }
0x32: {  	s10 =	sld [smem:$0x3FB5];
	_ =	sdelay $0x3  }
0x33: {  	p0 =	seq.s32 s10, $0x1;
	s10 =	sld [smem:$0x3FB7];
	_ =	sdelay $0x3  }
0x34: {  	[smem:$0x3FB7] =	sst s10  }
0x35: {  	s10 =	sld [smem:$0x3FB6];
	_ =	sdelay $0x3  }
0x36: {  	p1 =	seq.s32 s10, $0x1;
	s10 =	sld [smem:$0x3FB7];
	_ =	sdelay $0x3  }
0x37: {  	[smem:$0x3FB7] =	sst s10  }
0x38: {  	s10 =	sld [smem:$0x3FB8]  }
0x39: {  	_ = 	snop;
	(pc) =	sbr.ind lr, $3  }
0x3a: {  	_ = 	snop  }
0x3b: {  	_ = 	snop  }
0x3c: {  	p2 =	seq.s32 s10, $0x1;
	s10 =	sld [smem:$0x3FB7]  }
0x3d: {  	_ =	shalt  }
0x3e: {  	_ =	shalt  }
0x3f: {  	_ =	shalt  }
0x40: {  	_ =	shalt  }
0x41: {  	_ =	shalt  }
0x42: {  	_ =	shalt  }
0x43: {  	_ =	shalt  }
0x44: {  	_ =	shalt  }
0x45: {  	_ =	shalt  }
0x46: {  	_ =	shalt  }
0x47: {  	_ =	shalt  }
0x48: {  	_ =	shalt  }
0x49: {  	_ =	shalt  }
0x4a: {  	_ =	shalt  }
0x4b: {  	_ =	shalt  }
0x4c: {  	_ =	shalt  }
0x4d: {  	_ =	shalt  }
0x4e: {  	_ =	shalt  }
0x4f: {  	_ =	shalt  }
0x50: {  	_ =	shalt  }
0x51: {  	_ =	shalt  }
0x52: {  	_ =	shalt  }
0x53: {  	_ =	shalt  }
0x54: {  	_ =	shalt  }
0x55: {  	_ =	shalt  }
0x56: {  	_ =	shalt  }
0x57: {  	_ =	shalt  }
0x58: {  	_ =	shalt  }
0x59: {  	_ =	shalt  }
0x5a: {  	_ =	shalt  }
0x5b: {  	_ =	shalt  }
0x5c: {  	_ =	shalt  }
0x5d: {  	_ =	shalt  }
0x5e: {  	_ =	shalt  }
0x5f: {  	_ =	shalt  }
0x60: {  	_ =	shalt  }
0x61: {  	_ =	shalt  }
0x62: {  	_ =	shalt  }
0x63: {  	_ =	shalt  }
0x64: {  	_ =	shalt  }
0x65: {  	_ =	shalt  }
0x66: {  	_ =	shalt  }
0x67: {  	_ =	shalt  }
0x68: {  	_ =	shalt  }
0x69: {  	_ =	shalt  }
0x6a: {  	_ =	shalt  }
0x6b: {  	_ =	shalt  }
0x6c: {  	_ =	shalt  }
0x6d: {  	_ =	shalt  }
0x6e: {  	_ =	shalt  }
0x6f: {  	_ =	shalt  }
0x70: {  	_ =	shalt  }
0x71: {  	_ =	shalt  }
0x72: {  	_ =	shalt  }
0x73: {  	_ =	shalt  }
0x74: {  	_ =	shalt  }
0x75: {  	_ =	shalt  }
0x76: {  	_ =	shalt  }
0x77: {  	_ =	shalt  }
0x78: {  	_ =	shalt  }
0x79: {  	_ =	shalt  }
0x7a: {  	_ =	shalt  }
0x7b: {  	_ =	shalt  }
0x7c: {  	_ =	shalt  }
0x7d: {  	_ =	shalt  }
0x7e: {  	_ =	shalt  }
0x7f: {  	_ =	shalt  }
0x80: {  	_ =	shalt  }
0x81: {  	_ =	shalt  }
0x82: {  	_ =	shalt  }
0x83: {  	_ =	shalt  }
0x84: {  	_ =	shalt  }
0x85: {  	_ =	shalt  }
0x86: {  	_ =	shalt  }
0x87: {  	_ =	shalt  }
.Lfunc_end0:
.L_simem_size_0:
called_computation_lowered:
.L_overlay_start_0:
0x88: {  	s2 =	sld [smem:$0x3FD9]  }
0x89: {  	s3 =	sld [smem:$0x3FFE];
	_ =	sdelay $0x1  }
0x8a: {  	s1 =	srdreg.scid  }
0x8b: {  	s0 =	sand.u32 $0x1, s1  }
0x8c: {  	s17 =	sshll.u32 s0, $0xA;
	s2 =	sadd.s32 s3, s2  }
0x8d: {  	s2 =	sadd.s32 s2, s17  }
0x8e: {  	[smem:$0x3FC3] =	sst s2  }
0x8f: {  	_ = 	snop  }
0x90: {  	s2 =	sld [smem:$0x3FC9]  }
0x91: {  	s18 =	sld [smem:$0x3FC8];
	(tm) =	ssettm $0x1  }
0x92: {  	s4 =	sld [smem:$0x3FFB];
	_ =	sdelay $0x3  }
0x93: {  	_ =	strace s4  }
0x94: {  	s4 =	sld [smem:$0x3FFC];
	_ =	sdelay $0x3  }
0x95: {  	_ =	strace s4  }
0x96: {  	s4 =	sld [smem:$0x3FFD];
	_ =	sdelay $0x3  }
0x97: {  	_ =	strace s4  }
0x98: {  	_ =	strace $0x8FFFFFFF  }
0x99: {  	s19 =	sld [smem:$0x3FDB];
	_ =	sdelay $0x1  }
0x9a: {  	s5 =	simm.s32 $_scs_section_size  }
0x9b: {  	s6 =	simm.s32 $_size__tile_overlayer_lowered;
	s7 =	simm.s32 $_tile_overlayer_lowered  }
0x9c: {  	s22 =	simm.s32 $0x1BFF;
	s21 =	sshll.u32 s7, $0x1;
	s4 =	sadd.s32 s5, s19  }
0x9d: {  	s8 =	simm.s32 $0x0;
	s20 =	sshll.u32 s6, $0x1;
	s6 =	sadd.s32 s21, s4  }
0x9e: {  	[timem:s8], [sflag:s22] =	dma.local [hbm:s6], s20  }
0x9f: {  	_ =	swait.ge [sflag:s22], s20  }
0xa0: {  	s5 =	ssub.s32 $0x0, s20;
	[sflag:s22] =	ssyncset.done $0x0  }
0xa1: {  	[sflag:s22] =	ssyncadd.s32 s5;
	_ =	sdelay $0x1  }
0xa2: {  	s23 =	simm.s32 $0x1B8B  }
0xa3: {  	_ =	swait.ge [sflag:s23], $0x1  }
0xa4: {  	[sflag:s23] =	ssyncset.done $0x0  }
0xa5: {  	s25 =	simm.s32 $0x1B8E;
	s24 =	sld [smem:$0x3FFE];
	[sflag:s23] =	ssyncadd.s32 $0xFFFFFFFF  }
0xa6: {  	s26 =	simm.s32 $execute0_lowered;
	[smem:$0x3FD2] =	sst s25  }
0xa7: {  	s6 =	sshll.u32 s26, $0x1;
	_ =	strace $0x80000046;
	[dreg:$0x1] =	wrdreg $0xFFFFFFFF  }
0xa8: {  	s28 =	simm.s32 $_size_execute0_lowered;
	s4 =	sadd.s32 s4, s6;
	[dreg:$0x0] =	wrdreg $0x0  }
0xa9: {  	s6 =	sshll.u32 s28, $0x1;
	[dreg:$0x2] =	wrdreg s4  }
0xaa: {  	[dreg:$0x3] =	wrdreg s6  }
0xab: {  	[dreg:$0x4] =	wrdreg $0xC0  }
0xac: {  	_ =	task [dreg:s8], $0x5FFFF  }
0xad: {  	[dreg:$0x1] =	wrdreg $0xFFFFFFFF  }
0xae: {  	[dreg:$0x0] =	wrdreg $0x60  }
0xaf: {  	[dreg:$0x2] =	wrdreg s2  }
0xb0: {  	[dreg:$0x3] =	wrdreg s18  }
0xb1: {  	[dreg:$0x4] =	wrdreg s24  }
0xb2: {  	[dreg:$0x5] =	wrdreg $0x9  }
0xb3: {  	_ =	task.clear_ibuf [dreg:s8], $0x6FFFF;
	_ =	strace $0x90000046  }
0xb4: {  	s29 =	simm.s32 $0x9;
	_ =	strace $0x80000048  }
0xb5: {  	_ =	swait.ge [sflag:s29], $0x1  }
0xb6: {  	[sflag:s29] =	ssyncadd.s32 $0xFFFFFFFF  }
0xb7: {  	_ =	strace $0x90000048  }
0xb8: {  	_ =	sfence  }
0xb9: {  	s30 =	sld [smem:$0x0];
	_ =	sdelay $0x2  }
0xba: {  	s31 =	sshll.u32 s1, $0xD;
	s1 =	sshrl.u32 s1, $0x2  }
0xbb: {  	s3 =	sand.u32 $0x4000, s31;
	s1 =	sadd.s32 s1, s30  }
0xbc: {  	s0 =	sor.u32 s3, s0;
	s1 =	sshll.u32 s1, $0x11  }
0xbd: {  	s0 =	sor.u32 s1, s0  }
0xbe: {  	s0 =	sadd.s32 $0x8F2B, s0  }
0xbf: {  	[sflag:s0] =	ssyncadd.remote.s32 $0x1  }
0xc0: {  	_ =	sfence.sel $0xFFFF  }
0xc1: {  	[dreg:$0x0] =	wrdreg $0xFFFFFFFF;
	(pc) =	sbr.abs _section_cstart, $3  }
0xc2: {  	[dreg:$0x1] =	wrdreg $0xFFFFFFFF  }
0xc3: {  	_ =	task.clear_ibuf [dreg:s8], $0x2FFFF;
	_ =	strace $0x9FFFFFFF  }
0xc4: {  	(tm) =	ssettm $0x7FFFFFFF  }
0xc5: {  	_ =	shalt  }
tec
execute0_lowered:
.L_overlay_start_1:
0x0: {  	(tag) =	ssettag $0x1  }
0x1: {  	s4 =	rddreg [dreg:$0x0]  }
0x2: {  	s3 =	rddreg [dreg:$0x1]  }
0x3: {  	s5 =	rddreg [dreg:$0x2];
	s2 =	srdreg.scid  }
0x4: {  	s0 =	rddreg [dreg:$0x3];
	s1 =	stileid.u32  }
0x5: {  	s10 =	simm.s32 $0x4000;
	s11 =	simm.s32 $0x1;
	s12 =	simm.s32 $0x8000  }
0x6: {  	s13 =	simm.s32 $0x10000;
	s14 =	simm.s32 $0x2;
	s15 =	simm.s32 $0x3  }
0x7: {  	s16 =	simm.s32 $0x0;
	s6 =	sand.u32 $0x1, s2;
	s2 =	simm.s32 $0x0  }
0x8: {  	s7 =	sshll.u32 s1, $0x7;
	s8 =	sshll.u32 s6, $0x6;
	[smem:$0x7FF] =	sst s2  }
0x9: {  	s6 =	ssub.s32 $0x2, s6;
	s7 =	sor.u32 s8, s7;
	_ =	strace $0x80000047  }
0xa: {  	s31 =	sshrl.u32 s6, $0x1;
	s8 =	sshll.u32 s7, $0x8;
	s7 =	sshll.u32 s7, $0x5  }
0xb: {  	s9 =	ssub.s32 s6, s31;
	s8 =	sadd.s32 s8, s5;
	s3 =	sadd.s32 s3, s7  }
0xc: {  	s4 =	sadd.s32 s4, s7;
	s9 =	smax.u32 s9, $0x1;
	s5 =	sadd.s32 $0xC00, s8  }
0xd: {  	v0 =	vimm.f32 $0.0e+00;
	s6 =	sadd.s32 $0x1C00, s8;
	s7 =	sadd.s32 $0x2C00, s8;
	s8 =	sadd.s32 $0x3C00, s8  }
.LBB2_1:
0xe: {  	[tilespmem:s2], [sflag:$0x1] =	stream.linear.gather [hbm4b:s3+s2], $0x4000, $0x38;
	[tilespmem:$0x18000] =	vst v63  }
0xf: {  	s18 =	simm.s32 $0x0  }
0x10: {  	[tilespmem:s10], [sflag:$0x1] =	stream.linear.gather [hbm4b:s4+s2], $0x4000, $0x38;
	[tilespmem:$0x18000] =	vst v63  }
.LBB2_2:
0x11: {  	s17 =	sshll.u32 s18, $0xB;
	s19 =	sshll.u32 s18, $0x7  }
0x12: {  	s17 =	sand.u32 $0x4000, s17;
	s19 =	sand.u32 $0x380, s19  }
0x13: {  	s19 =	sor.u32 s19, s17;
	s17 =	simm.s32 $0x0  }
0x14: {  	s19 =	sor.u32 $0x8000, s19;
	s20 =	sand.u32 $0x3C00, s17  }
0x15: {  	s21 =	sand.u32 $0x70, s17;
	s22 =	sadd.s32 s20, s19  }
0x16: {  	s20 =	simm.s32 $0x10;
	s21 =	sadd.s32 s21, s22  }
.LBB2_3:
0x17: {  	p0 =	sne.s32 s20, $0x7F0  }
0x18: {  	[tilespmem:s21+$0x0] =	vst v0;
	s17 =	sadd.s32 $0x80, s17;
	s21 =	smov.u32 s20;
	s20 =	sadd.s32 $0x10, s20  }
.Ltmp0:
0x19: {  	(pc) =	sbr.rel @p0 .LBB2_3-.Ltmp0, $4  }
0x1a: {  	_ = 	snop  }
0x1b: {  	s22 =	sand.u32 $0x3C00, s17  }
0x1c: {  	s21 =	sand.u32 $0x70, s21;
	s22 =	sadd.s32 s22, s19  }
0x1d: {  	s21 =	sadd.s32 s21, s22  }
0x1e: {  	s18 =	sadd.s32 $0x1, s18  }
0x1f: {  	p0 =	sne.s32 s18, $0x10  }
.Ltmp1:
0x20: {  	_ = 	snop;
	(pc) =	sbr.rel @p0 .LBB2_2-.Ltmp1, $2  }
0x21: {  	_ =	sdelay $0x2  }
0x22: {  	[tilespmem:s21+$0x0] =	vst v0;
	s17 =	simm.s32 $0x0  }
0x23: {  	s18 =	simm.s32 $0x0  }
.LBB2_6:
0x24: {  	s19 =	sshll.u32 s18, $0xB;
	s20 =	sshll.u32 s18, $0x7  }
0x25: {  	s19 =	sand.u32 $0x4000, s19;
	s20 =	sand.u32 $0x380, s20  }
0x26: {  	s19 =	sor.u32 s20, s19  }
0x27: {  	s31 =	sand.u32 $0x3C00, s17;
	s19 =	sor.u32 $0x10000, s19  }
0x28: {  	s21 =	sand.u32 $0x70, s17;
	s22 =	sadd.s32 s31, s19  }
0x29: {  	s20 =	simm.s32 $0x10;
	s22 =	sadd.s32 s21, s22;
	s21 =	simm.s32 $0x0  }
.LBB2_7:
0x2a: {  	p0 =	sne.s32 s20, $0x7F0  }
0x2b: {  	[tilespmem:s22+$0x0] =	vst v0;
	s21 =	sadd.s32 $0x80, s21;
	s22 =	smov.u32 s20;
	s20 =	sadd.s32 $0x10, s20  }
.Ltmp2:
0x2c: {  	(pc) =	sbr.rel @p0 .LBB2_7-.Ltmp2, $4  }
0x2d: {  	_ = 	snop  }
0x2e: {  	s23 =	sand.u32 $0x3C00, s21  }
0x2f: {  	s22 =	sand.u32 $0x70, s22;
	s23 =	sadd.s32 s23, s19  }
0x30: {  	s22 =	sadd.s32 s22, s23  }
0x31: {  	s18 =	sadd.s32 $0x1, s18  }
0x32: {  	p0 =	sne.s32 s18, $0x10  }
.Ltmp3:
0x33: {  	_ = 	snop;
	(pc) =	sbr.rel @p0 .LBB2_6-.Ltmp3, $2  }
0x34: {  	_ =	sdelay $0x2  }
0x35: {  	[tilespmem:s22+$0x0] =	vst v0  }
0x36: {  	_ =	swait.ge [sflag:s11], $0x4000  }
0x37: {  	[sflag:s11] =	ssyncset.done $0x0  }
0x38: {  	[sflag:s11] =	ssyncadd.s32 $0xFFFFC000  }
0x39: {  	_ =	swait.ge [sflag:s11], $0x4000  }
0x3a: {  	s17 =	simm.s32 $0x0;
	[sflag:s11] =	ssyncset.done $0x0  }
0x3b: {  	s18 =	simm.s32 $0x0;
	s19 =	simm.s32 $0x0;
	[sflag:s11] =	ssyncadd.s32 $0xFFFFC000  }
.LBB2_10:
0x3c: {  	s20 =	sand.u32 $0x800, s17;
	s21 =	sand.u32 $0x380, s18  }
0x3d: {  	s20 =	sor.u32 s21, s20  }
0x3e: {  	v2 =	vld [tilespmem:s20+$0x0];
	_ =	sdelay $0x3  }
0x3f: {  	v3 =	vmov s19  }
0x40: {  	v1 =	vshll.u32 v3, $0xB;
	v4 =	vshll.u32 v2, $0x3  }
0x41: {  	v1 =	vand.u32 $0x4000, v1;
	v4 =	vand.u32 $0xFFFFFC00, v4  }
0x42: {  	v5 =	vand.u32 $0x7F, v2;
	v2 =	vshll.u32 v3, $0x7;
	v4 =	vadd.s32 v1, v4  }
0x43: {  	v2 =	vand.u32 $0x380, v2;
	v3 =	vor.u32 v5, v4  }
0x44: {  	v34 =	vld [tilespmem:s20+$0x4000];
	v3 =	vor.u32 v2, v3;
	_ =	sdelay $0x4  }
0x45: {  	[tilespmem:v3+s12+$0x0] =	vst.idx.add.f32.msk $0xffff, v34  }
0x46: {  	v3 =	vld [tilespmem:s20+$0x10];
	_ =	sdelay $0x4  }
0x47: {  	v35 =	vshll.u32 v3, $0x3  }
0x48: {  	v4 =	vand.u32 $0xFFFFFC00, v35  }
0x49: {  	v3 =	vand.u32 $0x7F, v3;
	v4 =	vadd.s32 v1, v4  }
0x4a: {  	v3 =	vor.u32 v3, v4  }
0x4b: {  	v36 =	vld [tilespmem:s20+$0x4010];
	v3 =	vor.u32 v2, v3;
	_ =	sdelay $0x4  }
0x4c: {  	[tilespmem:v3+s12+$0x0] =	vst.idx.add.f32.msk $0xffff, v36  }
0x4d: {  	v3 =	vld [tilespmem:s20+$0x20];
	_ =	sdelay $0x4  }
0x4e: {  	v37 =	vshll.u32 v3, $0x3  }
0x4f: {  	v4 =	vand.u32 $0xFFFFFC00, v37  }
0x50: {  	v3 =	vand.u32 $0x7F, v3;
	v4 =	vadd.s32 v1, v4  }
0x51: {  	v3 =	vor.u32 v3, v4  }
0x52: {  	v38 =	vld [tilespmem:s20+$0x4020];
	v3 =	vor.u32 v2, v3;
	_ =	sdelay $0x4  }
0x53: {  	[tilespmem:v3+s12+$0x0] =	vst.idx.add.f32.msk $0xffff, v38  }
0x54: {  	v3 =	vld [tilespmem:s20+$0x30];
	_ =	sdelay $0x4  }
0x55: {  	v39 =	vshll.u32 v3, $0x3  }
0x56: {  	v4 =	vand.u32 $0xFFFFFC00, v39  }
0x57: {  	v3 =	vand.u32 $0x7F, v3;
	v4 =	vadd.s32 v1, v4  }
0x58: {  	v3 =	vor.u32 v3, v4  }
0x59: {  	v40 =	vld [tilespmem:s20+$0x4030];
	v3 =	vor.u32 v2, v3;
	_ =	sdelay $0x4  }
0x5a: {  	[tilespmem:v3+s12+$0x0] =	vst.idx.add.f32.msk $0xffff, v40  }
0x5b: {  	v3 =	vld [tilespmem:s20+$0x40];
	_ =	sdelay $0x4  }
0x5c: {  	v41 =	vshll.u32 v3, $0x3  }
0x5d: {  	v4 =	vand.u32 $0xFFFFFC00, v41  }
0x5e: {  	v3 =	vand.u32 $0x7F, v3;
	v4 =	vadd.s32 v1, v4  }
0x5f: {  	v3 =	vor.u32 v3, v4  }
0x60: {  	v42 =	vld [tilespmem:s20+$0x4040];
	v3 =	vor.u32 v2, v3;
	_ =	sdelay $0x4  }
0x61: {  	[tilespmem:v3+s12+$0x0] =	vst.idx.add.f32.msk $0xffff, v42  }
0x62: {  	v3 =	vld [tilespmem:s20+$0x50];
	_ =	sdelay $0x4  }
0x63: {  	v43 =	vshll.u32 v3, $0x3  }
0x64: {  	v4 =	vand.u32 $0xFFFFFC00, v43  }
0x65: {  	v3 =	vand.u32 $0x7F, v3;
	v4 =	vadd.s32 v1, v4  }
0x66: {  	v3 =	vor.u32 v3, v4  }
0x67: {  	v44 =	vld [tilespmem:s20+$0x4050];
	v3 =	vor.u32 v2, v3;
	_ =	sdelay $0x4  }
0x68: {  	[tilespmem:v3+s12+$0x0] =	vst.idx.add.f32.msk $0xffff, v44  }
0x69: {  	v3 =	vld [tilespmem:s20+$0x60];
	_ =	sdelay $0x4  }
0x6a: {  	v45 =	vshll.u32 v3, $0x3  }
0x6b: {  	v4 =	vand.u32 $0xFFFFFC00, v45  }
0x6c: {  	v3 =	vand.u32 $0x7F, v3;
	v4 =	vadd.s32 v1, v4  }
0x6d: {  	v3 =	vor.u32 v3, v4  }
0x6e: {  	v46 =	vld [tilespmem:s20+$0x4060];
	v3 =	vor.u32 v2, v3;
	_ =	sdelay $0x4  }
0x6f: {  	[tilespmem:v3+s12+$0x0] =	vst.idx.add.f32.msk $0xffff, v46  }
0x70: {  	v3 =	vld [tilespmem:s20+$0x70];
	_ =	sdelay $0x4  }
0x71: {  	v47 =	vshll.u32 v3, $0x3  }
0x72: {  	v4 =	vand.u32 $0xFFFFFC00, v47  }
0x73: {  	v3 =	vand.u32 $0x7F, v3;
	v4 =	vadd.s32 v1, v4  }
0x74: {  	v3 =	vor.u32 v3, v4  }
0x75: {  	v48 =	vld [tilespmem:s20+$0x4070];
	v3 =	vor.u32 v2, v3;
	_ =	sdelay $0x4  }
0x76: {  	[tilespmem:v3+s12+$0x0] =	vst.idx.add.f32.msk $0xffff, v48  }
0x77: {  	v3 =	vld [tilespmem:s20+$0x400];
	_ =	sdelay $0x4  }
0x78: {  	v49 =	vshll.u32 v3, $0x3  }
0x79: {  	v4 =	vand.u32 $0xFFFFFC00, v49  }
0x7a: {  	v3 =	vand.u32 $0x7F, v3;
	v4 =	vadd.s32 v1, v4  }
0x7b: {  	v3 =	vor.u32 v3, v4  }
0x7c: {  	v50 =	vld [tilespmem:s20+$0x4400];
	v3 =	vor.u32 v2, v3;
	_ =	sdelay $0x4  }
0x7d: {  	[tilespmem:v3+s12+$0x0] =	vst.idx.add.f32.msk $0xffff, v50  }
0x7e: {  	v3 =	vld [tilespmem:s20+$0x410];
	_ =	sdelay $0x4  }
0x7f: {  	v51 =	vshll.u32 v3, $0x3  }
0x80: {  	v4 =	vand.u32 $0xFFFFFC00, v51  }
0x81: {  	v3 =	vand.u32 $0x7F, v3;
	v4 =	vadd.s32 v1, v4  }
0x82: {  	v3 =	vor.u32 v3, v4  }
0x83: {  	v52 =	vld [tilespmem:s20+$0x4410];
	v3 =	vor.u32 v2, v3;
	_ =	sdelay $0x4  }
0x84: {  	[tilespmem:v3+s12+$0x0] =	vst.idx.add.f32.msk $0xffff, v52  }
0x85: {  	v3 =	vld [tilespmem:s20+$0x420];
	_ =	sdelay $0x4  }
0x86: {  	v53 =	vshll.u32 v3, $0x3  }
0x87: {  	v4 =	vand.u32 $0xFFFFFC00, v53  }
0x88: {  	v3 =	vand.u32 $0x7F, v3;
	v4 =	vadd.s32 v1, v4  }
0x89: {  	v3 =	vor.u32 v3, v4  }
0x8a: {  	v54 =	vld [tilespmem:s20+$0x4420];
	v3 =	vor.u32 v2, v3;
	_ =	sdelay $0x4  }
0x8b: {  	[tilespmem:v3+s12+$0x0] =	vst.idx.add.f32.msk $0xffff, v54  }
0x8c: {  	v3 =	vld [tilespmem:s20+$0x430];
	_ =	sdelay $0x4  }
0x8d: {  	v55 =	vshll.u32 v3, $0x3  }
0x8e: {  	v4 =	vand.u32 $0xFFFFFC00, v55  }
0x8f: {  	v3 =	vand.u32 $0x7F, v3;
	v4 =	vadd.s32 v1, v4  }
0x90: {  	v3 =	vor.u32 v3, v4  }
0x91: {  	v56 =	vld [tilespmem:s20+$0x4430];
	v3 =	vor.u32 v2, v3;
	_ =	sdelay $0x4  }
0x92: {  	[tilespmem:v3+s12+$0x0] =	vst.idx.add.f32.msk $0xffff, v56  }
0x93: {  	v3 =	vld [tilespmem:s20+$0x440];
	_ =	sdelay $0x4  }
0x94: {  	v57 =	vshll.u32 v3, $0x3  }
0x95: {  	v4 =	vand.u32 $0xFFFFFC00, v57  }
0x96: {  	v3 =	vand.u32 $0x7F, v3;
	v4 =	vadd.s32 v1, v4  }
0x97: {  	v3 =	vor.u32 v3, v4  }
0x98: {  	v58 =	vld [tilespmem:s20+$0x4440];
	v3 =	vor.u32 v2, v3;
	_ =	sdelay $0x4  }
0x99: {  	[tilespmem:v3+s12+$0x0] =	vst.idx.add.f32.msk $0xffff, v58  }
0x9a: {  	v3 =	vld [tilespmem:s20+$0x450];
	_ =	sdelay $0x4  }
0x9b: {  	v59 =	vshll.u32 v3, $0x3  }
0x9c: {  	v4 =	vand.u32 $0xFFFFFC00, v59  }
0x9d: {  	v3 =	vand.u32 $0x7F, v3;
	v4 =	vadd.s32 v1, v4  }
0x9e: {  	v3 =	vor.u32 v3, v4  }
0x9f: {  	v60 =	vld [tilespmem:s20+$0x4450];
	v3 =	vor.u32 v2, v3;
	_ =	sdelay $0x4  }
0xa0: {  	[tilespmem:v3+s12+$0x0] =	vst.idx.add.f32.msk $0xffff, v60  }
0xa1: {  	v3 =	vld [tilespmem:s20+$0x460];
	_ =	sdelay $0x4  }
0xa2: {  	v61 =	vshll.u32 v3, $0x3  }
0xa3: {  	v4 =	vand.u32 $0xFFFFFC00, v61  }
0xa4: {  	v3 =	vand.u32 $0x7F, v3;
	v4 =	vadd.s32 v1, v4  }
0xa5: {  	v3 =	vor.u32 v3, v4  }
0xa6: {  	v62 =	vld [tilespmem:s20+$0x4460];
	v3 =	vor.u32 v2, v3;
	_ =	sdelay $0x4  }
0xa7: {  	[tilespmem:v3+s12+$0x0] =	vst.idx.add.f32.msk $0xffff, v62  }
0xa8: {  	v3 =	vld [tilespmem:s20+$0x470];
	_ =	sdelay $0x4  }
0xa9: {  	v63 =	vshll.u32 v3, $0x3  }
0xaa: {  	v4 =	vand.u32 $0xFFFFFC00, v63  }
0xab: {  	v3 =	vand.u32 $0x7F, v3;
	v1 =	vadd.s32 v1, v4  }
0xac: {  	v1 =	vor.u32 v3, v1  }
0xad: {  	p0 =	sne.s32 s19, $0xF;
	v3 =	vld [tilespmem:s20+$0x4470];
	v1 =	vor.u32 v2, v1  }
.Ltmp4:
0xae: {  	_ = 	snop;
	(pc) =	sbr.rel @p0 .LBB2_10-.Ltmp4, $2  }
0xaf: {  	_ =	sdelay $0x2  }
0xb0: {  	s18 =	sadd.s32 $0x80, s18;
	s17 =	sadd.s32 $0x100, s17;
	s19 =	sadd.s32 $0x1, s19;
	[tilespmem:v1+s12+$0x0] =	vst.idx.add.f32.msk $0xffff, v3  }
0xb1: {  	s17 =	simm.s32 $0x0;
	s18 =	simm.s32 $0x0;
	s19 =	simm.s32 $0x0  }
0xb2: {  	[hbm4b:s5+s17] =	stream.linear.scatter [tilespmem:s12], [sflag:$0x2], $0x8000, $0x38;
	[tilespmem:$0x18000] =	vst v63  }
.LBB2_12:
0xb3: {  	s20 =	sand.u32 $0x800, s17;
	s21 =	sand.u32 $0x380, s18  }
0xb4: {  	s20 =	sor.u32 s21, s20  }
0xb5: {  	v2 =	vld [tilespmem:s20+$0x1000];
	_ =	sdelay $0x3  }
0xb6: {  	v3 =	vmov s19  }
0xb7: {  	v1 =	vshll.u32 v3, $0xB;
	v4 =	vshll.u32 v2, $0x3  }
0xb8: {  	v1 =	vand.u32 $0x4000, v1;
	v4 =	vand.u32 $0xFFFFFC00, v4  }
0xb9: {  	v5 =	vand.u32 $0x7F, v2;
	v2 =	vshll.u32 v3, $0x7;
	v4 =	vadd.s32 v1, v4  }
0xba: {  	v2 =	vand.u32 $0x380, v2;
	v3 =	vor.u32 v5, v4  }
0xbb: {  	v34 =	vld [tilespmem:s20+$0x5000];
	v3 =	vor.u32 v2, v3;
	_ =	sdelay $0x4  }
0xbc: {  	[tilespmem:v3+s13+$0x0] =	vst.idx.add.f32.msk $0xffff, v34  }
0xbd: {  	v3 =	vld [tilespmem:s20+$0x1010];
	_ =	sdelay $0x4  }
0xbe: {  	v35 =	vshll.u32 v3, $0x3  }
0xbf: {  	v4 =	vand.u32 $0xFFFFFC00, v35  }
0xc0: {  	v3 =	vand.u32 $0x7F, v3;
	v4 =	vadd.s32 v1, v4  }
0xc1: {  	v3 =	vor.u32 v3, v4  }
0xc2: {  	v36 =	vld [tilespmem:s20+$0x5010];
	v3 =	vor.u32 v2, v3;
	_ =	sdelay $0x4  }
0xc3: {  	[tilespmem:v3+s13+$0x0] =	vst.idx.add.f32.msk $0xffff, v36  }
0xc4: {  	v3 =	vld [tilespmem:s20+$0x1020];
	_ =	sdelay $0x4  }
0xc5: {  	v37 =	vshll.u32 v3, $0x3  }
0xc6: {  	v4 =	vand.u32 $0xFFFFFC00, v37  }
0xc7: {  	v3 =	vand.u32 $0x7F, v3;
	v4 =	vadd.s32 v1, v4  }
0xc8: {  	v3 =	vor.u32 v3, v4  }
0xc9: {  	v38 =	vld [tilespmem:s20+$0x5020];
	v3 =	vor.u32 v2, v3;
	_ =	sdelay $0x4  }
0xca: {  	[tilespmem:v3+s13+$0x0] =	vst.idx.add.f32.msk $0xffff, v38  }
0xcb: {  	v3 =	vld [tilespmem:s20+$0x1030];
	_ =	sdelay $0x4  }
0xcc: {  	v39 =	vshll.u32 v3, $0x3  }
0xcd: {  	v4 =	vand.u32 $0xFFFFFC00, v39  }
0xce: {  	v3 =	vand.u32 $0x7F, v3;
	v4 =	vadd.s32 v1, v4  }
0xcf: {  	v3 =	vor.u32 v3, v4  }
0xd0: {  	v40 =	vld [tilespmem:s20+$0x5030];
	v3 =	vor.u32 v2, v3;
	_ =	sdelay $0x4  }
0xd1: {  	[tilespmem:v3+s13+$0x0] =	vst.idx.add.f32.msk $0xffff, v40  }
0xd2: {  	v3 =	vld [tilespmem:s20+$0x1040];
	_ =	sdelay $0x4  }
0xd3: {  	v41 =	vshll.u32 v3, $0x3  }
0xd4: {  	v4 =	vand.u32 $0xFFFFFC00, v41  }
0xd5: {  	v3 =	vand.u32 $0x7F, v3;
	v4 =	vadd.s32 v1, v4  }
0xd6: {  	v3 =	vor.u32 v3, v4  }
0xd7: {  	v42 =	vld [tilespmem:s20+$0x5040];
	v3 =	vor.u32 v2, v3;
	_ =	sdelay $0x4  }
0xd8: {  	[tilespmem:v3+s13+$0x0] =	vst.idx.add.f32.msk $0xffff, v42  }
0xd9: {  	v3 =	vld [tilespmem:s20+$0x1050];
	_ =	sdelay $0x4  }
0xda: {  	v43 =	vshll.u32 v3, $0x3  }
0xdb: {  	v4 =	vand.u32 $0xFFFFFC00, v43  }
0xdc: {  	v3 =	vand.u32 $0x7F, v3;
	v4 =	vadd.s32 v1, v4  }
0xdd: {  	v3 =	vor.u32 v3, v4  }
0xde: {  	v44 =	vld [tilespmem:s20+$0x5050];
	v3 =	vor.u32 v2, v3;
	_ =	sdelay $0x4  }
0xdf: {  	[tilespmem:v3+s13+$0x0] =	vst.idx.add.f32.msk $0xffff, v44  }
0xe0: {  	v3 =	vld [tilespmem:s20+$0x1060];
	_ =	sdelay $0x4  }
0xe1: {  	v45 =	vshll.u32 v3, $0x3  }
0xe2: {  	v4 =	vand.u32 $0xFFFFFC00, v45  }
0xe3: {  	v3 =	vand.u32 $0x7F, v3;
	v4 =	vadd.s32 v1, v4  }
0xe4: {  	v3 =	vor.u32 v3, v4  }
0xe5: {  	v46 =	vld [tilespmem:s20+$0x5060];
	v3 =	vor.u32 v2, v3;
	_ =	sdelay $0x4  }
0xe6: {  	[tilespmem:v3+s13+$0x0] =	vst.idx.add.f32.msk $0xffff, v46  }
0xe7: {  	v3 =	vld [tilespmem:s20+$0x1070];
	_ =	sdelay $0x4  }
0xe8: {  	v47 =	vshll.u32 v3, $0x3  }
0xe9: {  	v4 =	vand.u32 $0xFFFFFC00, v47  }
0xea: {  	v3 =	vand.u32 $0x7F, v3;
	v4 =	vadd.s32 v1, v4  }
0xeb: {  	v3 =	vor.u32 v3, v4  }
0xec: {  	v48 =	vld [tilespmem:s20+$0x5070];
	v3 =	vor.u32 v2, v3;
	_ =	sdelay $0x2  }
0xed: {  	s23 =	sand.u32 $0xFFFFF800, s17  }
0xee: {  	s20 =	sadd.s32 s23, s18  }
0xef: {  	s24 =	sor.u32 $0x1400, s20;
	[tilespmem:v3+s13+$0x0] =	vst.idx.add.f32.msk $0xffff, v48  }
0xf0: {  	v3 =	vld [tilespmem:s24+$0x0];
	_ =	sdelay $0x4  }
0xf1: {  	v49 =	vshll.u32 v3, $0x3  }
0xf2: {  	v4 =	vand.u32 $0xFFFFFC00, v49  }
0xf3: {  	v3 =	vand.u32 $0x7F, v3;
	v4 =	vadd.s32 v1, v4  }
0xf4: {  	v3 =	vor.u32 v3, v4  }
0xf5: {  	v50 =	vld [tilespmem:s24+$0x4000];
	v3 =	vor.u32 v2, v3;
	_ =	sdelay $0x4  }
0xf6: {  	s25 =	sor.u32 $0x1410, s20;
	[tilespmem:v3+s13+$0x0] =	vst.idx.add.f32.msk $0xffff, v50  }
0xf7: {  	v3 =	vld [tilespmem:s25+$0x0];
	_ =	sdelay $0x4  }
0xf8: {  	v51 =	vshll.u32 v3, $0x3  }
0xf9: {  	v4 =	vand.u32 $0xFFFFFC00, v51  }
0xfa: {  	v3 =	vand.u32 $0x7F, v3;
	v4 =	vadd.s32 v1, v4  }
0xfb: {  	v3 =	vor.u32 v3, v4  }
0xfc: {  	v52 =	vld [tilespmem:s25+$0x4000];
	v3 =	vor.u32 v2, v3;
	_ =	sdelay $0x4  }
0xfd: {  	s26 =	sor.u32 $0x1420, s20;
	[tilespmem:v3+s13+$0x0] =	vst.idx.add.f32.msk $0xffff, v52  }
0xfe: {  	v3 =	vld [tilespmem:s26+$0x0];
	_ =	sdelay $0x4  }
0xff: {  	v53 =	vshll.u32 v3, $0x3  }
0x100: {  	v4 =	vand.u32 $0xFFFFFC00, v53  }
0x101: {  	v3 =	vand.u32 $0x7F, v3;
	v4 =	vadd.s32 v1, v4  }
0x102: {  	v3 =	vor.u32 v3, v4  }
0x103: {  	v54 =	vld [tilespmem:s26+$0x4000];
	v3 =	vor.u32 v2, v3;
	_ =	sdelay $0x4  }
0x104: {  	s28 =	sor.u32 $0x1430, s20;
	[tilespmem:v3+s13+$0x0] =	vst.idx.add.f32.msk $0xffff, v54  }
0x105: {  	v3 =	vld [tilespmem:s28+$0x0];
	_ =	sdelay $0x4  }
0x106: {  	v55 =	vshll.u32 v3, $0x3  }
0x107: {  	v4 =	vand.u32 $0xFFFFFC00, v55  }
0x108: {  	v3 =	vand.u32 $0x7F, v3;
	v4 =	vadd.s32 v1, v4  }
0x109: {  	v3 =	vor.u32 v3, v4  }
0x10a: {  	v56 =	vld [tilespmem:s28+$0x4000];
	v3 =	vor.u32 v2, v3;
	_ =	sdelay $0x4  }
0x10b: {  	s29 =	sor.u32 $0x1440, s20;
	[tilespmem:v3+s13+$0x0] =	vst.idx.add.f32.msk $0xffff, v56  }
0x10c: {  	v3 =	vld [tilespmem:s29+$0x0];
	_ =	sdelay $0x4  }
0x10d: {  	v57 =	vshll.u32 v3, $0x3  }
0x10e: {  	v4 =	vand.u32 $0xFFFFFC00, v57  }
0x10f: {  	v3 =	vand.u32 $0x7F, v3;
	v4 =	vadd.s32 v1, v4  }
0x110: {  	v3 =	vor.u32 v3, v4  }
0x111: {  	v58 =	vld [tilespmem:s29+$0x4000];
	v3 =	vor.u32 v2, v3;
	_ =	sdelay $0x4  }
0x112: {  	s30 =	sor.u32 $0x1450, s20;
	[tilespmem:v3+s13+$0x0] =	vst.idx.add.f32.msk $0xffff, v58  }
0x113: {  	v3 =	vld [tilespmem:s30+$0x0];
	_ =	sdelay $0x4  }
0x114: {  	v59 =	vshll.u32 v3, $0x3  }
0x115: {  	v4 =	vand.u32 $0xFFFFFC00, v59  }
0x116: {  	v3 =	vand.u32 $0x7F, v3;
	v4 =	vadd.s32 v1, v4  }
0x117: {  	v3 =	vor.u32 v3, v4  }
0x118: {  	v60 =	vld [tilespmem:s30+$0x4000];
	v3 =	vor.u32 v2, v3;
	_ =	sdelay $0x4  }
0x119: {  	s31 =	sor.u32 $0x1460, s20;
	[tilespmem:v3+s13+$0x0] =	vst.idx.add.f32.msk $0xffff, v60  }
0x11a: {  	v3 =	vld [tilespmem:s31+$0x0];
	_ =	sdelay $0x4  }
0x11b: {  	v61 =	vshll.u32 v3, $0x3  }
0x11c: {  	v4 =	vand.u32 $0xFFFFFC00, v61  }
0x11d: {  	v3 =	vand.u32 $0x7F, v3;
	v4 =	vadd.s32 v1, v4  }
0x11e: {  	v3 =	vor.u32 v3, v4  }
0x11f: {  	v62 =	vld [tilespmem:s31+$0x4000];
	v3 =	vor.u32 v2, v3;
	_ =	sdelay $0x4  }
0x120: {  	s20 =	sor.u32 $0x1470, s20;
	[tilespmem:v3+s13+$0x0] =	vst.idx.add.f32.msk $0xffff, v62  }
0x121: {  	v3 =	vld [tilespmem:s20+$0x0];
	_ =	sdelay $0x4  }
0x122: {  	v63 =	vshll.u32 v3, $0x3  }
0x123: {  	v4 =	vand.u32 $0xFFFFFC00, v63  }
0x124: {  	v3 =	vand.u32 $0x7F, v3;
	v1 =	vadd.s32 v1, v4  }
0x125: {  	v1 =	vor.u32 v3, v1  }
0x126: {  	p0 =	sne.s32 s19, $0xF;
	v3 =	vld [tilespmem:s20+$0x4000];
	v1 =	vor.u32 v2, v1  }
.Ltmp5:
0x127: {  	_ = 	snop;
	(pc) =	sbr.rel @p0 .LBB2_12-.Ltmp5, $2  }
0x128: {  	_ =	sdelay $0x2  }
0x129: {  	s17 =	sadd.s32 $0x100, s17;
	s19 =	sadd.s32 $0x1, s19;
	s18 =	sadd.s32 $0x80, s18;
	[tilespmem:v1+s13+$0x0] =	vst.idx.add.f32.msk $0xffff, v3  }
0x12a: {  	s17 =	simm.s32 $0x0  }
0x12b: {  	[hbm4b:s6+s17] =	stream.linear.scatter [tilespmem:s13], [sflag:$0x3], $0x8000, $0x38;
	[tilespmem:$0x18000] =	vst v63  }
0x12c: {  	_ =	swait.ge [sflag:s14], $0x8000  }
0x12d: {  	s18 =	simm.s32 $0x0;
	[sflag:s14] =	ssyncset.done $0x0  }
0x12e: {  	s19 =	simm.s32 $0x0;
	s20 =	simm.s32 $0x0;
	[sflag:s14] =	ssyncadd.s32 $0xFFFF8000  }
.LBB2_14:
0x12f: {  	s21 =	sand.u32 $0x800, s18;
	s22 =	sand.u32 $0x380, s19  }
0x130: {  	s21 =	sor.u32 s22, s21  }
0x131: {  	v1 =	vld [tilespmem:s21+$0x0];
	_ =	sdelay $0x3  }
0x132: {  	v2 =	vmov s20  }
0x133: {  	v3 =	vshll.u32 v2, $0xB;
	v4 =	vshll.u32 v1, $0x3  }
0x134: {  	v3 =	vand.u32 $0x4000, v3;
	v4 =	vand.u32 $0xFFFFFC00, v4  }
0x135: {  	v2 =	vshll.u32 v2, $0x7;
	v1 =	vand.u32 $0x7F, v1;
	v4 =	vadd.s32 v3, v4  }
0x136: {  	v2 =	vand.u32 $0x380, v2;
	v1 =	vor.u32 v1, v4  }
0x137: {  	v1 =	vor.u32 v2, v1;
	_ =	sdelay $0x4  }
0x138: {  	[tilespmem:v1+s12+$0x0] =	vst.idx.msk $0xffff, v0  }
0x139: {  	v1 =	vld [tilespmem:s21+$0x10];
	_ =	sdelay $0x4  }
0x13a: {  	v49 =	vshll.u32 v1, $0x3  }
0x13b: {  	v4 =	vand.u32 $0xFFFFFC00, v49  }
0x13c: {  	v1 =	vand.u32 $0x7F, v1;
	v4 =	vadd.s32 v3, v4  }
0x13d: {  	v1 =	vor.u32 v1, v4  }
0x13e: {  	v1 =	vor.u32 v2, v1;
	_ =	sdelay $0x4  }
0x13f: {  	[tilespmem:v1+s12+$0x0] =	vst.idx.msk $0xffff, v0  }
0x140: {  	v1 =	vld [tilespmem:s21+$0x20];
	_ =	sdelay $0x4  }
0x141: {  	v50 =	vshll.u32 v1, $0x3  }
0x142: {  	v4 =	vand.u32 $0xFFFFFC00, v50  }
0x143: {  	v1 =	vand.u32 $0x7F, v1;
	v4 =	vadd.s32 v3, v4  }
0x144: {  	v1 =	vor.u32 v1, v4  }
0x145: {  	v1 =	vor.u32 v2, v1;
	_ =	sdelay $0x4  }
0x146: {  	[tilespmem:v1+s12+$0x0] =	vst.idx.msk $0xffff, v0  }
0x147: {  	v1 =	vld [tilespmem:s21+$0x30];
	_ =	sdelay $0x4  }
0x148: {  	v51 =	vshll.u32 v1, $0x3  }
0x149: {  	v4 =	vand.u32 $0xFFFFFC00, v51  }
0x14a: {  	v1 =	vand.u32 $0x7F, v1;
	v4 =	vadd.s32 v3, v4  }
0x14b: {  	v1 =	vor.u32 v1, v4  }
0x14c: {  	v1 =	vor.u32 v2, v1;
	_ =	sdelay $0x4  }
0x14d: {  	[tilespmem:v1+s12+$0x0] =	vst.idx.msk $0xffff, v0  }
0x14e: {  	v1 =	vld [tilespmem:s21+$0x40];
	_ =	sdelay $0x4  }
0x14f: {  	v52 =	vshll.u32 v1, $0x3  }
0x150: {  	v4 =	vand.u32 $0xFFFFFC00, v52  }
0x151: {  	v1 =	vand.u32 $0x7F, v1;
	v4 =	vadd.s32 v3, v4  }
0x152: {  	v1 =	vor.u32 v1, v4  }
0x153: {  	v1 =	vor.u32 v2, v1;
	_ =	sdelay $0x4  }
0x154: {  	[tilespmem:v1+s12+$0x0] =	vst.idx.msk $0xffff, v0  }
0x155: {  	v1 =	vld [tilespmem:s21+$0x50];
	_ =	sdelay $0x4  }
0x156: {  	v53 =	vshll.u32 v1, $0x3  }
0x157: {  	v4 =	vand.u32 $0xFFFFFC00, v53  }
0x158: {  	v1 =	vand.u32 $0x7F, v1;
	v4 =	vadd.s32 v3, v4  }
0x159: {  	v1 =	vor.u32 v1, v4  }
0x15a: {  	v1 =	vor.u32 v2, v1;
	_ =	sdelay $0x4  }
0x15b: {  	[tilespmem:v1+s12+$0x0] =	vst.idx.msk $0xffff, v0  }
0x15c: {  	v1 =	vld [tilespmem:s21+$0x60];
	_ =	sdelay $0x4  }
0x15d: {  	v54 =	vshll.u32 v1, $0x3  }
0x15e: {  	v4 =	vand.u32 $0xFFFFFC00, v54  }
0x15f: {  	v1 =	vand.u32 $0x7F, v1;
	v4 =	vadd.s32 v3, v4  }
0x160: {  	v1 =	vor.u32 v1, v4  }
0x161: {  	v1 =	vor.u32 v2, v1;
	_ =	sdelay $0x4  }
0x162: {  	[tilespmem:v1+s12+$0x0] =	vst.idx.msk $0xffff, v0  }
0x163: {  	v1 =	vld [tilespmem:s21+$0x70];
	_ =	sdelay $0x4  }
0x164: {  	v55 =	vshll.u32 v1, $0x3  }
0x165: {  	v4 =	vand.u32 $0xFFFFFC00, v55  }
0x166: {  	v1 =	vand.u32 $0x7F, v1;
	v4 =	vadd.s32 v3, v4  }
0x167: {  	v1 =	vor.u32 v1, v4  }
0x168: {  	v1 =	vor.u32 v2, v1;
	_ =	sdelay $0x4  }
0x169: {  	[tilespmem:v1+s12+$0x0] =	vst.idx.msk $0xffff, v0  }
0x16a: {  	v1 =	vld [tilespmem:s21+$0x400];
	_ =	sdelay $0x4  }
0x16b: {  	v56 =	vshll.u32 v1, $0x3  }
0x16c: {  	v4 =	vand.u32 $0xFFFFFC00, v56  }
0x16d: {  	v1 =	vand.u32 $0x7F, v1;
	v4 =	vadd.s32 v3, v4  }
0x16e: {  	v1 =	vor.u32 v1, v4  }
0x16f: {  	v1 =	vor.u32 v2, v1;
	_ =	sdelay $0x4  }
0x170: {  	[tilespmem:v1+s12+$0x0] =	vst.idx.msk $0xffff, v0  }
0x171: {  	v1 =	vld [tilespmem:s21+$0x410];
	_ =	sdelay $0x4  }
0x172: {  	v57 =	vshll.u32 v1, $0x3  }
0x173: {  	v4 =	vand.u32 $0xFFFFFC00, v57  }
0x174: {  	v1 =	vand.u32 $0x7F, v1;
	v4 =	vadd.s32 v3, v4  }
0x175: {  	v1 =	vor.u32 v1, v4  }
0x176: {  	v1 =	vor.u32 v2, v1;
	_ =	sdelay $0x4  }
0x177: {  	[tilespmem:v1+s12+$0x0] =	vst.idx.msk $0xffff, v0  }
0x178: {  	v1 =	vld [tilespmem:s21+$0x420];
	_ =	sdelay $0x4  }
0x179: {  	v58 =	vshll.u32 v1, $0x3  }
0x17a: {  	v4 =	vand.u32 $0xFFFFFC00, v58  }
0x17b: {  	v1 =	vand.u32 $0x7F, v1;
	v4 =	vadd.s32 v3, v4  }
0x17c: {  	v1 =	vor.u32 v1, v4  }
0x17d: {  	v1 =	vor.u32 v2, v1;
	_ =	sdelay $0x4  }
0x17e: {  	[tilespmem:v1+s12+$0x0] =	vst.idx.msk $0xffff, v0  }
0x17f: {  	v1 =	vld [tilespmem:s21+$0x430];
	_ =	sdelay $0x4  }
0x180: {  	v59 =	vshll.u32 v1, $0x3  }
0x181: {  	v4 =	vand.u32 $0xFFFFFC00, v59  }
0x182: {  	v1 =	vand.u32 $0x7F, v1;
	v4 =	vadd.s32 v3, v4  }
0x183: {  	v1 =	vor.u32 v1, v4  }
0x184: {  	v1 =	vor.u32 v2, v1;
	_ =	sdelay $0x4  }
0x185: {  	[tilespmem:v1+s12+$0x0] =	vst.idx.msk $0xffff, v0  }
0x186: {  	v1 =	vld [tilespmem:s21+$0x440];
	_ =	sdelay $0x4  }
0x187: {  	v60 =	vshll.u32 v1, $0x3  }
0x188: {  	v4 =	vand.u32 $0xFFFFFC00, v60  }
0x189: {  	v1 =	vand.u32 $0x7F, v1;
	v4 =	vadd.s32 v3, v4  }
0x18a: {  	v1 =	vor.u32 v1, v4  }
0x18b: {  	v1 =	vor.u32 v2, v1;
	_ =	sdelay $0x4  }
0x18c: {  	[tilespmem:v1+s12+$0x0] =	vst.idx.msk $0xffff, v0  }
0x18d: {  	v1 =	vld [tilespmem:s21+$0x450];
	_ =	sdelay $0x4  }
0x18e: {  	v61 =	vshll.u32 v1, $0x3  }
0x18f: {  	v4 =	vand.u32 $0xFFFFFC00, v61  }
0x190: {  	v1 =	vand.u32 $0x7F, v1;
	v4 =	vadd.s32 v3, v4  }
0x191: {  	v1 =	vor.u32 v1, v4  }
0x192: {  	v1 =	vor.u32 v2, v1;
	_ =	sdelay $0x4  }
0x193: {  	[tilespmem:v1+s12+$0x0] =	vst.idx.msk $0xffff, v0  }
0x194: {  	v1 =	vld [tilespmem:s21+$0x460];
	_ =	sdelay $0x4  }
0x195: {  	v62 =	vshll.u32 v1, $0x3  }
0x196: {  	v4 =	vand.u32 $0xFFFFFC00, v62  }
0x197: {  	v1 =	vand.u32 $0x7F, v1;
	v4 =	vadd.s32 v3, v4  }
0x198: {  	v1 =	vor.u32 v1, v4  }
0x199: {  	v1 =	vor.u32 v2, v1;
	_ =	sdelay $0x4  }
0x19a: {  	[tilespmem:v1+s12+$0x0] =	vst.idx.msk $0xffff, v0  }
0x19b: {  	v1 =	vld [tilespmem:s21+$0x470];
	_ =	sdelay $0x4  }
0x19c: {  	v63 =	vshll.u32 v1, $0x3  }
0x19d: {  	v4 =	vand.u32 $0xFFFFFC00, v63  }
0x19e: {  	v1 =	vand.u32 $0x7F, v1;
	v3 =	vadd.s32 v3, v4  }
0x19f: {  	v1 =	vor.u32 v1, v3  }
0x1a0: {  	p0 =	sne.s32 s20, $0xF;
	v1 =	vor.u32 v2, v1  }
.Ltmp6:
0x1a1: {  	_ = 	snop;
	(pc) =	sbr.rel @p0 .LBB2_14-.Ltmp6, $2  }
0x1a2: {  	_ =	sdelay $0x2  }
0x1a3: {  	s19 =	sadd.s32 $0x80, s19;
	s18 =	sadd.s32 $0x100, s18;
	s20 =	sadd.s32 $0x1, s20;
	[tilespmem:v1+s12+$0x0] =	vst.idx.msk $0xffff, v0  }
0x1a4: {  	s18 =	simm.s32 $0x0;
	s19 =	simm.s32 $0x0  }
.LBB2_16:
0x1a5: {  	s20 =	sand.u32 $0x800, s17;
	s21 =	sand.u32 $0x380, s18  }
0x1a6: {  	s20 =	sor.u32 s21, s20  }
0x1a7: {  	v2 =	vld [tilespmem:s20+$0x2000];
	_ =	sdelay $0x3  }
0x1a8: {  	v3 =	vmov s19  }
0x1a9: {  	v1 =	vshll.u32 v3, $0xB;
	v4 =	vshll.u32 v2, $0x3  }
0x1aa: {  	v1 =	vand.u32 $0x4000, v1;
	v4 =	vand.u32 $0xFFFFFC00, v4  }
0x1ab: {  	v5 =	vand.u32 $0x7F, v2;
	v2 =	vshll.u32 v3, $0x7;
	v4 =	vadd.s32 v1, v4  }
0x1ac: {  	v2 =	vand.u32 $0x380, v2;
	v3 =	vor.u32 v5, v4  }
0x1ad: {  	v34 =	vld [tilespmem:s20+$0x6000];
	v3 =	vor.u32 v2, v3;
	_ =	sdelay $0x4  }
0x1ae: {  	[tilespmem:v3+s12+$0x0] =	vst.idx.add.f32.msk $0xffff, v34  }
0x1af: {  	v3 =	vld [tilespmem:s20+$0x2010];
	_ =	sdelay $0x4  }
0x1b0: {  	v35 =	vshll.u32 v3, $0x3  }
0x1b1: {  	v4 =	vand.u32 $0xFFFFFC00, v35  }
0x1b2: {  	v3 =	vand.u32 $0x7F, v3;
	v4 =	vadd.s32 v1, v4  }
0x1b3: {  	v3 =	vor.u32 v3, v4  }
0x1b4: {  	v36 =	vld [tilespmem:s20+$0x6010];
	v3 =	vor.u32 v2, v3;
	_ =	sdelay $0x4  }
0x1b5: {  	[tilespmem:v3+s12+$0x0] =	vst.idx.add.f32.msk $0xffff, v36  }
0x1b6: {  	v3 =	vld [tilespmem:s20+$0x2020];
	_ =	sdelay $0x4  }
0x1b7: {  	v37 =	vshll.u32 v3, $0x3  }
0x1b8: {  	v4 =	vand.u32 $0xFFFFFC00, v37  }
0x1b9: {  	v3 =	vand.u32 $0x7F, v3;
	v4 =	vadd.s32 v1, v4  }
0x1ba: {  	v3 =	vor.u32 v3, v4  }
0x1bb: {  	v38 =	vld [tilespmem:s20+$0x6020];
	v3 =	vor.u32 v2, v3;
	_ =	sdelay $0x4  }
0x1bc: {  	[tilespmem:v3+s12+$0x0] =	vst.idx.add.f32.msk $0xffff, v38  }
0x1bd: {  	v3 =	vld [tilespmem:s20+$0x2030];
	_ =	sdelay $0x4  }
0x1be: {  	v39 =	vshll.u32 v3, $0x3  }
0x1bf: {  	v4 =	vand.u32 $0xFFFFFC00, v39  }
0x1c0: {  	v3 =	vand.u32 $0x7F, v3;
	v4 =	vadd.s32 v1, v4  }
0x1c1: {  	v3 =	vor.u32 v3, v4  }
0x1c2: {  	v40 =	vld [tilespmem:s20+$0x6030];
	v3 =	vor.u32 v2, v3;
	_ =	sdelay $0x4  }
0x1c3: {  	[tilespmem:v3+s12+$0x0] =	vst.idx.add.f32.msk $0xffff, v40  }
0x1c4: {  	v3 =	vld [tilespmem:s20+$0x2040];
	_ =	sdelay $0x4  }
0x1c5: {  	v41 =	vshll.u32 v3, $0x3  }
0x1c6: {  	v4 =	vand.u32 $0xFFFFFC00, v41  }
0x1c7: {  	v3 =	vand.u32 $0x7F, v3;
	v4 =	vadd.s32 v1, v4  }
0x1c8: {  	v3 =	vor.u32 v3, v4  }
0x1c9: {  	v42 =	vld [tilespmem:s20+$0x6040];
	v3 =	vor.u32 v2, v3;
	_ =	sdelay $0x4  }
0x1ca: {  	[tilespmem:v3+s12+$0x0] =	vst.idx.add.f32.msk $0xffff, v42  }
0x1cb: {  	v3 =	vld [tilespmem:s20+$0x2050];
	_ =	sdelay $0x4  }
0x1cc: {  	v43 =	vshll.u32 v3, $0x3  }
0x1cd: {  	v4 =	vand.u32 $0xFFFFFC00, v43  }
0x1ce: {  	v3 =	vand.u32 $0x7F, v3;
	v4 =	vadd.s32 v1, v4  }
0x1cf: {  	v3 =	vor.u32 v3, v4  }
0x1d0: {  	v44 =	vld [tilespmem:s20+$0x6050];
	v3 =	vor.u32 v2, v3;
	_ =	sdelay $0x4  }
0x1d1: {  	[tilespmem:v3+s12+$0x0] =	vst.idx.add.f32.msk $0xffff, v44  }
0x1d2: {  	v3 =	vld [tilespmem:s20+$0x2060];
	_ =	sdelay $0x4  }
0x1d3: {  	v45 =	vshll.u32 v3, $0x3  }
0x1d4: {  	v4 =	vand.u32 $0xFFFFFC00, v45  }
0x1d5: {  	v3 =	vand.u32 $0x7F, v3;
	v4 =	vadd.s32 v1, v4  }
0x1d6: {  	v3 =	vor.u32 v3, v4  }
0x1d7: {  	v46 =	vld [tilespmem:s20+$0x6060];
	v3 =	vor.u32 v2, v3;
	_ =	sdelay $0x4  }
0x1d8: {  	[tilespmem:v3+s12+$0x0] =	vst.idx.add.f32.msk $0xffff, v46  }
0x1d9: {  	v3 =	vld [tilespmem:s20+$0x2070];
	_ =	sdelay $0x4  }
0x1da: {  	v47 =	vshll.u32 v3, $0x3  }
0x1db: {  	v4 =	vand.u32 $0xFFFFFC00, v47  }
0x1dc: {  	v3 =	vand.u32 $0x7F, v3;
	v4 =	vadd.s32 v1, v4  }
0x1dd: {  	v3 =	vor.u32 v3, v4  }
0x1de: {  	v48 =	vld [tilespmem:s20+$0x6070];
	v3 =	vor.u32 v2, v3;
	_ =	sdelay $0x2  }
0x1df: {  	s23 =	sand.u32 $0xFFFFF800, s17  }
0x1e0: {  	s20 =	sadd.s32 s23, s18  }
0x1e1: {  	s24 =	sor.u32 $0x2400, s20;
	[tilespmem:v3+s12+$0x0] =	vst.idx.add.f32.msk $0xffff, v48  }
0x1e2: {  	v3 =	vld [tilespmem:s24+$0x0];
	_ =	sdelay $0x4  }
0x1e3: {  	v49 =	vshll.u32 v3, $0x3  }
0x1e4: {  	v4 =	vand.u32 $0xFFFFFC00, v49  }
0x1e5: {  	v3 =	vand.u32 $0x7F, v3;
	v4 =	vadd.s32 v1, v4  }
0x1e6: {  	v3 =	vor.u32 v3, v4  }
0x1e7: {  	v50 =	vld [tilespmem:s24+$0x4000];
	v3 =	vor.u32 v2, v3;
	_ =	sdelay $0x4  }
0x1e8: {  	s25 =	sor.u32 $0x2410, s20;
	[tilespmem:v3+s12+$0x0] =	vst.idx.add.f32.msk $0xffff, v50  }
0x1e9: {  	v3 =	vld [tilespmem:s25+$0x0];
	_ =	sdelay $0x4  }
0x1ea: {  	v51 =	vshll.u32 v3, $0x3  }
0x1eb: {  	v4 =	vand.u32 $0xFFFFFC00, v51  }
0x1ec: {  	v3 =	vand.u32 $0x7F, v3;
	v4 =	vadd.s32 v1, v4  }
0x1ed: {  	v3 =	vor.u32 v3, v4  }
0x1ee: {  	v52 =	vld [tilespmem:s25+$0x4000];
	v3 =	vor.u32 v2, v3;
	_ =	sdelay $0x4  }
0x1ef: {  	s26 =	sor.u32 $0x2420, s20;
	[tilespmem:v3+s12+$0x0] =	vst.idx.add.f32.msk $0xffff, v52  }
0x1f0: {  	v3 =	vld [tilespmem:s26+$0x0];
	_ =	sdelay $0x4  }
0x1f1: {  	v53 =	vshll.u32 v3, $0x3  }
0x1f2: {  	v4 =	vand.u32 $0xFFFFFC00, v53  }
0x1f3: {  	v3 =	vand.u32 $0x7F, v3;
	v4 =	vadd.s32 v1, v4  }
0x1f4: {  	v3 =	vor.u32 v3, v4  }
0x1f5: {  	v54 =	vld [tilespmem:s26+$0x4000];
	v3 =	vor.u32 v2, v3;
	_ =	sdelay $0x4  }
0x1f6: {  	s28 =	sor.u32 $0x2430, s20;
	[tilespmem:v3+s12+$0x0] =	vst.idx.add.f32.msk $0xffff, v54  }
0x1f7: {  	v3 =	vld [tilespmem:s28+$0x0];
	_ =	sdelay $0x4  }
0x1f8: {  	v55 =	vshll.u32 v3, $0x3  }
0x1f9: {  	v4 =	vand.u32 $0xFFFFFC00, v55  }
0x1fa: {  	v3 =	vand.u32 $0x7F, v3;
	v4 =	vadd.s32 v1, v4  }
0x1fb: {  	v3 =	vor.u32 v3, v4  }
0x1fc: {  	v56 =	vld [tilespmem:s28+$0x4000];
	v3 =	vor.u32 v2, v3;
	_ =	sdelay $0x4  }
0x1fd: {  	s29 =	sor.u32 $0x2440, s20;
	[tilespmem:v3+s12+$0x0] =	vst.idx.add.f32.msk $0xffff, v56  }
0x1fe: {  	v3 =	vld [tilespmem:s29+$0x0];
	_ =	sdelay $0x4  }
0x1ff: {  	v57 =	vshll.u32 v3, $0x3  }
0x200: {  	v4 =	vand.u32 $0xFFFFFC00, v57  }
0x201: {  	v3 =	vand.u32 $0x7F, v3;
	v4 =	vadd.s32 v1, v4  }
0x202: {  	v3 =	vor.u32 v3, v4  }
0x203: {  	v58 =	vld [tilespmem:s29+$0x4000];
	v3 =	vor.u32 v2, v3;
	_ =	sdelay $0x4  }
0x204: {  	s30 =	sor.u32 $0x2450, s20;
	[tilespmem:v3+s12+$0x0] =	vst.idx.add.f32.msk $0xffff, v58  }
0x205: {  	v3 =	vld [tilespmem:s30+$0x0];
	_ =	sdelay $0x4  }
0x206: {  	v59 =	vshll.u32 v3, $0x3  }
0x207: {  	v4 =	vand.u32 $0xFFFFFC00, v59  }
0x208: {  	v3 =	vand.u32 $0x7F, v3;
	v4 =	vadd.s32 v1, v4  }
0x209: {  	v3 =	vor.u32 v3, v4  }
0x20a: {  	v60 =	vld [tilespmem:s30+$0x4000];
	v3 =	vor.u32 v2, v3;
	_ =	sdelay $0x4  }
0x20b: {  	s31 =	sor.u32 $0x2460, s20;
	[tilespmem:v3+s12+$0x0] =	vst.idx.add.f32.msk $0xffff, v60  }
0x20c: {  	v3 =	vld [tilespmem:s31+$0x0];
	_ =	sdelay $0x4  }
0x20d: {  	v61 =	vshll.u32 v3, $0x3  }
0x20e: {  	v4 =	vand.u32 $0xFFFFFC00, v61  }
0x20f: {  	v3 =	vand.u32 $0x7F, v3;
	v4 =	vadd.s32 v1, v4  }
0x210: {  	v3 =	vor.u32 v3, v4  }
0x211: {  	v62 =	vld [tilespmem:s31+$0x4000];
	v3 =	vor.u32 v2, v3;
	_ =	sdelay $0x4  }
0x212: {  	s20 =	sor.u32 $0x2470, s20;
	[tilespmem:v3+s12+$0x0] =	vst.idx.add.f32.msk $0xffff, v62  }
0x213: {  	v3 =	vld [tilespmem:s20+$0x0];
	_ =	sdelay $0x4  }
0x214: {  	v63 =	vshll.u32 v3, $0x3  }
0x215: {  	v4 =	vand.u32 $0xFFFFFC00, v63  }
0x216: {  	v3 =	vand.u32 $0x7F, v3;
	v1 =	vadd.s32 v1, v4  }
0x217: {  	v1 =	vor.u32 v3, v1  }
0x218: {  	p0 =	sne.s32 s19, $0xF;
	v3 =	vld [tilespmem:s20+$0x4000];
	v1 =	vor.u32 v2, v1  }
.Ltmp7:
0x219: {  	_ = 	snop;
	(pc) =	sbr.rel @p0 .LBB2_16-.Ltmp7, $2  }
0x21a: {  	_ =	sdelay $0x2  }
0x21b: {  	s17 =	sadd.s32 $0x100, s17;
	s19 =	sadd.s32 $0x1, s19;
	s18 =	sadd.s32 $0x80, s18;
	[tilespmem:v1+s12+$0x0] =	vst.idx.add.f32.msk $0xffff, v3  }
0x21c: {  	s17 =	simm.s32 $0x0  }
0x21d: {  	[hbm4b:s7+s17] =	stream.linear.scatter [tilespmem:s12], [sflag:$0x2], $0x8000, $0x38;
	[tilespmem:$0x18000] =	vst v63  }
0x21e: {  	_ =	swait.ge [sflag:s15], $0x8000  }
0x21f: {  	s18 =	simm.s32 $0x0;
	[sflag:s15] =	ssyncset.done $0x0  }
0x220: {  	s19 =	simm.s32 $0x0;
	s20 =	simm.s32 $0x0;
	[sflag:s15] =	ssyncadd.s32 $0xFFFF8000  }
.LBB2_18:
0x221: {  	s21 =	sand.u32 $0x800, s18;
	s22 =	sand.u32 $0x380, s19  }
0x222: {  	s22 =	sor.u32 s22, s21  }
0x223: {  	v1 =	vld [tilespmem:s22+$0x1000];
	_ =	sdelay $0x3  }
0x224: {  	v2 =	vmov s20  }
0x225: {  	v3 =	vshll.u32 v2, $0xB;
	v4 =	vshll.u32 v1, $0x3  }
0x226: {  	v3 =	vand.u32 $0x4000, v3;
	v4 =	vand.u32 $0xFFFFFC00, v4  }
0x227: {  	v2 =	vshll.u32 v2, $0x7;
	v1 =	vand.u32 $0x7F, v1;
	v4 =	vadd.s32 v3, v4  }
0x228: {  	v2 =	vand.u32 $0x380, v2;
	v1 =	vor.u32 v1, v4  }
0x229: {  	v1 =	vor.u32 v2, v1;
	_ =	sdelay $0x4  }
0x22a: {  	[tilespmem:v1+s13+$0x0] =	vst.idx.msk $0xffff, v0  }
0x22b: {  	v1 =	vld [tilespmem:s22+$0x1010];
	_ =	sdelay $0x4  }
0x22c: {  	v49 =	vshll.u32 v1, $0x3  }
0x22d: {  	v4 =	vand.u32 $0xFFFFFC00, v49  }
0x22e: {  	v1 =	vand.u32 $0x7F, v1;
	v4 =	vadd.s32 v3, v4  }
0x22f: {  	v1 =	vor.u32 v1, v4  }
0x230: {  	v1 =	vor.u32 v2, v1;
	_ =	sdelay $0x4  }
0x231: {  	[tilespmem:v1+s13+$0x0] =	vst.idx.msk $0xffff, v0  }
0x232: {  	v1 =	vld [tilespmem:s22+$0x1020];
	_ =	sdelay $0x4  }
0x233: {  	v50 =	vshll.u32 v1, $0x3  }
0x234: {  	v4 =	vand.u32 $0xFFFFFC00, v50  }
0x235: {  	v1 =	vand.u32 $0x7F, v1;
	v4 =	vadd.s32 v3, v4  }
0x236: {  	v1 =	vor.u32 v1, v4  }
0x237: {  	v1 =	vor.u32 v2, v1;
	_ =	sdelay $0x4  }
0x238: {  	[tilespmem:v1+s13+$0x0] =	vst.idx.msk $0xffff, v0  }
0x239: {  	v1 =	vld [tilespmem:s22+$0x1030];
	_ =	sdelay $0x4  }
0x23a: {  	v51 =	vshll.u32 v1, $0x3  }
0x23b: {  	v4 =	vand.u32 $0xFFFFFC00, v51  }
0x23c: {  	v1 =	vand.u32 $0x7F, v1;
	v4 =	vadd.s32 v3, v4  }
0x23d: {  	v1 =	vor.u32 v1, v4  }
0x23e: {  	v1 =	vor.u32 v2, v1;
	_ =	sdelay $0x4  }
0x23f: {  	[tilespmem:v1+s13+$0x0] =	vst.idx.msk $0xffff, v0  }
0x240: {  	v1 =	vld [tilespmem:s22+$0x1040];
	_ =	sdelay $0x4  }
0x241: {  	v52 =	vshll.u32 v1, $0x3  }
0x242: {  	v4 =	vand.u32 $0xFFFFFC00, v52  }
0x243: {  	v1 =	vand.u32 $0x7F, v1;
	v4 =	vadd.s32 v3, v4  }
0x244: {  	v1 =	vor.u32 v1, v4  }
0x245: {  	v1 =	vor.u32 v2, v1;
	_ =	sdelay $0x4  }
0x246: {  	[tilespmem:v1+s13+$0x0] =	vst.idx.msk $0xffff, v0  }
0x247: {  	v1 =	vld [tilespmem:s22+$0x1050];
	_ =	sdelay $0x4  }
0x248: {  	v53 =	vshll.u32 v1, $0x3  }
0x249: {  	v4 =	vand.u32 $0xFFFFFC00, v53  }
0x24a: {  	v1 =	vand.u32 $0x7F, v1;
	v4 =	vadd.s32 v3, v4  }
0x24b: {  	v1 =	vor.u32 v1, v4  }
0x24c: {  	v1 =	vor.u32 v2, v1;
	_ =	sdelay $0x4  }
0x24d: {  	[tilespmem:v1+s13+$0x0] =	vst.idx.msk $0xffff, v0  }
0x24e: {  	v1 =	vld [tilespmem:s22+$0x1060];
	_ =	sdelay $0x4  }
0x24f: {  	v54 =	vshll.u32 v1, $0x3  }
0x250: {  	v4 =	vand.u32 $0xFFFFFC00, v54  }
0x251: {  	v1 =	vand.u32 $0x7F, v1;
	v4 =	vadd.s32 v3, v4  }
0x252: {  	v1 =	vor.u32 v1, v4  }
0x253: {  	v1 =	vor.u32 v2, v1;
	_ =	sdelay $0x4  }
0x254: {  	[tilespmem:v1+s13+$0x0] =	vst.idx.msk $0xffff, v0  }
0x255: {  	v1 =	vld [tilespmem:s22+$0x1070];
	_ =	sdelay $0x4  }
0x256: {  	v55 =	vshll.u32 v1, $0x3  }
0x257: {  	v4 =	vand.u32 $0xFFFFFC00, v55  }
0x258: {  	v1 =	vand.u32 $0x7F, v1;
	v4 =	vadd.s32 v3, v4  }
0x259: {  	v1 =	vor.u32 v1, v4  }
0x25a: {  	v1 =	vor.u32 v2, v1;
	_ =	sdelay $0x3  }
0x25b: {  	s21 =	sor.u32 s21, s19  }
0x25c: {  	s21 =	sor.u32 $0x1400, s21;
	[tilespmem:v1+s13+$0x0] =	vst.idx.msk $0xffff, v0  }
0x25d: {  	v1 =	vld [tilespmem:s21+$0x0];
	_ =	sdelay $0x4  }
0x25e: {  	v56 =	vshll.u32 v1, $0x3  }
0x25f: {  	v4 =	vand.u32 $0xFFFFFC00, v56  }
0x260: {  	v1 =	vand.u32 $0x7F, v1;
	v4 =	vadd.s32 v3, v4  }
0x261: {  	v1 =	vor.u32 v1, v4  }
0x262: {  	v1 =	vor.u32 v2, v1;
	_ =	sdelay $0x4  }
0x263: {  	[tilespmem:v1+s13+$0x0] =	vst.idx.msk $0xffff, v0  }
0x264: {  	v1 =	vld [tilespmem:s21+$0x10];
	_ =	sdelay $0x4  }
0x265: {  	v57 =	vshll.u32 v1, $0x3  }
0x266: {  	v4 =	vand.u32 $0xFFFFFC00, v57  }
0x267: {  	v1 =	vand.u32 $0x7F, v1;
	v4 =	vadd.s32 v3, v4  }
0x268: {  	v1 =	vor.u32 v1, v4  }
0x269: {  	v1 =	vor.u32 v2, v1;
	_ =	sdelay $0x4  }
0x26a: {  	[tilespmem:v1+s13+$0x0] =	vst.idx.msk $0xffff, v0  }
0x26b: {  	v1 =	vld [tilespmem:s21+$0x20];
	_ =	sdelay $0x4  }
0x26c: {  	v58 =	vshll.u32 v1, $0x3  }
0x26d: {  	v4 =	vand.u32 $0xFFFFFC00, v58  }
0x26e: {  	v1 =	vand.u32 $0x7F, v1;
	v4 =	vadd.s32 v3, v4  }
0x26f: {  	v1 =	vor.u32 v1, v4  }
0x270: {  	v1 =	vor.u32 v2, v1;
	_ =	sdelay $0x4  }
0x271: {  	[tilespmem:v1+s13+$0x0] =	vst.idx.msk $0xffff, v0  }
0x272: {  	v1 =	vld [tilespmem:s21+$0x30];
	_ =	sdelay $0x4  }
0x273: {  	v59 =	vshll.u32 v1, $0x3  }
0x274: {  	v4 =	vand.u32 $0xFFFFFC00, v59  }
0x275: {  	v1 =	vand.u32 $0x7F, v1;
	v4 =	vadd.s32 v3, v4  }
0x276: {  	v1 =	vor.u32 v1, v4  }
0x277: {  	v1 =	vor.u32 v2, v1;
	_ =	sdelay $0x4  }
0x278: {  	[tilespmem:v1+s13+$0x0] =	vst.idx.msk $0xffff, v0  }
0x279: {  	v1 =	vld [tilespmem:s21+$0x40];
	_ =	sdelay $0x4  }
0x27a: {  	v60 =	vshll.u32 v1, $0x3  }
0x27b: {  	v4 =	vand.u32 $0xFFFFFC00, v60  }
0x27c: {  	v1 =	vand.u32 $0x7F, v1;
	v4 =	vadd.s32 v3, v4  }
0x27d: {  	v1 =	vor.u32 v1, v4  }
0x27e: {  	v1 =	vor.u32 v2, v1;
	_ =	sdelay $0x4  }
0x27f: {  	[tilespmem:v1+s13+$0x0] =	vst.idx.msk $0xffff, v0  }
0x280: {  	v1 =	vld [tilespmem:s21+$0x50];
	_ =	sdelay $0x4  }
0x281: {  	v61 =	vshll.u32 v1, $0x3  }
0x282: {  	v4 =	vand.u32 $0xFFFFFC00, v61  }
0x283: {  	v1 =	vand.u32 $0x7F, v1;
	v4 =	vadd.s32 v3, v4  }
0x284: {  	v1 =	vor.u32 v1, v4  }
0x285: {  	v1 =	vor.u32 v2, v1;
	_ =	sdelay $0x4  }
0x286: {  	[tilespmem:v1+s13+$0x0] =	vst.idx.msk $0xffff, v0  }
0x287: {  	v1 =	vld [tilespmem:s21+$0x60];
	_ =	sdelay $0x4  }
0x288: {  	v62 =	vshll.u32 v1, $0x3  }
0x289: {  	v4 =	vand.u32 $0xFFFFFC00, v62  }
0x28a: {  	v1 =	vand.u32 $0x7F, v1;
	v4 =	vadd.s32 v3, v4  }
0x28b: {  	v1 =	vor.u32 v1, v4  }
0x28c: {  	v1 =	vor.u32 v2, v1;
	_ =	sdelay $0x4  }
0x28d: {  	[tilespmem:v1+s13+$0x0] =	vst.idx.msk $0xffff, v0  }
0x28e: {  	v1 =	vld [tilespmem:s21+$0x70];
	_ =	sdelay $0x4  }
0x28f: {  	v63 =	vshll.u32 v1, $0x3  }
0x290: {  	v4 =	vand.u32 $0xFFFFFC00, v63  }
0x291: {  	v1 =	vand.u32 $0x7F, v1;
	v3 =	vadd.s32 v3, v4  }
0x292: {  	v1 =	vor.u32 v1, v3  }
0x293: {  	p0 =	sne.s32 s20, $0xF;
	v1 =	vor.u32 v2, v1  }
.Ltmp8:
0x294: {  	_ = 	snop;
	(pc) =	sbr.rel @p0 .LBB2_18-.Ltmp8, $2  }
0x295: {  	_ =	sdelay $0x2  }
0x296: {  	s18 =	sadd.s32 $0x100, s18;
	s20 =	sadd.s32 $0x1, s20;
	s19 =	sadd.s32 $0x80, s19;
	[tilespmem:v1+s13+$0x0] =	vst.idx.msk $0xffff, v0  }
0x297: {  	s18 =	simm.s32 $0x0;
	s19 =	simm.s32 $0x0  }
.LBB2_20:
0x298: {  	s20 =	sand.u32 $0x800, s17;
	s21 =	sand.u32 $0x380, s18  }
0x299: {  	s20 =	sor.u32 s21, s20  }
0x29a: {  	v2 =	vld [tilespmem:s20+$0x3000];
	_ =	sdelay $0x3  }
0x29b: {  	v3 =	vmov s19  }
0x29c: {  	v1 =	vshll.u32 v3, $0xB;
	v4 =	vshll.u32 v2, $0x3  }
0x29d: {  	v1 =	vand.u32 $0x4000, v1;
	v4 =	vand.u32 $0xFFFFFC00, v4  }
0x29e: {  	v5 =	vand.u32 $0x7F, v2;
	v2 =	vshll.u32 v3, $0x7;
	v4 =	vadd.s32 v1, v4  }
0x29f: {  	v2 =	vand.u32 $0x380, v2;
	v3 =	vor.u32 v5, v4  }
0x2a0: {  	v34 =	vld [tilespmem:s20+$0x7000];
	v3 =	vor.u32 v2, v3;
	_ =	sdelay $0x4  }
0x2a1: {  	[tilespmem:v3+s13+$0x0] =	vst.idx.add.f32.msk $0xffff, v34  }
0x2a2: {  	v3 =	vld [tilespmem:s20+$0x3010];
	_ =	sdelay $0x4  }
0x2a3: {  	v35 =	vshll.u32 v3, $0x3  }
0x2a4: {  	v4 =	vand.u32 $0xFFFFFC00, v35  }
0x2a5: {  	v3 =	vand.u32 $0x7F, v3;
	v4 =	vadd.s32 v1, v4  }
0x2a6: {  	v3 =	vor.u32 v3, v4  }
0x2a7: {  	v36 =	vld [tilespmem:s20+$0x7010];
	v3 =	vor.u32 v2, v3;
	_ =	sdelay $0x4  }
0x2a8: {  	[tilespmem:v3+s13+$0x0] =	vst.idx.add.f32.msk $0xffff, v36  }
0x2a9: {  	v3 =	vld [tilespmem:s20+$0x3020];
	_ =	sdelay $0x4  }
0x2aa: {  	v37 =	vshll.u32 v3, $0x3  }
0x2ab: {  	v4 =	vand.u32 $0xFFFFFC00, v37  }
0x2ac: {  	v3 =	vand.u32 $0x7F, v3;
	v4 =	vadd.s32 v1, v4  }
0x2ad: {  	v3 =	vor.u32 v3, v4  }
0x2ae: {  	v38 =	vld [tilespmem:s20+$0x7020];
	v3 =	vor.u32 v2, v3;
	_ =	sdelay $0x4  }
0x2af: {  	[tilespmem:v3+s13+$0x0] =	vst.idx.add.f32.msk $0xffff, v38  }
0x2b0: {  	v3 =	vld [tilespmem:s20+$0x3030];
	_ =	sdelay $0x4  }
0x2b1: {  	v39 =	vshll.u32 v3, $0x3  }
0x2b2: {  	v4 =	vand.u32 $0xFFFFFC00, v39  }
0x2b3: {  	v3 =	vand.u32 $0x7F, v3;
	v4 =	vadd.s32 v1, v4  }
0x2b4: {  	v3 =	vor.u32 v3, v4  }
0x2b5: {  	v40 =	vld [tilespmem:s20+$0x7030];
	v3 =	vor.u32 v2, v3;
	_ =	sdelay $0x4  }
0x2b6: {  	[tilespmem:v3+s13+$0x0] =	vst.idx.add.f32.msk $0xffff, v40  }
0x2b7: {  	v3 =	vld [tilespmem:s20+$0x3040];
	_ =	sdelay $0x4  }
0x2b8: {  	v41 =	vshll.u32 v3, $0x3  }
0x2b9: {  	v4 =	vand.u32 $0xFFFFFC00, v41  }
0x2ba: {  	v3 =	vand.u32 $0x7F, v3;
	v4 =	vadd.s32 v1, v4  }
0x2bb: {  	v3 =	vor.u32 v3, v4  }
0x2bc: {  	v42 =	vld [tilespmem:s20+$0x7040];
	v3 =	vor.u32 v2, v3;
	_ =	sdelay $0x4  }
0x2bd: {  	[tilespmem:v3+s13+$0x0] =	vst.idx.add.f32.msk $0xffff, v42  }
0x2be: {  	v3 =	vld [tilespmem:s20+$0x3050];
	_ =	sdelay $0x4  }
0x2bf: {  	v43 =	vshll.u32 v3, $0x3  }
0x2c0: {  	v4 =	vand.u32 $0xFFFFFC00, v43  }
0x2c1: {  	v3 =	vand.u32 $0x7F, v3;
	v4 =	vadd.s32 v1, v4  }
0x2c2: {  	v3 =	vor.u32 v3, v4  }
0x2c3: {  	v44 =	vld [tilespmem:s20+$0x7050];
	v3 =	vor.u32 v2, v3;
	_ =	sdelay $0x4  }
0x2c4: {  	[tilespmem:v3+s13+$0x0] =	vst.idx.add.f32.msk $0xffff, v44  }
0x2c5: {  	v3 =	vld [tilespmem:s20+$0x3060];
	_ =	sdelay $0x4  }
0x2c6: {  	v45 =	vshll.u32 v3, $0x3  }
0x2c7: {  	v4 =	vand.u32 $0xFFFFFC00, v45  }
0x2c8: {  	v3 =	vand.u32 $0x7F, v3;
	v4 =	vadd.s32 v1, v4  }
0x2c9: {  	v3 =	vor.u32 v3, v4  }
0x2ca: {  	v46 =	vld [tilespmem:s20+$0x7060];
	v3 =	vor.u32 v2, v3;
	_ =	sdelay $0x4  }
0x2cb: {  	[tilespmem:v3+s13+$0x0] =	vst.idx.add.f32.msk $0xffff, v46  }
0x2cc: {  	v3 =	vld [tilespmem:s20+$0x3070];
	_ =	sdelay $0x4  }
0x2cd: {  	v47 =	vshll.u32 v3, $0x3  }
0x2ce: {  	v4 =	vand.u32 $0xFFFFFC00, v47  }
0x2cf: {  	v3 =	vand.u32 $0x7F, v3;
	v4 =	vadd.s32 v1, v4  }
0x2d0: {  	v3 =	vor.u32 v3, v4  }
0x2d1: {  	v48 =	vld [tilespmem:s20+$0x7070];
	v3 =	vor.u32 v2, v3;
	_ =	sdelay $0x2  }
0x2d2: {  	s23 =	sand.u32 $0xFFFFF800, s17  }
0x2d3: {  	s20 =	sadd.s32 s23, s18  }
0x2d4: {  	s24 =	sor.u32 $0x3400, s20;
	[tilespmem:v3+s13+$0x0] =	vst.idx.add.f32.msk $0xffff, v48  }
0x2d5: {  	v3 =	vld [tilespmem:s24+$0x0];
	_ =	sdelay $0x4  }
0x2d6: {  	v49 =	vshll.u32 v3, $0x3  }
0x2d7: {  	v4 =	vand.u32 $0xFFFFFC00, v49  }
0x2d8: {  	v3 =	vand.u32 $0x7F, v3;
	v4 =	vadd.s32 v1, v4  }
0x2d9: {  	v3 =	vor.u32 v3, v4  }
0x2da: {  	v50 =	vld [tilespmem:s24+$0x4000];
	v3 =	vor.u32 v2, v3;
	_ =	sdelay $0x4  }
0x2db: {  	s25 =	sor.u32 $0x3410, s20;
	[tilespmem:v3+s13+$0x0] =	vst.idx.add.f32.msk $0xffff, v50  }
0x2dc: {  	v3 =	vld [tilespmem:s25+$0x0];
	_ =	sdelay $0x4  }
0x2dd: {  	v51 =	vshll.u32 v3, $0x3  }
0x2de: {  	v4 =	vand.u32 $0xFFFFFC00, v51  }
0x2df: {  	v3 =	vand.u32 $0x7F, v3;
	v4 =	vadd.s32 v1, v4  }
0x2e0: {  	v3 =	vor.u32 v3, v4  }
0x2e1: {  	v52 =	vld [tilespmem:s25+$0x4000];
	v3 =	vor.u32 v2, v3;
	_ =	sdelay $0x4  }
0x2e2: {  	s26 =	sor.u32 $0x3420, s20;
	[tilespmem:v3+s13+$0x0] =	vst.idx.add.f32.msk $0xffff, v52  }
0x2e3: {  	v3 =	vld [tilespmem:s26+$0x0];
	_ =	sdelay $0x4  }
0x2e4: {  	v53 =	vshll.u32 v3, $0x3  }
0x2e5: {  	v4 =	vand.u32 $0xFFFFFC00, v53  }
0x2e6: {  	v3 =	vand.u32 $0x7F, v3;
	v4 =	vadd.s32 v1, v4  }
0x2e7: {  	v3 =	vor.u32 v3, v4  }
0x2e8: {  	v54 =	vld [tilespmem:s26+$0x4000];
	v3 =	vor.u32 v2, v3;
	_ =	sdelay $0x4  }
0x2e9: {  	s28 =	sor.u32 $0x3430, s20;
	[tilespmem:v3+s13+$0x0] =	vst.idx.add.f32.msk $0xffff, v54  }
0x2ea: {  	v3 =	vld [tilespmem:s28+$0x0];
	_ =	sdelay $0x4  }
0x2eb: {  	v55 =	vshll.u32 v3, $0x3  }
0x2ec: {  	v4 =	vand.u32 $0xFFFFFC00, v55  }
0x2ed: {  	v3 =	vand.u32 $0x7F, v3;
	v4 =	vadd.s32 v1, v4  }
0x2ee: {  	v3 =	vor.u32 v3, v4  }
0x2ef: {  	v56 =	vld [tilespmem:s28+$0x4000];
	v3 =	vor.u32 v2, v3;
	_ =	sdelay $0x4  }
0x2f0: {  	s29 =	sor.u32 $0x3440, s20;
	[tilespmem:v3+s13+$0x0] =	vst.idx.add.f32.msk $0xffff, v56  }
0x2f1: {  	v3 =	vld [tilespmem:s29+$0x0];
	_ =	sdelay $0x4  }
0x2f2: {  	v57 =	vshll.u32 v3, $0x3  }
0x2f3: {  	v4 =	vand.u32 $0xFFFFFC00, v57  }
0x2f4: {  	v3 =	vand.u32 $0x7F, v3;
	v4 =	vadd.s32 v1, v4  }
0x2f5: {  	v3 =	vor.u32 v3, v4  }
0x2f6: {  	v58 =	vld [tilespmem:s29+$0x4000];
	v3 =	vor.u32 v2, v3;
	_ =	sdelay $0x4  }
0x2f7: {  	s30 =	sor.u32 $0x3450, s20;
	[tilespmem:v3+s13+$0x0] =	vst.idx.add.f32.msk $0xffff, v58  }
0x2f8: {  	v3 =	vld [tilespmem:s30+$0x0];
	_ =	sdelay $0x4  }
0x2f9: {  	v59 =	vshll.u32 v3, $0x3  }
0x2fa: {  	v4 =	vand.u32 $0xFFFFFC00, v59  }
0x2fb: {  	v3 =	vand.u32 $0x7F, v3;
	v4 =	vadd.s32 v1, v4  }
0x2fc: {  	v3 =	vor.u32 v3, v4  }
0x2fd: {  	v60 =	vld [tilespmem:s30+$0x4000];
	v3 =	vor.u32 v2, v3;
	_ =	sdelay $0x4  }
0x2fe: {  	s31 =	sor.u32 $0x3460, s20;
	[tilespmem:v3+s13+$0x0] =	vst.idx.add.f32.msk $0xffff, v60  }
0x2ff: {  	v3 =	vld [tilespmem:s31+$0x0];
	_ =	sdelay $0x4  }
0x300: {  	v61 =	vshll.u32 v3, $0x3  }
0x301: {  	v4 =	vand.u32 $0xFFFFFC00, v61  }
0x302: {  	v3 =	vand.u32 $0x7F, v3;
	v4 =	vadd.s32 v1, v4  }
0x303: {  	v3 =	vor.u32 v3, v4  }
0x304: {  	v62 =	vld [tilespmem:s31+$0x4000];
	v3 =	vor.u32 v2, v3;
	_ =	sdelay $0x4  }
0x305: {  	s20 =	sor.u32 $0x3470, s20;
	[tilespmem:v3+s13+$0x0] =	vst.idx.add.f32.msk $0xffff, v62  }
0x306: {  	v3 =	vld [tilespmem:s20+$0x0];
	_ =	sdelay $0x4  }
0x307: {  	v63 =	vshll.u32 v3, $0x3  }
0x308: {  	v4 =	vand.u32 $0xFFFFFC00, v63  }
0x309: {  	v3 =	vand.u32 $0x7F, v3;
	v1 =	vadd.s32 v1, v4  }
0x30a: {  	v1 =	vor.u32 v3, v1  }
0x30b: {  	p0 =	sne.s32 s19, $0xF;
	v3 =	vld [tilespmem:s20+$0x4000];
	v1 =	vor.u32 v2, v1  }
.Ltmp9:
0x30c: {  	_ = 	snop;
	(pc) =	sbr.rel @p0 .LBB2_20-.Ltmp9, $2  }
0x30d: {  	_ =	sdelay $0x2  }
0x30e: {  	s17 =	sadd.s32 $0x100, s17;
	s19 =	sadd.s32 $0x1, s19;
	s18 =	sadd.s32 $0x80, s18;
	[tilespmem:v1+s13+$0x0] =	vst.idx.add.f32.msk $0xffff, v3  }
0x30f: {  	[hbm4b:s8+s2] =	stream.linear.scatter [tilespmem:s13], [sflag:$0x3], $0x8000, $0x38;
	[tilespmem:$0x18000] =	vst v63  }
0x310: {  	s16 =	sadd.s32 $0x1, s16  }
0x311: {  	_ =	swait.ge [sflag:s14], $0x8000;
	p0 =	sne.s32 s16, s9  }
.Ltmp10:
0x312: {  	[sflag:s14] =	ssyncset.done $0x0;
	(pc) =	sbr.rel @p0 .LBB2_1-.Ltmp10, $4  }
0x313: {  	[sflag:s14] =	ssyncadd.s32 $0xFFFF8000  }
0x314: {  	_ =	swait.ge [sflag:s15], $0x8000  }
0x315: {  	[sflag:s15] =	ssyncset.done $0x0  }
0x316: {  	[sflag:s15] =	ssyncadd.s32 $0xFFFF8000  }
0x317: {  	_ =	sfence.sel $0x180000  }
0x318: {  	[bflag:$0x0] =	sbarrier.arrive $0xFFFF  }
0x319: {  	p0 =	sne.s32 s1, $0x0;
	_ =	strace $0x90000047  }
0x31a: {  	s0 =	sadd.s32 @!p0 $0x100000, s0;
	[bflag:$0x2] =	sbarrier.arrive $0xFFFF  }
0x31b: {  	[sflag:s0] =	ssyncadd.tile.s32 @!p0 $0x1;
	_ =	shalt  }
.Lfunc_end2:
_tile_overlayer_lowered:
.L_overlay_start_2:
0x31c: {  	(tag) =	ssettag $0x2  }
0x31d: {  	s0 =	rddreg [dreg:$0x0];
	s2 =	stileid.u32  }
0x31e: {  	s1 =	rddreg [dreg:$0x1];
	p0 =	sne.s32 s2, $0x0  }
0x31f: {  	s3 =	rddreg [dreg:$0x2];
	[bflag:$0x3] =	sbarrier.arrive $0xFFFF;
	s2 =	simm.s32 @!p0 $0x1C04  }
0x320: {  	[timem:s3], [sflag:s2] =	dma.local @!p0 [hbm:s0], s1  }
0x321: {  	s0 =	simm.s32 @!p0 $0x4  }
0x322: {  	_ =	swait.ge @!p0 [sflag:s0], s1  }
0x323: {  	s1 =	ssub.s32 @!p0 $0x0, s1;
	[sflag:s0] =	ssyncset.done @!p0 $0x0  }
0x324: {  	[sflag:s0] =	ssyncadd.s32 @!p0 s1  }
0x325: {  	[bflag:$0x3] =	sbarrier.arrive $0xFFFF  }
0x326: {  	_ =	shalt  }

// kernel: kernel.8.cloned.1.call-start
scs
__scs_entry_jumppad:
0x0: {  	(pc) =	sbr.rel $0x88, $3  }
0x1: {  	(tag) =	ssettag $0x0;
	lr =	simm.s32 $0x1  }
0x2: {  	[smem:$0x3F9C] =	sst lr;
	_ =	strace $0xD0000000  }
0x3: {  	_ = 	snop  }
0x4: {  	_ = 	snop  }
0x5: {  	_ = 	snop  }
0x6: {  	_ = 	snop  }
0x7: {  	_ = 	snop  }
__scs_overlays_trampoline_lowered:
0x8: {  	[smem:$0x3FAB] =	sst s0  }
0x9: {  	[smem:$0x3FAC] =	sst s1  }
0xa: {  	[smem:$0x3FAD] =	sst s2  }
0xb: {  	[smem:$0x3FAE] =	sst s3  }
0xc: {  	[smem:$0x3FAF] =	sst s4  }
0xd: {  	[smem:$0x3FB0] =	sst s5  }
0xe: {  	[smem:$0x3FB1] =	sst s6  }
0xf: {  	[smem:$0x3FB2] =	sst s7  }
0x10: {  	[smem:$0x3FB3] =	sst s8  }
0x11: {  	[smem:$0x3FB4] =	sst s9;
	s0 =	simm.s32 @!p0 $0x0  }
0x12: {  	s1 =	sld [smem:$0x3F9A];
	s0 =	simm.s32 @p0 $0x1  }
0x13: {  	[smem:$0x3FB5] =	sst s0;
	s0 =	simm.s32 @!p1 $0x0  }
0x14: {  	s2 =	sld [smem:$0x3F99];
	s0 =	simm.s32 @p1 $0x1  }
0x15: {  	[smem:$0x3FB6] =	sst s0;
	s0 =	simm.s32 @!p2 $0x0  }
0x16: {  	s3 =	sld [smem:$0x3FDB];
	s0 =	simm.s32 @p2 $0x1  }
0x17: {  	s4 =	simm.s32 $0x1BF5;
	[smem:$0x3FB8] =	sst s0  }
0x18: {  	s0 =	sld [smem:$0x3F9B];
	_ =	swait.ge [sflag:s4], $0x0  }
0x19: {  	s7 =	sld [smem:$0x3F9C]  }
0x1a: {  	s8 =	sadd.s32 $0xFFFFE003, lr  }
0x1b: {  	s9 =	sadd.s32 $0xFFFFFEF7, lr;
	s5 =	simm.s32 $0xFFFFFFFF;
	p2 =	slt.u32 s8, $0xFFFFF086  }
0x1c: {  	p1 =	slt.u32 s9, $0xF7A;
	s5 =	simm.s32 @!p2 $0x0  }
0x1d: {  	s5 =	simm.s32 @p1 $0x1;
	p0 =	seq.s32 s7, s2  }
0x1e: {  	s7 =	smul.u32 @!p0 $0xF7A, s2;
	p2 =	seq.s32 @!p0 s5, $0x0  }
0x1f: {  	s9 =	smul.u32 $0xF7A, s1;
	s8 =	simm.s32 @!p0 $0x1BF5;
	p2 =	por !p2, p0  }
0x20: {  	[sflag:s8] =	ssyncset.s32 @!p0 $0xFFFFF086;
	s6 =	sadd.s32 @!p0 s3, s7;
	s7 =	simm.s32 @!p0 $0x108  }
0x21: {  	s3 =	sadd.s32 s3, s9;
	s6 =	sadd.s32 @!p0 $0x88, s6;
	s7 =	simm.s32 @p2 $0x1082  }
0x22: {  	[simem:s7], [sflag:s8] =	dma.local @!p0 [hbm:s6], $0xF7A  }
0x23: {  	s9 =	sor.u32 $0xD0000000, s2;
	s6 =	simm.s32 $0x108;
	_ =	swait.ge @!p0 [sflag:s8], $0x0  }
0x24: {  	s3 =	sadd.s32 $0x88, s3;
	s6 =	simm.s32 @!p1 $0x1082;
	[sflag:s4] =	ssyncset.s32 $0xFFFFF086  }
0x25: {  	[simem:s6], [sflag:s4] =	dma.local [hbm:s3], $0xF7A  }
0x26: {  	[smem:$0x3F9C] =	sst s1;
	(tag) =	ssettag s2;
	_ =	strace s9  }
0x27: {  	s1 =	sld [smem:$0x3FAC]  }
0x28: {  	s2 =	sld [smem:$0x3FAD]  }
0x29: {  	s4 =	sld [smem:$0x3FAF]  }
0x2a: {  	p0 =	seq.s32 s5, $0x0;
	s5 =	sld [smem:$0x3FB0]  }
0x2b: {  	s6 =	sld [smem:$0x3FB1]  }
0x2c: {  	s7 =	sld [smem:$0x3FB2]  }
0x2d: {  	s3 =	simm.s32 $0x108;
	s8 =	sld [smem:$0x3FB3]  }
0x2e: {  	s3 =	simm.s32 @!p0 $0x1082;
	s9 =	sld [smem:$0x3FB4]  }
0x2f: {  	lr =	sadd.s32 s0, s3;
	s0 =	sld [smem:$0x3FAB]  }
0x30: {  	s3 =	sld [smem:$0x3FAE]  }
0x31: {  	[smem:$0x3FB7] =	sst s10  }
0x32: {  	s10 =	sld [smem:$0x3FB5];
	_ =	sdelay $0x3  }
0x33: {  	p0 =	seq.s32 s10, $0x1;
	s10 =	sld [smem:$0x3FB7];
	_ =	sdelay $0x3  }
0x34: {  	[smem:$0x3FB7] =	sst s10  }
0x35: {  	s10 =	sld [smem:$0x3FB6];
	_ =	sdelay $0x3  }
0x36: {  	p1 =	seq.s32 s10, $0x1;
	s10 =	sld [smem:$0x3FB7];
	_ =	sdelay $0x3  }
0x37: {  	[smem:$0x3FB7] =	sst s10  }
0x38: {  	s10 =	sld [smem:$0x3FB8]  }
0x39: {  	_ = 	snop;
	(pc) =	sbr.ind lr, $3  }
0x3a: {  	_ = 	snop  }
0x3b: {  	_ = 	snop  }
0x3c: {  	p2 =	seq.s32 s10, $0x1;
	s10 =	sld [smem:$0x3FB7]  }
0x3d: {  	_ =	shalt  }
0x3e: {  	_ =	shalt  }
0x3f: {  	_ =	shalt  }
0x40: {  	_ =	shalt  }
0x41: {  	_ =	shalt  }
0x42: {  	_ =	shalt  }
0x43: {  	_ =	shalt  }
0x44: {  	_ =	shalt  }
0x45: {  	_ =	shalt  }
0x46: {  	_ =	shalt  }
0x47: {  	_ =	shalt  }
0x48: {  	_ =	shalt  }
0x49: {  	_ =	shalt  }
0x4a: {  	_ =	shalt  }
0x4b: {  	_ =	shalt  }
0x4c: {  	_ =	shalt  }
0x4d: {  	_ =	shalt  }
0x4e: {  	_ =	shalt  }
0x4f: {  	_ =	shalt  }
0x50: {  	_ =	shalt  }
0x51: {  	_ =	shalt  }
0x52: {  	_ =	shalt  }
0x53: {  	_ =	shalt  }
0x54: {  	_ =	shalt  }
0x55: {  	_ =	shalt  }
0x56: {  	_ =	shalt  }
0x57: {  	_ =	shalt  }
0x58: {  	_ =	shalt  }
0x59: {  	_ =	shalt  }
0x5a: {  	_ =	shalt  }
0x5b: {  	_ =	shalt  }
0x5c: {  	_ =	shalt  }
0x5d: {  	_ =	shalt  }
0x5e: {  	_ =	shalt  }
0x5f: {  	_ =	shalt  }
0x60: {  	_ =	shalt  }
0x61: {  	_ =	shalt  }
0x62: {  	_ =	shalt  }
0x63: {  	_ =	shalt  }
0x64: {  	_ =	shalt  }
0x65: {  	_ =	shalt  }
0x66: {  	_ =	shalt  }
0x67: {  	_ =	shalt  }
0x68: {  	_ =	shalt  }
0x69: {  	_ =	shalt  }
0x6a: {  	_ =	shalt  }
0x6b: {  	_ =	shalt  }
0x6c: {  	_ =	shalt  }
0x6d: {  	_ =	shalt  }
0x6e: {  	_ =	shalt  }
0x6f: {  	_ =	shalt  }
0x70: {  	_ =	shalt  }
0x71: {  	_ =	shalt  }
0x72: {  	_ =	shalt  }
0x73: {  	_ =	shalt  }
0x74: {  	_ =	shalt  }
0x75: {  	_ =	shalt  }
0x76: {  	_ =	shalt  }
0x77: {  	_ =	shalt  }
0x78: {  	_ =	shalt  }
0x79: {  	_ =	shalt  }
0x7a: {  	_ =	shalt  }
0x7b: {  	_ =	shalt  }
0x7c: {  	_ =	shalt  }
0x7d: {  	_ =	shalt  }
0x7e: {  	_ =	shalt  }
0x7f: {  	_ =	shalt  }
0x80: {  	_ =	shalt  }
0x81: {  	_ =	shalt  }
0x82: {  	_ =	shalt  }
0x83: {  	_ =	shalt  }
0x84: {  	_ =	shalt  }
0x85: {  	_ =	shalt  }
0x86: {  	_ =	shalt  }
0x87: {  	_ =	shalt  }
.Lfunc_end0:
.L_simem_size_0:
called_computation.1_lowered:
.L_overlay_start_0:
0x88: {  	s2 =	sld [smem:$0x3FD9]  }
0x89: {  	s3 =	sld [smem:$0x3FFE];
	_ =	sdelay $0x1  }
0x8a: {  	s1 =	srdreg.scid  }
0x8b: {  	s0 =	sand.u32 $0x1, s1  }
0x8c: {  	s17 =	sshll.u32 s0, $0xA;
	s2 =	sadd.s32 s3, s2  }
0x8d: {  	s2 =	sadd.s32 s2, s17  }
0x8e: {  	[smem:$0x3FC3] =	sst s2  }
0x8f: {  	_ = 	snop  }
0x90: {  	s2 =	sld [smem:$0x3FC7]  }
0x91: {  	s18 =	sld [smem:$0x3FD0];
	(tm) =	ssettm $0x1  }
0x92: {  	s4 =	sld [smem:$0x3FFB];
	_ =	sdelay $0x3  }
0x93: {  	_ =	strace s4  }
0x94: {  	s4 =	sld [smem:$0x3FFC];
	_ =	sdelay $0x3  }
0x95: {  	_ =	strace s4  }
0x96: {  	s4 =	sld [smem:$0x3FFD];
	_ =	sdelay $0x3  }
0x97: {  	_ =	strace s4  }
0x98: {  	_ =	strace $0x8FFFFFFF  }
0x99: {  	s19 =	sld [smem:$0x3FDB];
	_ =	sdelay $0x1  }
0x9a: {  	s5 =	simm.s32 $_scs_section_size  }
0x9b: {  	s6 =	simm.s32 $_size__tile_overlayer_lowered;
	s7 =	simm.s32 $_tile_overlayer_lowered  }
0x9c: {  	s22 =	simm.s32 $0x1BFF;
	s21 =	sshll.u32 s7, $0x1;
	s4 =	sadd.s32 s5, s19  }
0x9d: {  	s8 =	simm.s32 $0x0;
	s20 =	sshll.u32 s6, $0x1;
	s6 =	sadd.s32 s21, s4  }
0x9e: {  	[timem:s8], [sflag:s22] =	dma.local [hbm:s6], s20  }
0x9f: {  	_ =	swait.ge [sflag:s22], s20  }
0xa0: {  	s5 =	ssub.s32 $0x0, s20;
	[sflag:s22] =	ssyncset.done $0x0  }
0xa1: {  	[sflag:s22] =	ssyncadd.s32 s5;
	_ =	sdelay $0x1  }
0xa2: {  	s23 =	simm.s32 $0x1B8B  }
0xa3: {  	_ =	swait.ge [sflag:s23], $0x1  }
0xa4: {  	[sflag:s23] =	ssyncset.done $0x0  }
0xa5: {  	s25 =	simm.s32 $0x1B8E;
	s24 =	sld [smem:$0x3FFE];
	[sflag:s23] =	ssyncadd.s32 $0xFFFFFFFF  }
0xa6: {  	s26 =	simm.s32 $execute0_lowered;
	[smem:$0x3FD2] =	sst s25  }
0xa7: {  	s6 =	sshll.u32 s26, $0x1;
	_ =	strace $0x80000049;
	[dreg:$0x1] =	wrdreg $0xFFFFFFFF  }
0xa8: {  	s28 =	simm.s32 $_size_execute0_lowered;
	s4 =	sadd.s32 s4, s6;
	[dreg:$0x0] =	wrdreg $0x0  }
0xa9: {  	s6 =	sshll.u32 s28, $0x1;
	[dreg:$0x2] =	wrdreg s4  }
0xaa: {  	[dreg:$0x3] =	wrdreg s6  }
0xab: {  	[dreg:$0x4] =	wrdreg $0xC0  }
0xac: {  	_ =	task [dreg:s8], $0x5FFFF  }
0xad: {  	[dreg:$0x1] =	wrdreg $0xFFFFFFFF  }
0xae: {  	[dreg:$0x0] =	wrdreg $0x60  }
0xaf: {  	[dreg:$0x2] =	wrdreg s24  }
0xb0: {  	[dreg:$0x3] =	wrdreg s2  }
0xb1: {  	[dreg:$0x4] =	wrdreg s18  }
0xb2: {  	[dreg:$0x5] =	wrdreg $0x9  }
0xb3: {  	_ =	task.clear_ibuf [dreg:s8], $0x6FFFF;
	_ =	strace $0x90000049  }
0xb4: {  	s29 =	simm.s32 $0x9;
	_ =	strace $0x8000004B  }
0xb5: {  	_ =	swait.ge [sflag:s29], $0x1  }
0xb6: {  	[sflag:s29] =	ssyncadd.s32 $0xFFFFFFFF  }
0xb7: {  	_ =	strace $0x9000004B  }
0xb8: {  	_ =	sfence  }
0xb9: {  	s30 =	sld [smem:$0x0];
	_ =	sdelay $0x2  }
0xba: {  	s31 =	sshll.u32 s1, $0xD;
	s1 =	sshrl.u32 s1, $0x2  }
0xbb: {  	s3 =	sand.u32 $0x4000, s31;
	s1 =	sadd.s32 s1, s30  }
0xbc: {  	s0 =	sor.u32 s3, s0;
	s1 =	sshll.u32 s1, $0x11  }
0xbd: {  	s0 =	sor.u32 s1, s0  }
0xbe: {  	s0 =	sadd.s32 $0x8F2B, s0  }
0xbf: {  	[sflag:s0] =	ssyncadd.remote.s32 $0x1  }
0xc0: {  	_ =	sfence.sel $0xFFFF  }
0xc1: {  	[dreg:$0x0] =	wrdreg $0xFFFFFFFF;
	(pc) =	sbr.abs _section_cstart, $3  }
0xc2: {  	[dreg:$0x1] =	wrdreg $0xFFFFFFFF  }
0xc3: {  	_ =	task.clear_ibuf [dreg:s8], $0x2FFFF;
	_ =	strace $0x9FFFFFFF  }
0xc4: {  	(tm) =	ssettm $0x7FFFFFFF  }
0xc5: {  	_ =	shalt  }
tec
execute0_lowered:
.L_overlay_start_1:
0x0: {  	(tag) =	ssettag $0x1  }
0x1: {  	s3 =	rddreg [dreg:$0x0]  }
0x2: {  	s4 =	rddreg [dreg:$0x1]  }
0x3: {  	s7 =	rddreg [dreg:$0x2]  }
0x4: {  	s0 =	rddreg [dreg:$0x3]  }
0x5: {  	s2 =	simm.s32 $0x0;
	s5 =	srdreg.scid;
	s1 =	stileid.u32  }
0x6: {  	s14 =	simm.s32 $0x8000;
	s15 =	simm.s32 $0x9000;
	s16 =	simm.s32 $0x1  }
0x7: {  	s17 =	simm.s32 $0x2;
	s18 =	simm.s32 $0x4000;
	s19 =	simm.s32 $0x0  }
0x8: {  	[smem:$0x7FF] =	sst s2;
	s8 =	sand.u32 $0x1, s5;
	s29 =	sshll.u32 s1, $0x7  }
0x9: {  	s3 =	sadd.s32 $0xC00, s3;
	s31 =	sshll.u32 s1, $0xB;
	s12 =	sshll.u32 s1, $0x10  }
0xa: {  	_ =	strace $0x8000004A;
	s6 =	sshll.u32 s8, $0x6;
	s9 =	ssub.s32 $0x2, s8  }
0xb: {  	s11 =	sshll.u32 s8, $0xA;
	s13 =	sshll.u32 s8, $0xF;
	s5 =	sor.u32 s6, s29  }
.Ltmp0:
0xc: {  	s30 =	sshrl.u32 s9, $0x1;
	s10 =	sshll.u32 s5, $0x5;
	(pc) =	sbr.rel .LBB2_1-.Ltmp0, $4  }
0xd: {  	s5 =	sshll.u32 s5, $0x9;
	s9 =	ssub.s32 s9, s30;
	s4 =	sadd.s32 s4, s10  }
0xe: {  	s5 =	sadd.s32 s3, s5;
	s7 =	sadd.s32 s7, s10;
	s8 =	smax.u32 s9, $0x1  }
0xf: {  	s9 =	sor.u32 s11, s31;
	s10 =	sor.u32 s13, s12;
	s11 =	simm.s32 $0x3  }
0x10: {  	s12 =	simm.s32 $0x80;
	s13 =	simm.s32 $0x400;
	s6 =	sadd.s32 $0x10, s5  }
.LBB2_4:
0x11: {  	s19 =	sadd.s32 $0x1, s19  }
0x12: {  	p0 =	sne.s32 s19, s8  }
.Ltmp1:
0x13: {  	_ = 	snop;
	(pc) =	sbr.rel @!p0 .LBB2_5-.Ltmp1, $4  }
0x14: {  	[hbm4b:s7+s2] =	stream.linear.scatter [tilespmem:s18], [sflag:$0x3], $0x4000, $0x38;
	[tilespmem:$0xA000] =	vst v63  }
0x15: {  	_ =	swait.ge [sflag:s11], $0x4000  }
0x16: {  	[sflag:s11] =	ssyncset.done $0x0  }
0x17: {  	[sflag:s11] =	ssyncadd.s32 $0xFFFFC000  }
.LBB2_1:
0x18: {  	[tilespmem:s2], [sflag:$0x3] =	stream.linear.gather [hbm4b:s4+s2], $0x4000, $0x38;
	[tilespmem:$0xA000] =	vst v63  }
0x19: {  	_ =	swait.ge [sflag:s11], $0x4000  }
0x1a: {  	[sflag:s11] =	ssyncset.done $0x0  }
0x1b: {  	s20 =	smov.u32 s10;
	[sflag:s11] =	ssyncadd.s32 $0xFFFFC000  }
0x1c: {  	[tilespmem:s14], [sflag:$0x1] =	stream.strided.gather [hbm4b:s5+s12], $0x1000, s13, s12, $0x38;
	[tilespmem:$0xA000] =	vst v63  }
0x1d: {  	s21 =	smov.u32 s9;
	s22 =	simm.s32 $0x0;
	s23 =	simm.s32 $0x0  }
0x1e: {  	[tilespmem:s15], [sflag:$0x2] =	stream.strided.gather [hbm4b:s6+s12], $0x1000, s13, s12, $0x38;
	[tilespmem:$0xA000] =	vst v63  }
.LBB2_2:
0x1f: {  	_ =	swait.ge [sflag:s16], $0x1000  }
0x20: {  	s24 =	sand.u32 $0x3800, s22;
	s25 =	sand.u32 $0x300, s23;
	[sflag:s16] =	ssyncset.done $0x0  }
0x21: {  	s25 =	sor.u32 s25, s24;
	[sflag:s16] =	ssyncadd.s32 $0xFFFFF000  }
0x22: {  	v0 =	vld [tilespmem:s25+$0x0];
	_ =	sdelay $0x4  }
0x23: {  	v1 =	vand.u32 $0xFFF, v0;
	_ =	sdelay $0x2  }
0x24: {  	v2 =	vld [tilespmem:s25+$0x10];
	_ =	sdelay $0x1  }
0x25: {  	v1 =	vld.idx.msk [tilespmem:v1+s14+$0x0], $0xffff;
	_ =	sdelay $0x2  }
0x26: {  	v3 =	vand.u32 $0xFFF, v2;
	_ =	sdelay $0x1  }
0x27: {  	vm0 =	vlt.s32 v0, $0x1000;
	v46 =	vshll.u32 v1, $0x10;
	v1 =	vand.u32 $0xFFFF0000, v1  }
0x28: {  	v47 =	vld [tilespmem:s25+$0x20];
	v0 =	vsel vm0, v46, v1  }
0x29: {  	[tilespmem:s25+$0x4000] =	vst v0  }
0x2a: {  	v0 =	vld.idx.msk [tilespmem:v3+s14+$0x0], $0xffff;
	_ =	sdelay $0x2  }
0x2b: {  	v48 =	vand.u32 $0xFFF, v47;
	_ =	sdelay $0x1  }
0x2c: {  	vm9 =	vlt.s32 v2, $0x1000;
	v49 =	vshll.u32 v0, $0x10;
	v0 =	vand.u32 $0xFFFF0000, v0  }
0x2d: {  	v50 =	vld [tilespmem:s25+$0x30];
	v0 =	vsel vm9, v49, v0  }
0x2e: {  	[tilespmem:s25+$0x4010] =	vst v0  }
0x2f: {  	v0 =	vld.idx.msk [tilespmem:v48+s14+$0x0], $0xffff;
	_ =	sdelay $0x2  }
0x30: {  	v51 =	vand.u32 $0xFFF, v50;
	_ =	sdelay $0x1  }
0x31: {  	vm10 =	vlt.s32 v47, $0x1000;
	v52 =	vshll.u32 v0, $0x10;
	v0 =	vand.u32 $0xFFFF0000, v0  }
0x32: {  	v53 =	vld [tilespmem:s25+$0x40];
	v0 =	vsel vm10, v52, v0  }
0x33: {  	[tilespmem:s25+$0x4020] =	vst v0  }
0x34: {  	v0 =	vld.idx.msk [tilespmem:v51+s14+$0x0], $0xffff;
	_ =	sdelay $0x2  }
0x35: {  	v54 =	vand.u32 $0xFFF, v53;
	_ =	sdelay $0x1  }
0x36: {  	vm11 =	vlt.s32 v50, $0x1000;
	v55 =	vshll.u32 v0, $0x10;
	v0 =	vand.u32 $0xFFFF0000, v0  }
0x37: {  	v56 =	vld [tilespmem:s25+$0x50];
	v0 =	vsel vm11, v55, v0  }
0x38: {  	[tilespmem:s25+$0x4030] =	vst v0  }
0x39: {  	v0 =	vld.idx.msk [tilespmem:v54+s14+$0x0], $0xffff;
	_ =	sdelay $0x2  }
0x3a: {  	v57 =	vand.u32 $0xFFF, v56;
	_ =	sdelay $0x1  }
0x3b: {  	vm12 =	vlt.s32 v53, $0x1000;
	v58 =	vshll.u32 v0, $0x10;
	v0 =	vand.u32 $0xFFFF0000, v0  }
0x3c: {  	v59 =	vld [tilespmem:s25+$0x60];
	v0 =	vsel vm12, v58, v0  }
0x3d: {  	[tilespmem:s25+$0x4040] =	vst v0  }
0x3e: {  	v0 =	vld.idx.msk [tilespmem:v57+s14+$0x0], $0xffff;
	_ =	sdelay $0x2  }
0x3f: {  	v60 =	vand.u32 $0xFFF, v59;
	_ =	sdelay $0x1  }
0x40: {  	vm13 =	vlt.s32 v56, $0x1000;
	v61 =	vshll.u32 v0, $0x10;
	v0 =	vand.u32 $0xFFFF0000, v0  }
0x41: {  	v62 =	vld [tilespmem:s25+$0x70];
	v0 =	vsel vm13, v61, v0  }
0x42: {  	[tilespmem:s25+$0x4050] =	vst v0  }
0x43: {  	v0 =	vld.idx.msk [tilespmem:v60+s14+$0x0], $0xffff;
	_ =	sdelay $0x2  }
0x44: {  	v63 =	vand.u32 $0xFFF, v62;
	_ =	sdelay $0x1  }
0x45: {  	vm14 =	vlt.s32 v59, $0x1000;
	v5 =	vshll.u32 v0, $0x10;
	v0 =	vand.u32 $0xFFFF0000, v0  }
0x46: {  	v6 =	vld [tilespmem:s25+$0x400];
	v0 =	vsel vm14, v5, v0  }
0x47: {  	[tilespmem:s25+$0x4060] =	vst v0  }
0x48: {  	v0 =	vld.idx.msk [tilespmem:v63+s14+$0x0], $0xffff;
	_ =	sdelay $0x2  }
0x49: {  	v7 =	vand.u32 $0xFFF, v6;
	_ =	sdelay $0x1  }
0x4a: {  	vm15 =	vlt.s32 v62, $0x1000;
	v8 =	vshll.u32 v0, $0x10;
	v0 =	vand.u32 $0xFFFF0000, v0  }
0x4b: {  	v9 =	vld [tilespmem:s25+$0x410];
	v0 =	vsel vm15, v8, v0  }
0x4c: {  	[tilespmem:s25+$0x4070] =	vst v0  }
0x4d: {  	v0 =	vld.idx.msk [tilespmem:v7+s14+$0x0], $0xffff;
	_ =	sdelay $0x2  }
0x4e: {  	v10 =	vand.u32 $0xFFF, v9;
	_ =	sdelay $0x1  }
0x4f: {  	vm4 =	vlt.s32 v6, $0x1000;
	v11 =	vshll.u32 v0, $0x10;
	v0 =	vand.u32 $0xFFFF0000, v0  }
0x50: {  	v12 =	vld [tilespmem:s25+$0x420];
	v0 =	vsel vm4, v11, v0  }
0x51: {  	[tilespmem:s25+$0x4400] =	vst v0  }
0x52: {  	v0 =	vld.idx.msk [tilespmem:v10+s14+$0x0], $0xffff;
	_ =	sdelay $0x2  }
0x53: {  	v13 =	vand.u32 $0xFFF, v12;
	_ =	sdelay $0x1  }
0x54: {  	vm5 =	vlt.s32 v9, $0x1000;
	v14 =	vshll.u32 v0, $0x10;
	v0 =	vand.u32 $0xFFFF0000, v0  }
0x55: {  	v15 =	vld [tilespmem:s25+$0x430];
	v0 =	vsel vm5, v14, v0  }
0x56: {  	[tilespmem:s25+$0x4410] =	vst v0  }
0x57: {  	v0 =	vld.idx.msk [tilespmem:v13+s14+$0x0], $0xffff;
	_ =	sdelay $0x2  }
0x58: {  	v16 =	vand.u32 $0xFFF, v15;
	_ =	sdelay $0x1  }
0x59: {  	vm6 =	vlt.s32 v12, $0x1000;
	v17 =	vshll.u32 v0, $0x10;
	v0 =	vand.u32 $0xFFFF0000, v0  }
0x5a: {  	v18 =	vld [tilespmem:s25+$0x440];
	v0 =	vsel vm6, v17, v0  }
0x5b: {  	[tilespmem:s25+$0x4420] =	vst v0  }
0x5c: {  	v0 =	vld.idx.msk [tilespmem:v16+s14+$0x0], $0xffff;
	_ =	sdelay $0x2  }
0x5d: {  	v19 =	vand.u32 $0xFFF, v18;
	_ =	sdelay $0x1  }
0x5e: {  	vm7 =	vlt.s32 v15, $0x1000;
	v20 =	vshll.u32 v0, $0x10;
	v0 =	vand.u32 $0xFFFF0000, v0  }
0x5f: {  	v21 =	vld [tilespmem:s25+$0x450];
	v0 =	vsel vm7, v20, v0  }
0x60: {  	[tilespmem:s25+$0x4430] =	vst v0  }
0x61: {  	v0 =	vld.idx.msk [tilespmem:v19+s14+$0x0], $0xffff;
	_ =	sdelay $0x2  }
0x62: {  	v22 =	vand.u32 $0xFFF, v21;
	_ =	sdelay $0x1  }
0x63: {  	vm8 =	vlt.s32 v18, $0x1000;
	v23 =	vshll.u32 v0, $0x10;
	v0 =	vand.u32 $0xFFFF0000, v0  }
0x64: {  	v24 =	vld [tilespmem:s25+$0x460];
	v0 =	vsel vm8, v23, v0  }
0x65: {  	[tilespmem:s25+$0x4440] =	vst v0  }
0x66: {  	v0 =	vld.idx.msk [tilespmem:v22+s14+$0x0], $0xffff;
	_ =	sdelay $0x2  }
0x67: {  	v25 =	vand.u32 $0xFFF, v24;
	_ =	sdelay $0x1  }
0x68: {  	vm9 =	vlt.s32 v21, $0x1000;
	v26 =	vshll.u32 v0, $0x10;
	v0 =	vand.u32 $0xFFFF0000, v0  }
0x69: {  	v27 =	vld [tilespmem:s25+$0x470];
	v0 =	vsel vm9, v26, v0  }
0x6a: {  	[tilespmem:s25+$0x4450] =	vst v0  }
0x6b: {  	v0 =	vld.idx.msk [tilespmem:v25+s14+$0x0], $0xffff;
	_ =	sdelay $0x2  }
0x6c: {  	v28 =	vand.u32 $0xFFF, v27;
	_ =	sdelay $0x1  }
0x6d: {  	vm10 =	vlt.s32 v24, $0x1000;
	v29 =	vshll.u32 v0, $0x10;
	v0 =	vand.u32 $0xFFFF0000, v0  }
0x6e: {  	v0 =	vsel vm10, v29, v0  }
0x6f: {  	[tilespmem:s25+$0x4460] =	vst v0  }
0x70: {  	v0 =	vld.idx.msk [tilespmem:v28+s14+$0x0], $0xffff;
	_ =	sdelay $0x2  }
0x71: {  	p0 =	seq.s32 s23, $0x1F00  }
0x72: {  	s26 =	sadd.s32 @!p0 $0x20, s21  }
0x73: {  	s28 =	sadd.s32 @!p0 $0x400, s20;
	s26 =	sand.u32 @!p0 $0x60, s26;
	vm11 =	vlt.s32 v27, $0x1000;
	v30 =	vshll.u32 v0, $0x10;
	v0 =	vand.u32 $0xFFFF0000, v0  }
0x74: {  	s29 =	simm.s32 @!p0 $0x8000;
	s28 =	sand.u32 @!p0 $0xFFFF000, s28;
	s26 =	sadd.s32 @!p0 s3, s26;
	v0 =	vsel vm11, v30, v0  }
0x75: {  	s26 =	sadd.s32 @!p0 s28, s26;
	s28 =	simm.s32 @!p0 $0x400;
	[tilespmem:s25+$0x4470] =	vst v0;
	s25 =	simm.s32 @!p0 $0x80  }
0x76: {  	[tilespmem:s29], [sflag:$0x1] =	stream.strided.gather @!p0 [hbm4b:s26+s25], $0x1000, s28, s25, $0x38;
	[tilespmem:$0xA000] =	vst v63  }
0x77: {  	s28 =	sadd.s32 $0x80, s23;
	_ =	swait.ge [sflag:s17], $0x1000  }
0x78: {  	s25 =	sand.u32 $0x380, s28;
	[sflag:s17] =	ssyncset.done $0x0  }
0x79: {  	s24 =	sor.u32 s24, s25;
	[sflag:s17] =	ssyncadd.s32 $0xFFFFF000  }
0x7a: {  	v31 =	vld [tilespmem:s24+$0x0];
	_ =	sdelay $0x4  }
0x7b: {  	v32 =	vand.u32 $0xFFF, v31;
	_ =	sdelay $0x4  }
0x7c: {  	v1 =	vld.idx.msk [tilespmem:v32+s15+$0x0], $0xffff;
	_ =	sdelay $0x4  }
0x7d: {  	vm12 =	vlt.s32 v31, $0x1000;
	v33 =	vshll.u32 v1, $0x10;
	v1 =	vand.u32 $0xFFFF0000, v1  }
0x7e: {  	v0 =	vsel vm12, v33, v1  }
0x7f: {  	s25 =	sor.u32 $0x10, s24;
	[tilespmem:s24+$0x4000] =	vst v0  }
0x80: {  	v0 =	vld [tilespmem:s25+$0x0];
	_ =	sdelay $0x4  }
0x81: {  	v34 =	vand.u32 $0xFFF, v0;
	_ =	sdelay $0x4  }
0x82: {  	v1 =	vld.idx.msk [tilespmem:v34+s15+$0x0], $0xffff;
	_ =	sdelay $0x4  }
0x83: {  	vm13 =	vlt.s32 v0, $0x1000;
	v35 =	vshll.u32 v1, $0x10;
	v1 =	vand.u32 $0xFFFF0000, v1  }
0x84: {  	s29 =	sor.u32 $0x4010, s24;
	v0 =	vsel vm13, v35, v1  }
0x85: {  	s30 =	sor.u32 $0x20, s24;
	[tilespmem:s29+$0x0] =	vst v0  }
0x86: {  	v0 =	vld [tilespmem:s30+$0x0];
	_ =	sdelay $0x4  }
0x87: {  	v36 =	vand.u32 $0xFFF, v0;
	_ =	sdelay $0x4  }
0x88: {  	v1 =	vld.idx.msk [tilespmem:v36+s15+$0x0], $0xffff;
	_ =	sdelay $0x4  }
0x89: {  	vm14 =	vlt.s32 v0, $0x1000;
	v37 =	vshll.u32 v1, $0x10;
	v1 =	vand.u32 $0xFFFF0000, v1  }
0x8a: {  	s31 =	sor.u32 $0x4020, s24;
	v0 =	vsel vm14, v37, v1  }
0x8b: {  	s26 =	sor.u32 $0x30, s24;
	[tilespmem:s31+$0x0] =	vst v0  }
0x8c: {  	v0 =	vld [tilespmem:s26+$0x0];
	_ =	sdelay $0x4  }
0x8d: {  	v38 =	vand.u32 $0xFFF, v0;
	_ =	sdelay $0x4  }
0x8e: {  	v1 =	vld.idx.msk [tilespmem:v38+s15+$0x0], $0xffff;
	_ =	sdelay $0x4  }
0x8f: {  	vm15 =	vlt.s32 v0, $0x1000;
	v39 =	vshll.u32 v1, $0x10;
	v1 =	vand.u32 $0xFFFF0000, v1  }
0x90: {  	s28 =	sor.u32 $0x4030, s24;
	v0 =	vsel vm15, v39, v1  }
0x91: {  	s29 =	sor.u32 $0x40, s24;
	[tilespmem:s28+$0x0] =	vst v0  }
0x92: {  	v0 =	vld [tilespmem:s29+$0x0];
	_ =	sdelay $0x4  }
0x93: {  	v40 =	vand.u32 $0xFFF, v0;
	_ =	sdelay $0x4  }
0x94: {  	v1 =	vld.idx.msk [tilespmem:v40+s15+$0x0], $0xffff;
	_ =	sdelay $0x4  }
0x95: {  	vm4 =	vlt.s32 v0, $0x1000;
	v41 =	vshll.u32 v1, $0x10;
	v1 =	vand.u32 $0xFFFF0000, v1  }
0x96: {  	s30 =	sor.u32 $0x4040, s24;
	v0 =	vsel vm4, v41, v1  }
0x97: {  	s31 =	sor.u32 $0x50, s24;
	[tilespmem:s30+$0x0] =	vst v0  }
0x98: {  	v0 =	vld [tilespmem:s31+$0x0];
	_ =	sdelay $0x4  }
0x99: {  	v42 =	vand.u32 $0xFFF, v0;
	_ =	sdelay $0x4  }
0x9a: {  	v1 =	vld.idx.msk [tilespmem:v42+s15+$0x0], $0xffff;
	_ =	sdelay $0x4  }
0x9b: {  	vm5 =	vlt.s32 v0, $0x1000;
	v43 =	vshll.u32 v1, $0x10;
	v1 =	vand.u32 $0xFFFF0000, v1  }
0x9c: {  	s26 =	sor.u32 $0x4050, s24;
	v0 =	vsel vm5, v43, v1  }
0x9d: {  	s28 =	sor.u32 $0x60, s24;
	[tilespmem:s26+$0x0] =	vst v0  }
0x9e: {  	v0 =	vld [tilespmem:s28+$0x0];
	_ =	sdelay $0x4  }
0x9f: {  	v44 =	vand.u32 $0xFFF, v0;
	_ =	sdelay $0x4  }
0xa0: {  	v1 =	vld.idx.msk [tilespmem:v44+s15+$0x0], $0xffff;
	_ =	sdelay $0x4  }
0xa1: {  	vm6 =	vlt.s32 v0, $0x1000;
	v45 =	vshll.u32 v1, $0x10;
	v1 =	vand.u32 $0xFFFF0000, v1  }
0xa2: {  	s29 =	sor.u32 $0x4060, s24;
	v0 =	vsel vm6, v45, v1  }
0xa3: {  	s30 =	sor.u32 $0x70, s24;
	[tilespmem:s29+$0x0] =	vst v0  }
0xa4: {  	v0 =	vld [tilespmem:s30+$0x0];
	_ =	sdelay $0x4  }
0xa5: {  	v46 =	vand.u32 $0xFFF, v0;
	_ =	sdelay $0x4  }
0xa6: {  	v1 =	vld.idx.msk [tilespmem:v46+s15+$0x0], $0xffff;
	_ =	sdelay $0x4  }
0xa7: {  	vm7 =	vlt.s32 v0, $0x1000;
	v47 =	vshll.u32 v1, $0x10;
	v1 =	vand.u32 $0xFFFF0000, v1  }
0xa8: {  	s31 =	sor.u32 $0x4070, s24;
	v0 =	vsel vm7, v47, v1  }
0xa9: {  	s26 =	sor.u32 $0x400, s24;
	[tilespmem:s31+$0x0] =	vst v0  }
0xaa: {  	v0 =	vld [tilespmem:s26+$0x0];
	_ =	sdelay $0x4  }
0xab: {  	v48 =	vand.u32 $0xFFF, v0;
	_ =	sdelay $0x4  }
0xac: {  	v1 =	vld.idx.msk [tilespmem:v48+s15+$0x0], $0xffff;
	_ =	sdelay $0x4  }
0xad: {  	vm8 =	vlt.s32 v0, $0x1000;
	v49 =	vshll.u32 v1, $0x10;
	v1 =	vand.u32 $0xFFFF0000, v1  }
0xae: {  	s28 =	sor.u32 $0x4400, s24;
	v0 =	vsel vm8, v49, v1  }
0xaf: {  	s29 =	sor.u32 $0x410, s24;
	[tilespmem:s28+$0x0] =	vst v0  }
0xb0: {  	v0 =	vld [tilespmem:s29+$0x0];
	_ =	sdelay $0x4  }
0xb1: {  	v50 =	vand.u32 $0xFFF, v0;
	_ =	sdelay $0x4  }
0xb2: {  	v1 =	vld.idx.msk [tilespmem:v50+s15+$0x0], $0xffff;
	_ =	sdelay $0x4  }
0xb3: {  	vm9 =	vlt.s32 v0, $0x1000;
	v51 =	vshll.u32 v1, $0x10;
	v1 =	vand.u32 $0xFFFF0000, v1  }
0xb4: {  	s30 =	sor.u32 $0x4410, s24;
	v0 =	vsel vm9, v51, v1  }
0xb5: {  	s31 =	sor.u32 $0x420, s24;
	[tilespmem:s30+$0x0] =	vst v0  }
0xb6: {  	v0 =	vld [tilespmem:s31+$0x0];
	_ =	sdelay $0x4  }
0xb7: {  	v52 =	vand.u32 $0xFFF, v0;
	_ =	sdelay $0x4  }
0xb8: {  	v1 =	vld.idx.msk [tilespmem:v52+s15+$0x0], $0xffff;
	_ =	sdelay $0x4  }
0xb9: {  	vm10 =	vlt.s32 v0, $0x1000;
	v53 =	vshll.u32 v1, $0x10;
	v1 =	vand.u32 $0xFFFF0000, v1  }
0xba: {  	s26 =	sor.u32 $0x4420, s24;
	v0 =	vsel vm10, v53, v1  }
0xbb: {  	s28 =	sor.u32 $0x430, s24;
	[tilespmem:s26+$0x0] =	vst v0  }
0xbc: {  	v0 =	vld [tilespmem:s28+$0x0];
	_ =	sdelay $0x4  }
0xbd: {  	v54 =	vand.u32 $0xFFF, v0;
	_ =	sdelay $0x4  }
0xbe: {  	v1 =	vld.idx.msk [tilespmem:v54+s15+$0x0], $0xffff;
	_ =	sdelay $0x4  }
0xbf: {  	vm11 =	vlt.s32 v0, $0x1000;
	v55 =	vshll.u32 v1, $0x10;
	v1 =	vand.u32 $0xFFFF0000, v1  }
0xc0: {  	s29 =	sor.u32 $0x4430, s24;
	v0 =	vsel vm11, v55, v1  }
0xc1: {  	s30 =	sor.u32 $0x440, s24;
	[tilespmem:s29+$0x0] =	vst v0  }
0xc2: {  	v0 =	vld [tilespmem:s30+$0x0];
	_ =	sdelay $0x4  }
0xc3: {  	v56 =	vand.u32 $0xFFF, v0;
	_ =	sdelay $0x4  }
0xc4: {  	v1 =	vld.idx.msk [tilespmem:v56+s15+$0x0], $0xffff;
	_ =	sdelay $0x4  }
0xc5: {  	vm12 =	vlt.s32 v0, $0x1000;
	v57 =	vshll.u32 v1, $0x10;
	v1 =	vand.u32 $0xFFFF0000, v1  }
0xc6: {  	s31 =	sor.u32 $0x4440, s24;
	v0 =	vsel vm12, v57, v1  }
0xc7: {  	s26 =	sor.u32 $0x450, s24;
	[tilespmem:s31+$0x0] =	vst v0  }
0xc8: {  	v0 =	vld [tilespmem:s26+$0x0];
	_ =	sdelay $0x4  }
0xc9: {  	v58 =	vand.u32 $0xFFF, v0;
	_ =	sdelay $0x4  }
0xca: {  	v1 =	vld.idx.msk [tilespmem:v58+s15+$0x0], $0xffff;
	_ =	sdelay $0x4  }
0xcb: {  	vm13 =	vlt.s32 v0, $0x1000;
	v59 =	vshll.u32 v1, $0x10;
	v1 =	vand.u32 $0xFFFF0000, v1  }
0xcc: {  	s28 =	sor.u32 $0x4450, s24;
	v0 =	vsel vm13, v59, v1  }
0xcd: {  	s29 =	sor.u32 $0x460, s24;
	[tilespmem:s28+$0x0] =	vst v0  }
0xce: {  	v0 =	vld [tilespmem:s29+$0x0];
	_ =	sdelay $0x4  }
0xcf: {  	v60 =	vand.u32 $0xFFF, v0;
	_ =	sdelay $0x4  }
0xd0: {  	v1 =	vld.idx.msk [tilespmem:v60+s15+$0x0], $0xffff;
	_ =	sdelay $0x4  }
0xd1: {  	vm14 =	vlt.s32 v0, $0x1000;
	v61 =	vshll.u32 v1, $0x10;
	v1 =	vand.u32 $0xFFFF0000, v1  }
0xd2: {  	s30 =	sor.u32 $0x4460, s24;
	v0 =	vsel vm14, v61, v1  }
0xd3: {  	s31 =	sor.u32 $0x470, s24;
	[tilespmem:s30+$0x0] =	vst v0  }
0xd4: {  	v0 =	vld [tilespmem:s31+$0x0];
	_ =	sdelay $0x4  }
0xd5: {  	v62 =	vand.u32 $0xFFF, v0;
	_ =	sdelay $0x4  }
0xd6: {  	v1 =	vld.idx.msk [tilespmem:v62+s15+$0x0], $0xffff;
	_ =	sdelay $0x2  }
.Ltmp2:
0xd7: {  	_ = 	snop;
	(pc) =	sbr.rel @p0 .LBB2_4-.Ltmp2, $4  }
0xd8: {  	_ = 	snop  }
0xd9: {  	vm15 =	vlt.s32 v0, $0x1000;
	v63 =	vshll.u32 v1, $0x10;
	v1 =	vand.u32 $0xFFFF0000, v1  }
0xda: {  	s24 =	sor.u32 $0x4470, s24;
	v0 =	vsel vm15, v63, v1  }
0xdb: {  	[tilespmem:s24+$0x0] =	vst v0  }
.Ltmp3:
0xdc: {  	s24 =	sadd.s32 $0x30, s21;
	(pc) =	sbr.rel .LBB2_2-.Ltmp3, $4  }
0xdd: {  	s25 =	sadd.s32 $0x600, s20;
	s23 =	sadd.s32 $0x100, s23;
	s24 =	sand.u32 $0x70, s24  }
0xde: {  	s22 =	sadd.s32 $0x200, s22;
	s25 =	sand.u32 $0xFFFF000, s25;
	s24 =	sadd.s32 s3, s24  }
0xdf: {  	s21 =	sadd.s32 $0x20, s21;
	s20 =	sadd.s32 $0x400, s20;
	s24 =	sadd.s32 s25, s24  }
0xe0: {  	[tilespmem:s15], [sflag:$0x2] =	stream.strided.gather [hbm4b:s24+s12], $0x1000, s13, s12, $0x38;
	[tilespmem:$0xA000] =	vst v63  }
.LBB2_5:
0xe1: {  	_ =	sfence.sel $0x180000  }
0xe2: {  	[bflag:$0x0] =	sbarrier.arrive $0xFFFF  }
0xe3: {  	p0 =	sne.s32 s1, $0x0;
	_ =	strace $0x9000004A  }
0xe4: {  	s0 =	sadd.s32 @!p0 $0x100000, s0;
	[bflag:$0x2] =	sbarrier.arrive $0xFFFF  }
0xe5: {  	[sflag:s0] =	ssyncadd.tile.s32 @!p0 $0x1;
	_ =	shalt  }
.Lfunc_end2:
_tile_overlayer_lowered:
.L_overlay_start_2:
0xe6: {  	(tag) =	ssettag $0x2  }
0xe7: {  	s0 =	rddreg [dreg:$0x0];
	s2 =	stileid.u32  }
0xe8: {  	s1 =	rddreg [dreg:$0x1];
	p0 =	sne.s32 s2, $0x0  }
0xe9: {  	s3 =	rddreg [dreg:$0x2];
	[bflag:$0x3] =	sbarrier.arrive $0xFFFF;
	s2 =	simm.s32 @!p0 $0x1C03  }
0xea: {  	[timem:s3], [sflag:s2] =	dma.local @!p0 [hbm:s0], s1  }
0xeb: {  	s0 =	simm.s32 @!p0 $0x3  }
0xec: {  	_ =	swait.ge @!p0 [sflag:s0], s1  }
0xed: {  	s1 =	ssub.s32 @!p0 $0x0, s1;
	[sflag:s0] =	ssyncset.done @!p0 $0x0  }
0xee: {  	[sflag:s0] =	ssyncadd.s32 @!p0 s1  }
0xef: {  	[bflag:$0x3] =	sbarrier.arrive $0xFFFF  }
0xf0: {  	_ =	shalt  }

</sc_bundles>
